<compile_context>
chip_gen: v7x
topology: tpu7x:2x2x1
jax: 0.10.2.dev20260603
libtpu: 0.0.44.dev20260713+nightly
codegen_flags: <defaults>
</compile_context>

<pallas_src>
import functools

import jax
import jax.numpy as jnp
from jax import lax
from jax.experimental import pallas as pl
from jax.experimental.pallas import tpu as pltpu
from jax.experimental.pallas import tpu_sc as plsc

N_NODES = 10000
N_EDGES = 320000
D = 128
DH = 64

NC = 2
NS = 16

EPT = N_EDGES // NS
CH = 64
EPT_P = 20480
NCHUNK = EPT_P // CH
BPB = 8
NIB = NCHUNK // BPB
NBUF = 4
TRASH = N_NODES
SPA = 10112
XR = SPA
XPT = XR // NS
APT = SPA // NS


def _sc_aggregate(xh0, xh1, src, dst, zrows):
  mesh = plsc.VectorSubcoreMesh(core_axis_name="c", subcore_axis_name="s")

  @functools.partial(
      pl.kernel,
      out_type=(jax.ShapeDtypeStruct((SPA, DH), jnp.float32),
                jax.ShapeDtypeStruct((SPA, DH), jnp.float32)),
      mesh=mesh,
      compiler_params=pltpu.CompilerParams(use_tc_tiling_on_sc=False),
      scratch_types=[
          pltpu.VMEM((2, BPB, CH), jnp.int32),
          pltpu.VMEM((2, BPB, CH), jnp.int32),
          pltpu.VMEM((NBUF, CH, DH), jnp.float32),
          pltpu.VMEM_SHARED((XR, DH), jnp.float32),
          pltpu.VMEM_SHARED((SPA, DH), jnp.float32),
      ] + [pltpu.SemaphoreType.DMA] * 11,
  )
  def agg_kernel(xh0_hbm, xh1_hbm, src_hbm, dst_hbm, z_hbm,
                 out0_hbm, out1_hbm,
                 sring, dring, rows_v, xsh, ash, *sems):
    c = lax.axis_index("c")
    s = lax.axis_index("s")
    isems = sems[0:2]
    gsems = sems[2:2 + NBUF]
    ssems = sems[2 + NBUF:2 + 2 * NBUF]
    zsem = sems[2 + 2 * NBUF]
    x2 = xsh
    a2 = ash

    @pl.when(c == 0)
    def _():
      pltpu.async_copy(xh0_hbm.at[pl.ds(s * XPT, XPT)],
                       xsh.at[pl.ds(s * XPT, XPT)], zsem)

    @pl.when(c == 1)
    def _():
      pltpu.async_copy(xh1_hbm.at[pl.ds(s * XPT, XPT)],
                       xsh.at[pl.ds(s * XPT, XPT)], zsem)

    pltpu.sync_copy(z_hbm.at[pl.ds(s * APT, APT)],
                    ash.at[pl.ds(s * APT, APT)])
    pltpu.make_async_copy(xh0_hbm.at[pl.ds(s * XPT, XPT)],
                          xsh.at[pl.ds(s * XPT, XPT)], zsem).wait()
    plsc.subcore_barrier()

    def load_idx(b, bs, wait):
      a = pltpu.make_async_copy(src_hbm.at[s, b], sring.at[bs], isems[bs])
      d = pltpu.make_async_copy(dst_hbm.at[s, b], dring.at[bs], isems[bs])
      if wait:
        a.wait()
        d.wait()
      else:
        a.start()
        d.start()

    def start_gather(bs, k, buf):
      pltpu.async_copy(x2.at[sring.at[bs, k]], rows_v.at[buf], gsems[buf])

    def wait_gather(bs, k, buf):
      pltpu.make_async_copy(x2.at[sring.at[bs, k]], rows_v.at[buf],
                            gsems[buf]).wait()

    def start_scatter(bs, k, buf):
      pltpu.async_copy(rows_v.at[buf], a2.at[dring.at[bs, k]],
                       ssems[buf], add=True)

    def wait_scatter(bs, k, buf):
      pltpu.make_async_copy(rows_v.at[buf], a2.at[dring.at[bs, k]],
                            ssems[buf]).wait()

    def do_chunk(b, bs, k, first, last_block):
      buf = k % NBUF
      g_has_next = not (last_block and k + NBUF - 1 >= BPB)
      if k >= 1:
        wait_scatter(bs, k - 1, (k - 1) % NBUF)
      elif not first:
        wait_scatter(1 - bs, BPB - 1, (BPB - 1) % NBUF)
      if g_has_next:
        nk = k + NBUF - 1
        if nk < BPB:
          start_gather(bs, nk, nk % NBUF)
        else:
          if nk == BPB:
            load_idx(b + 1, 1 - bs, True)
          start_gather(1 - bs, nk - BPB, nk % NBUF)
      wait_gather(bs, k, buf)
      start_scatter(bs, k, buf)
      if k == 3 and not last_block:
        load_idx(b + 1, 1 - bs, False)

    load_idx(0, 0, False)
    load_idx(0, 0, True)
    for g in range(NBUF - 1):
      start_gather(0, g, g % NBUF)

    for k in range(BPB):
      do_chunk(0, 0, k, True, False)

    def block_pair(bp, _):
      for half, bs in ((1, 1), (2, 0)):
        b = bp * 2 + half
        for k in range(BPB):
          do_chunk(b, bs, k, False, False)
      return ()

    lax.fori_loop(0, (NIB - 2) // 2, block_pair, ())
    for k in range(BPB):
      do_chunk(NIB - 1, 1, k, False, True)
    wait_scatter(1, BPB - 1, (BPB - 1) % NBUF)

    plsc.subcore_barrier()

    @pl.when(c == 0)
    def _():
      pltpu.sync_copy(ash.at[pl.ds(s * APT, APT)],
                      out0_hbm.at[pl.ds(s * APT, APT)])

    @pl.when(c == 1)
    def _():
      pltpu.sync_copy(ash.at[pl.ds(s * APT, APT)],
                      out1_hbm.at[pl.ds(s * APT, APT)])

  return agg_kernel(xh0, xh1, src, dst, zrows)


ROW_BLK = 1000


def _mlp_kernel(x_ref, a_ref, w1_ref, b1_ref, w2_ref, b2_ref, out_ref):
  h = x_ref[...] + a_ref[...]
  h = lax.dot_general(h, w1_ref[...], (((1,), (1,)), ((), ())),
                      preferred_element_type=jnp.float32) + b1_ref[...]
  h = jnp.maximum(h, 0.0)
  out_ref[...] = lax.dot_general(h, w2_ref[...], (((1,), (1,)), ((), ())),
                                 preferred_element_type=jnp.float32) + b2_ref[...]


def _tc_mlp(x, agg, W1, b1, W2, b2):
  grid = (N_NODES // ROW_BLK,)
  blk = lambda i: (i, 0)
  fixed = lambda i: (0, 0)
  return pl.pallas_call(
      _mlp_kernel,
      grid=grid,
      in_specs=[
          pl.BlockSpec((ROW_BLK, D), blk),
          pl.BlockSpec((ROW_BLK, D), blk),
          pl.BlockSpec((D, D), fixed),
          pl.BlockSpec((1, D), fixed),
          pl.BlockSpec((D, D), fixed),
          pl.BlockSpec((1, D), fixed),
      ],
      out_specs=pl.BlockSpec((ROW_BLK, D), blk),
      out_shape=jax.ShapeDtypeStruct((N_NODES, D), jnp.float32),
  )(x, agg, W1, b1, W2, b2)


@jax.jit
def kernel(x, edge_index, W1, b1, W2, b2):
  pad = EPT_P - EPT
  src = edge_index[0].astype(jnp.int32).reshape(NS, EPT)
  dst = edge_index[1].astype(jnp.int32).reshape(NS, EPT)
  src = jnp.pad(src, ((0, 0), (0, pad))).reshape(NS, NIB, BPB, CH)
  dst = jnp.pad(dst, ((0, 0), (0, pad)),
                constant_values=TRASH).reshape(NS, NIB, BPB, CH)
  xpad = jnp.pad(x, ((0, SPA - N_NODES), (0, 0)))
  xh0 = xpad[:, :DH]
  xh1 = xpad[:, DH:]
  zrows = jnp.zeros((SPA, DH), jnp.float32)
  a0, a1 = _sc_aggregate(xh0, xh1, src, dst, zrows)
  agg = jnp.concatenate([a0[:N_NODES], a1[:N_NODES]], axis=1)
  return _tc_mlp(x, agg, W1, b1.reshape(1, D), W2, b2.reshape(1, D))

# --- scband reference (transcript-rebuilt; emitter-appended) ---
"""Pipeline reference for scband-ginlayer-39273180954647 (READ-ONLY COPY).

The authoritative reference and input builder live on the scoring server;
editing this copy changes nothing except your own understanding.
"""

import jax, jax.numpy as jnp
import numpy as np

N_NODES = 10000
N_EDGES = 320000
D_IN = 128
D_HID = 128
D_OUT = 128

def setup_inputs(seed: int = 0) -> dict:
    key = jax.random.key(seed)
    k1, k2, k3, k4, k5, k6 = jax.random.split(key, 6)
    x = jax.random.normal(k1, (N_NODES, D_IN), dtype=jnp.float32)
    edge_index = jax.random.randint(k2, (2, N_EDGES), 0, N_NODES, dtype=jnp.int64)
    # MLP params (nn.Linear stores weight [out, in]; we keep that convention)
    lim1 = 1.0 / np.sqrt(D_IN)
    W1 = jax.random.uniform(k3, (D_HID, D_IN), minval=-lim1, maxval=lim1, dtype=jnp.float32)
    b1 = jax.random.uniform(k4, (D_HID,), minval=-lim1, maxval=lim1, dtype=jnp.float32)
    lim2 = 1.0 / np.sqrt(D_HID)
    W2 = jax.random.uniform(k5, (D_OUT, D_HID), minval=-lim2, maxval=lim2, dtype=jnp.float32)
    b2 = jax.random.uniform(k6, (D_OUT,), minval=-lim2, maxval=lim2, dtype=jnp.float32)
    return {"x": x, "edge_index": edge_index, "W1": W1, "b1": b1, "W2": W2, "b2": b2}

def reference(x, edge_index, W1, b1, W2, b2):
    # GINConv with default eps=0: out = MLP((1 + eps) * x + sum_{j in N(i)} x_j)
    src = edge_index[0]
    dst = edge_index[1]
    messages = jnp.take(x, src, axis=0)                      # gather: [E, D]
    agg = jax.ops.segment_sum(messages, dst, num_segments=N_NODES)  # scatter-add
    h = x + agg  # (1 + eps) * x with eps = 0
    h = h @ W1.T + b1
    h = jax.nn.relu(h)
    out = h @ W2.T + b2
    return out

if __name__ == "__main__":
    import jax
    _d = setup_inputs()
    print(jax.jit(kernel)(*tuple(_d.values())))

</pallas_src>

<mosaic_0001>
#map = affine_map<(d0, d1) -> (0, 0)>
#map1 = affine_map<(d0, d1) -> (0, 0, 0, 0)>
module attributes {stable_mosaic.version = 14 : i64} {
  func.func @agg_kernel(%arg0: i32, %arg1: i32, %arg2: memref<10112x64xf32, #tpu.memory_space<hbm>>, %arg3: memref<10112x64xf32, #tpu.memory_space<hbm>>, %arg4: memref<16x40x8x64xi32, #tpu.memory_space<hbm>>, %arg5: memref<16x40x8x64xi32, #tpu.memory_space<hbm>>, %arg6: memref<10112x64xf32, #tpu.memory_space<hbm>>, %arg7: memref<10112x64xf32, #tpu.memory_space<hbm>>, %arg8: memref<10112x64xf32, #tpu.memory_space<hbm>>, %arg9: memref<2x8x64xi32, #tpu.memory_space<vmem>>, %arg10: memref<2x8x64xi32, #tpu.memory_space<vmem>>, %arg11: memref<4x64x64xf32, #tpu.memory_space<vmem>>, %arg12: memref<10112x64xf32, #tpu.memory_space<vmem_shared>>, %arg13: memref<10112x64xf32, #tpu.memory_space<vmem_shared>>, %arg14: memref<!tpu.dma_semaphore, #tpu.memory_space<semaphore_mem>>, %arg15: memref<!tpu.dma_semaphore, #tpu.memory_space<semaphore_mem>>, %arg16: memref<!tpu.dma_semaphore, #tpu.memory_space<semaphore_mem>>, %arg17: memref<!tpu.dma_semaphore, #tpu.memory_space<semaphore_mem>>, %arg18: memref<!tpu.dma_semaphore, #tpu.memory_space<semaphore_mem>>, %arg19: memref<!tpu.dma_semaphore, #tpu.memory_space<semaphore_mem>>, %arg20: memref<!tpu.dma_semaphore, #tpu.memory_space<semaphore_mem>>, %arg21: memref<!tpu.dma_semaphore, #tpu.memory_space<semaphore_mem>>, %arg22: memref<!tpu.dma_semaphore, #tpu.memory_space<semaphore_mem>>, %arg23: memref<!tpu.dma_semaphore, #tpu.memory_space<semaphore_mem>>, %arg24: memref<!tpu.dma_semaphore, #tpu.memory_space<semaphore_mem>>) attributes {dimension_semantics = [#tpu.dimension_semantics<core_parallel>, #tpu.dimension_semantics<subcore_parallel>], iteration_bounds = array<i64: 2, 16>, scalar_prefetch = 0 : i64, scratch_operands = 16 : i64, tpu.core_type = #tpu.core_type<sc_vector_subcore>, window_params = [{transform_indices = #map}, {transform_indices = #map}, {transform_indices = #map1}, {transform_indices = #map1}, {transform_indices = #map}, {transform_indices = #map}, {transform_indices = #map}]} {
    %eq3A = arith.constant 0 : i32
    %eq3A_0 = arith.cmpi eq, %arg0, %eq3A : i32
    %convert_element_type3A = arith.extui %eq3A_0 : i1 to i32
    %cond3A = arith.constant 0 : i32
    %cond3A_1 = arith.cmpi ne, %convert_element_type3A, %cond3A : i32
    scf.if %cond3A_1 {
      %mul3A_1007 = arith.constant 632 : i32
      %mul3A_1008 = arith.muli %arg1, %mul3A_1007 : i32
      %mul3A_1009 = arith.constant 632 : i32
      %mul3A_1010 = arith.muli %arg1, %mul3A_1009 : i32
      %dma_start3A_1011 = arith.constant 0 : i32
      %dma_start3A_1012 = tpu.memref_slice %arg12[%mul3A_1010, %dma_start3A_1011] : memref<10112x64xf32, #tpu.memory_space<vmem_shared>> -> memref<632x64xf32, #tpu.memory_space<vmem_shared>>
      %dma_start3A_1013 = arith.constant 0 : i32
      %dma_start3A_1014 = tpu.memref_slice %arg2[%mul3A_1008, %dma_start3A_1013] : memref<10112x64xf32, #tpu.memory_space<hbm>> -> memref<632x64xf32, #tpu.memory_space<hbm>>
      tpu.enqueue_dma source(%dma_start3A_1014 : memref<632x64xf32, #tpu.memory_space<hbm>>) target(%dma_start3A_1012 : memref<632x64xf32, #tpu.memory_space<vmem_shared>>) target_semaphore(%arg24 : memref<!tpu.dma_semaphore, #tpu.memory_space<semaphore_mem>>)
    } else {
    }
    %eq3A_2 = arith.constant 1 : i32
    %eq3A_3 = arith.cmpi eq, %arg0, %eq3A_2 : i32
    %convert_element_type3A_4 = arith.extui %eq3A_3 : i1 to i32
    %cond3A_5 = arith.constant 0 : i32
    %cond3A_6 = arith.cmpi ne, %convert_element_type3A_4, %cond3A_5 : i32
    scf.if %cond3A_6 {
      %mul3A_1007 = arith.constant 632 : i32
      %mul3A_1008 = arith.muli %arg1, %mul3A_1007 : i32
      %mul3A_1009 = arith.constant 632 : i32
      %mul3A_1010 = arith.muli %arg1, %mul3A_1009 : i32
      %dma_start3A_1011 = arith.constant 0 : i32
      %dma_start3A_1012 = tpu.memref_slice %arg12[%mul3A_1010, %dma_start3A_1011] : memref<10112x64xf32, #tpu.memory_space<vmem_shared>> -> memref<632x64xf32, #tpu.memory_space<vmem_shared>>
      %dma_start3A_1013 = arith.constant 0 : i32
      %dma_start3A_1014 = tpu.memref_slice %arg3[%mul3A_1008, %dma_start3A_1013] : memref<10112x64xf32, #tpu.memory_space<hbm>> -> memref<632x64xf32, #tpu.memory_space<hbm>>
      tpu.enqueue_dma source(%dma_start3A_1014 : memref<632x64xf32, #tpu.memory_space<hbm>>) target(%dma_start3A_1012 : memref<632x64xf32, #tpu.memory_space<vmem_shared>>) target_semaphore(%arg24 : memref<!tpu.dma_semaphore, #tpu.memory_space<semaphore_mem>>)
    } else {
    }
    %mul3A = arith.constant 632 : i32
    %mul3A_7 = arith.muli %arg1, %mul3A : i32
    %mul3A_8 = arith.constant 632 : i32
    %mul3A_9 = arith.muli %arg1, %mul3A_8 : i32
    "tpu.region"() ({
      %run_scoped3A = tpu.sem_alloc : memref<!tpu.dma_semaphore, #tpu.memory_space<semaphore_mem>>
      %dma_start3A_1007 = arith.constant 0 : i32
      %dma_start3A_1008 = tpu.memref_slice %arg13[%mul3A_9, %dma_start3A_1007] : memref<10112x64xf32, #tpu.memory_space<vmem_shared>> -> memref<632x64xf32, #tpu.memory_space<vmem_shared>>
      %dma_start3A_1009 = arith.constant 0 : i32
      %dma_start3A_1010 = tpu.memref_slice %arg6[%mul3A_7, %dma_start3A_1009] : memref<10112x64xf32, #tpu.memory_space<hbm>> -> memref<632x64xf32, #tpu.memory_space<hbm>>
      tpu.enqueue_dma source(%dma_start3A_1010 : memref<632x64xf32, #tpu.memory_space<hbm>>) target(%dma_start3A_1008 : memref<632x64xf32, #tpu.memory_space<vmem_shared>>) target_semaphore(%run_scoped3A : memref<!tpu.dma_semaphore, #tpu.memory_space<semaphore_mem>>)
      %dma_wait3A_1011 = arith.constant 0 : i32
      %dma_wait3A_1012 = tpu.memref_slice %arg13[%mul3A_9, %dma_wait3A_1011] : memref<10112x64xf32, #tpu.memory_space<vmem_shared>> -> memref<632x64xf32, #tpu.memory_space<vmem_shared>>
      %dma_wait3A_1013 = arith.constant 0 : i32
      %dma_wait3A_1014 = tpu.memref_slice %arg6[%mul3A_7, %dma_wait3A_1013] : memref<10112x64xf32, #tpu.memory_space<hbm>> -> memref<632x64xf32, #tpu.memory_space<hbm>>
      tpu.wait_dma2 semaphore(%run_scoped3A : memref<!tpu.dma_semaphore, #tpu.memory_space<semaphore_mem>>) src(%dma_wait3A_1014 : memref<632x64xf32, #tpu.memory_space<hbm>>) dst(%dma_wait3A_1012 : memref<632x64xf32, #tpu.memory_space<vmem_shared>>)
      tpu.yield
    }) : () -> ()
    %mul3A_10 = arith.constant 632 : i32
    %mul3A_11 = arith.muli %arg1, %mul3A_10 : i32
    %mul3A_12 = arith.constant 632 : i32
    %mul3A_13 = arith.muli %arg1, %mul3A_12 : i32
    %dma_wait3A = arith.constant 0 : i32
    %dma_wait3A_14 = tpu.memref_slice %arg12[%mul3A_13, %dma_wait3A] : memref<10112x64xf32, #tpu.memory_space<vmem_shared>> -> memref<632x64xf32, #tpu.memory_space<vmem_shared>>
    %dma_wait3A_15 = arith.constant 0 : i32
    %dma_wait3A_16 = tpu.memref_slice %arg2[%mul3A_11, %dma_wait3A_15] : memref<10112x64xf32, #tpu.memory_space<hbm>> -> memref<632x64xf32, #tpu.memory_space<hbm>>
    tpu.wait_dma2 semaphore(%arg24 : memref<!tpu.dma_semaphore, #tpu.memory_space<semaphore_mem>>) src(%dma_wait3A_16 : memref<632x64xf32, #tpu.memory_space<hbm>>) dst(%dma_wait3A_14 : memref<632x64xf32, #tpu.memory_space<vmem_shared>>)
    %barrier3A = arith.constant 0 : index
    tpu.barrier barrier_id(%barrier3A)
    %dma_start3A = arith.constant 0 : i32
    %dma_start3A_17 = arith.constant 0 : i32
    %dma_start3A_18 = arith.constant 0 : i32
    %dma_start3A_19 = arith.constant 0 : i32
    %dma_start3A_20 = tpu.memref_slice %arg9[%dma_start3A_17, %dma_start3A_18, %dma_start3A_19] : memref<2x8x64xi32, #tpu.memory_space<vmem>> -> memref<1x8x64xi32, #tpu.memory_space<vmem>>
    %dma_start3A_21 = tpu.memref_squeeze %dma_start3A_20 : memref<1x8x64xi32, #tpu.memory_space<vmem>> -> memref<8x64xi32, #tpu.memory_space<vmem>>
    %dma_start3A_22 = arith.constant 0 : i32
    %dma_start3A_23 = arith.constant 0 : i32
    %dma_start3A_24 = tpu.memref_slice %arg4[%arg1, %dma_start3A, %dma_start3A_22, %dma_start3A_23] : memref<16x40x8x64xi32, #tpu.memory_space<hbm>> -> memref<1x1x8x64xi32, #tpu.memory_space<hbm>>
    %dma_start3A_25 = tpu.memref_squeeze %dma_start3A_24 : memref<1x1x8x64xi32, #tpu.memory_space<hbm>> -> memref<8x64xi32, #tpu.memory_space<hbm>>
    %dma_start3A_26 = arith.constant 0 : i32
    %dma_start3A_27 = arith.constant 0 : i32
    %dma_start3A_28 = tpu.memref_slice %arg9[%dma_start3A_17, %dma_start3A_26, %dma_start3A_27] : memref<2x8x64xi32, #tpu.memory_space<vmem>> -> memref<1x8x64xi32, #tpu.memory_space<vmem>>
    %dma_start3A_29 = tpu.memref_squeeze %dma_start3A_28 : memref<1x8x64xi32, #tpu.memory_space<vmem>> -> memref<8x64xi32, #tpu.memory_space<vmem>>
    %dma_start3A_30 = arith.constant 0 : i32
    %dma_start3A_31 = arith.constant 0 : i32
    %dma_start3A_32 = tpu.memref_slice %arg4[%arg1, %dma_start3A, %dma_start3A_30, %dma_start3A_31] : memref<16x40x8x64xi32, #tpu.memory_space<hbm>> -> memref<1x1x8x64xi32, #tpu.memory_space<hbm>>
    %dma_start3A_33 = tpu.memref_squeeze %dma_start3A_32 : memref<1x1x8x64xi32, #tpu.memory_space<hbm>> -> memref<8x64xi32, #tpu.memory_space<hbm>>
    tpu.enqueue_dma source(%dma_start3A_33 : memref<8x64xi32, #tpu.memory_space<hbm>>) target(%dma_start3A_29 : memref<8x64xi32, #tpu.memory_space<vmem>>) target_semaphore(%arg14 : memref<!tpu.dma_semaphore, #tpu.memory_space<semaphore_mem>>)
    %dma_start3A_34 = arith.constant 0 : i32
    %dma_start3A_35 = arith.constant 0 : i32
    %dma_start3A_36 = arith.constant 0 : i32
    %dma_start3A_37 = arith.constant 0 : i32
    %dma_start3A_38 = tpu.memref_slice %arg10[%dma_start3A_35, %dma_start3A_36, %dma_start3A_37] : memref<2x8x64xi32, #tpu.memory_space<vmem>> -> memref<1x8x64xi32, #tpu.memory_space<vmem>>
    %dma_start3A_39 = tpu.memref_squeeze %dma_start3A_38 : memref<1x8x64xi32, #tpu.memory_space<vmem>> -> memref<8x64xi32, #tpu.memory_space<vmem>>
    %dma_start3A_40 = arith.constant 0 : i32
    %dma_start3A_41 = arith.constant 0 : i32
    %dma_start3A_42 = tpu.memref_slice %arg5[%arg1, %dma_start3A_34, %dma_start3A_40, %dma_start3A_41] : memref<16x40x8x64xi32, #tpu.memory_space<hbm>> -> memref<1x1x8x64xi32, #tpu.memory_space<hbm>>
    %dma_start3A_43 = tpu.memref_squeeze %dma_start3A_42 : memref<1x1x8x64xi32, #tpu.memory_space<hbm>> -> memref<8x64xi32, #tpu.memory_space<hbm>>
    %dma_start3A_44 = arith.constant 0 : i32
    %dma_start3A_45 = arith.constant 0 : i32
    %dma_start3A_46 = tpu.memref_slice %arg10[%dma_start3A_35, %dma_start3A_44, %dma_start3A_45] : memref<2x8x64xi32, #tpu.memory_space<vmem>> -> memref<1x8x64xi32, #tpu.memory_space<vmem>>
    %dma_start3A_47 = tpu.memref_squeeze %dma_start3A_46 : memref<1x8x64xi32, #tpu.memory_space<vmem>> -> memref<8x64xi32, #tpu.memory_space<vmem>>
    %dma_start3A_48 = arith.constant 0 : i32
    %dma_start3A_49 = arith.constant 0 : i32
    %dma_start3A_50 = tpu.memref_slice %arg5[%arg1, %dma_start3A_34, %dma_start3A_48, %dma_start3A_49] : memref<16x40x8x64xi32, #tpu.memory_space<hbm>> -> memref<1x1x8x64xi32, #tpu.memory_space<hbm>>
    %dma_start3A_51 = tpu.memref_squeeze %dma_start3A_50 : memref<1x1x8x64xi32, #tpu.memory_space<hbm>> -> memref<8x64xi32, #tpu.memory_space<hbm>>
    tpu.enqueue_dma source(%dma_start3A_51 : memref<8x64xi32, #tpu.memory_space<hbm>>) target(%dma_start3A_47 : memref<8x64xi32, #tpu.memory_space<vmem>>) target_semaphore(%arg14 : memref<!tpu.dma_semaphore, #tpu.memory_space<semaphore_mem>>)
    %dma_wait3A_52 = arith.constant 0 : i32
    %dma_wait3A_53 = arith.constant 0 : i32
    %dma_wait3A_54 = arith.constant 0 : i32
    %dma_wait3A_55 = arith.constant 0 : i32
    %dma_wait3A_56 = tpu.memref_slice %arg9[%dma_wait3A_53, %dma_wait3A_54, %dma_wait3A_55] : memref<2x8x64xi32, #tpu.memory_space<vmem>> -> memref<1x8x64xi32, #tpu.memory_space<vmem>>
    %dma_wait3A_57 = tpu.memref_squeeze %dma_wait3A_56 : memref<1x8x64xi32, #tpu.memory_space<vmem>> -> memref<8x64xi32, #tpu.memory_space<vmem>>
    %dma_wait3A_58 = arith.constant 0 : i32
    %dma_wait3A_59 = arith.constant 0 : i32
    %dma_wait3A_60 = tpu.memref_slice %arg4[%arg1, %dma_wait3A_52, %dma_wait3A_58, %dma_wait3A_59] : memref<16x40x8x64xi32, #tpu.memory_space<hbm>> -> memref<1x1x8x64xi32, #tpu.memory_space<hbm>>
    %dma_wait3A_61 = tpu.memref_squeeze %dma_wait3A_60 : memref<1x1x8x64xi32, #tpu.memory_space<hbm>> -> memref<8x64xi32, #tpu.memory_space<hbm>>
    %dma_wait3A_62 = arith.constant 0 : i32
    %dma_wait3A_63 = arith.constant 0 : i32
    %dma_wait3A_64 = tpu.memref_slice %arg9[%dma_wait3A_53, %dma_wait3A_62, %dma_wait3A_63] : memref<2x8x64xi32, #tpu.memory_space<vmem>> -> memref<1x8x64xi32, #tpu.memory_space<vmem>>
    %dma_wait3A_65 = tpu.memref_squeeze %dma_wait3A_64 : memref<1x8x64xi32, #tpu.memory_space<vmem>> -> memref<8x64xi32, #tpu.memory_space<vmem>>
    %dma_wait3A_66 = arith.constant 0 : i32
    %dma_wait3A_67 = arith.constant 0 : i32
    %dma_wait3A_68 = tpu.memref_slice %arg4[%arg1, %dma_wait3A_52, %dma_wait3A_66, %dma_wait3A_67] : memref<16x40x8x64xi32, #tpu.memory_space<hbm>> -> memref<1x1x8x64xi32, #tpu.memory_space<hbm>>
    %dma_wait3A_69 = tpu.memref_squeeze %dma_wait3A_68 : memref<1x1x8x64xi32, #tpu.memory_space<hbm>> -> memref<8x64xi32, #tpu.memory_space<hbm>>
    tpu.wait_dma2 semaphore(%arg14 : memref<!tpu.dma_semaphore, #tpu.memory_space<semaphore_mem>>) src(%dma_wait3A_69 : memref<8x64xi32, #tpu.memory_space<hbm>>) dst(%dma_wait3A_65 : memref<8x64xi32, #tpu.memory_space<vmem>>)
    %dma_wait3A_70 = arith.constant 0 : i32
    %dma_wait3A_71 = arith.constant 0 : i32
    %dma_wait3A_72 = arith.constant 0 : i32
    %dma_wait3A_73 = arith.constant 0 : i32
    %dma_wait3A_74 = tpu.memref_slice %arg10[%dma_wait3A_71, %dma_wait3A_72, %dma_wait3A_73] : memref<2x8x64xi32, #tpu.memory_space<vmem>> -> memref<1x8x64xi32, #tpu.memory_space<vmem>>
    %dma_wait3A_75 = tpu.memref_squeeze %dma_wait3A_74 : memref<1x8x64xi32, #tpu.memory_space<vmem>> -> memref<8x64xi32, #tpu.memory_space<vmem>>
    %dma_wait3A_76 = arith.constant 0 : i32
    %dma_wait3A_77 = arith.constant 0 : i32
    %dma_wait3A_78 = tpu.memref_slice %arg5[%arg1, %dma_wait3A_70, %dma_wait3A_76, %dma_wait3A_77] : memref<16x40x8x64xi32, #tpu.memory_space<hbm>> -> memref<1x1x8x64xi32, #tpu.memory_space<hbm>>
    %dma_wait3A_79 = tpu.memref_squeeze %dma_wait3A_78 : memref<1x1x8x64xi32, #tpu.memory_space<hbm>> -> memref<8x64xi32, #tpu.memory_space<hbm>>
    %dma_wait3A_80 = arith.constant 0 : i32
    %dma_wait3A_81 = arith.constant 0 : i32
    %dma_wait3A_82 = tpu.memref_slice %arg10[%dma_wait3A_71, %dma_wait3A_80, %dma_wait3A_81] : memref<2x8x64xi32, #tpu.memory_space<vmem>> -> memref<1x8x64xi32, #tpu.memory_space<vmem>>
    %dma_wait3A_83 = tpu.memref_squeeze %dma_wait3A_82 : memref<1x8x64xi32, #tpu.memory_space<vmem>> -> memref<8x64xi32, #tpu.memory_space<vmem>>
    %dma_wait3A_84 = arith.constant 0 : i32
    %dma_wait3A_85 = arith.constant 0 : i32
    %dma_wait3A_86 = tpu.memref_slice %arg5[%arg1, %dma_wait3A_70, %dma_wait3A_84, %dma_wait3A_85] : memref<16x40x8x64xi32, #tpu.memory_space<hbm>> -> memref<1x1x8x64xi32, #tpu.memory_space<hbm>>
    %dma_wait3A_87 = tpu.memref_squeeze %dma_wait3A_86 : memref<1x1x8x64xi32, #tpu.memory_space<hbm>> -> memref<8x64xi32, #tpu.memory_space<hbm>>
    tpu.wait_dma2 semaphore(%arg14 : memref<!tpu.dma_semaphore, #tpu.memory_space<semaphore_mem>>) src(%dma_wait3A_87 : memref<8x64xi32, #tpu.memory_space<hbm>>) dst(%dma_wait3A_83 : memref<8x64xi32, #tpu.memory_space<vmem>>)
    %dma_start3A_88 = arith.constant 0 : i32
    %dma_start3A_89 = arith.constant 0 : i32
    %dma_start3A_90 = arith.constant 0 : i32
    %dma_start3A_91 = arith.constant 0 : i32
    %dma_start3A_92 = arith.constant 0 : i32
    %dma_start3A_93 = tpu.memref_slice %arg11[%dma_start3A_90, %dma_start3A_91, %dma_start3A_92] : memref<4x64x64xf32, #tpu.memory_space<vmem>> -> memref<1x64x64xf32, #tpu.memory_space<vmem>>
    %dma_start3A_94 = tpu.memref_squeeze %dma_start3A_93 : memref<1x64x64xf32, #tpu.memory_space<vmem>> -> memref<64x64xf32, #tpu.memory_space<vmem>>
    %dma_start3A_95 = arith.constant 0 : i32
    %dma_start3A_96 = tpu.memref_slice %arg9[%dma_start3A_88, %dma_start3A_89, %dma_start3A_95] : memref<2x8x64xi32, #tpu.memory_space<vmem>> -> memref<1x1x64xi32, #tpu.memory_space<vmem>>
    %dma_start3A_97 = tpu.memref_squeeze %dma_start3A_96 : memref<1x1x64xi32, #tpu.memory_space<vmem>> -> memref<64xi32, #tpu.memory_space<vmem>>
    %dma_start3A_98 = arith.constant 0 : i32
    %dma_start3A_99 = arith.constant 0 : i32
    %dma_start3A_100 = tpu.memref_slice %arg12[%dma_start3A_98, %dma_start3A_99] : memref<10112x64xf32, #tpu.memory_space<vmem_shared>> -> memref<10112x64xf32, #tpu.memory_space<vmem_shared>>
    tpu.enqueue_indirect_dma source(%dma_start3A_100 : memref<10112x64xf32, #tpu.memory_space<vmem_shared>>) target(%dma_start3A_94 : memref<64x64xf32, #tpu.memory_space<vmem>>) offsets(%dma_start3A_97 : memref<64xi32, #tpu.memory_space<vmem>>) semaphore(%arg16 : memref<!tpu.dma_semaphore, #tpu.memory_space<semaphore_mem>>)
    %dma_start3A_101 = arith.constant 0 : i32
    %dma_start3A_102 = arith.constant 1 : i32
    %dma_start3A_103 = arith.constant 1 : i32
    %dma_start3A_104 = arith.constant 0 : i32
    %dma_start3A_105 = arith.constant 0 : i32
    %dma_start3A_106 = tpu.memref_slice %arg11[%dma_start3A_103, %dma_start3A_104, %dma_start3A_105] : memref<4x64x64xf32, #tpu.memory_space<vmem>> -> memref<1x64x64xf32, #tpu.memory_space<vmem>>
    %dma_start3A_107 = tpu.memref_squeeze %dma_start3A_106 : memref<1x64x64xf32, #tpu.memory_space<vmem>> -> memref<64x64xf32, #tpu.memory_space<vmem>>
    %dma_start3A_108 = arith.constant 0 : i32
    %dma_start3A_109 = tpu.memref_slice %arg9[%dma_start3A_101, %dma_start3A_102, %dma_start3A_108] : memref<2x8x64xi32, #tpu.memory_space<vmem>> -> memref<1x1x64xi32, #tpu.memory_space<vmem>>
    %dma_start3A_110 = tpu.memref_squeeze %dma_start3A_109 : memref<1x1x64xi32, #tpu.memory_space<vmem>> -> memref<64xi32, #tpu.memory_space<vmem>>
    %dma_start3A_111 = arith.constant 0 : i32
    %dma_start3A_112 = arith.constant 0 : i32
    %dma_start3A_113 = tpu.memref_slice %arg12[%dma_start3A_111, %dma_start3A_112] : memref<10112x64xf32, #tpu.memory_space<vmem_shared>> -> memref<10112x64xf32, #tpu.memory_space<vmem_shared>>
    tpu.enqueue_indirect_dma source(%dma_start3A_113 : memref<10112x64xf32, #tpu.memory_space<vmem_shared>>) target(%dma_start3A_107 : memref<64x64xf32, #tpu.memory_space<vmem>>) offsets(%dma_start3A_110 : memref<64xi32, #tpu.memory_space<vmem>>) semaphore(%arg17 : memref<!tpu.dma_semaphore, #tpu.memory_space<semaphore_mem>>)
    %dma_start3A_114 = arith.constant 0 : i32
    %dma_start3A_115 = arith.constant 2 : i32
    %dma_start3A_116 = arith.constant 2 : i32
    %dma_start3A_117 = arith.constant 0 : i32
    %dma_start3A_118 = arith.constant 0 : i32
    %dma_start3A_119 = tpu.memref_slice %arg11[%dma_start3A_116, %dma_start3A_117, %dma_start3A_118] : memref<4x64x64xf32, #tpu.memory_space<vmem>> -> memref<1x64x64xf32, #tpu.memory_space<vmem>>
    %dma_start3A_120 = tpu.memref_squeeze %dma_start3A_119 : memref<1x64x64xf32, #tpu.memory_space<vmem>> -> memref<64x64xf32, #tpu.memory_space<vmem>>
    %dma_start3A_121 = arith.constant 0 : i32
    %dma_start3A_122 = tpu.memref_slice %arg9[%dma_start3A_114, %dma_start3A_115, %dma_start3A_121] : memref<2x8x64xi32, #tpu.memory_space<vmem>> -> memref<1x1x64xi32, #tpu.memory_space<vmem>>
    %dma_start3A_123 = tpu.memref_squeeze %dma_start3A_122 : memref<1x1x64xi32, #tpu.memory_space<vmem>> -> memref<64xi32, #tpu.memory_space<vmem>>
    %dma_start3A_124 = arith.constant 0 : i32
    %dma_start3A_125 = arith.constant 0 : i32
    %dma_start3A_126 = tpu.memref_slice %arg12[%dma_start3A_124, %dma_start3A_125] : memref<10112x64xf32, #tpu.memory_space<vmem_shared>> -> memref<10112x64xf32, #tpu.memory_space<vmem_shared>>
    tpu.enqueue_indirect_dma source(%dma_start3A_126 : memref<10112x64xf32, #tpu.memory_space<vmem_shared>>) target(%dma_start3A_120 : memref<64x64xf32, #tpu.memory_space<vmem>>) offsets(%dma_start3A_123 : memref<64xi32, #tpu.memory_space<vmem>>) semaphore(%arg18 : memref<!tpu.dma_semaphore, #tpu.memory_space<semaphore_mem>>)
    %dma_start3A_127 = arith.constant 0 : i32
    %dma_start3A_128 = arith.constant 3 : i32
    %dma_start3A_129 = arith.constant 3 : i32
    %dma_start3A_130 = arith.constant 0 : i32
    %dma_start3A_131 = arith.constant 0 : i32
    %dma_start3A_132 = tpu.memref_slice %arg11[%dma_start3A_129, %dma_start3A_130, %dma_start3A_131] : memref<4x64x64xf32, #tpu.memory_space<vmem>> -> memref<1x64x64xf32, #tpu.memory_space<vmem>>
    %dma_start3A_133 = tpu.memref_squeeze %dma_start3A_132 : memref<1x64x64xf32, #tpu.memory_space<vmem>> -> memref<64x64xf32, #tpu.memory_space<vmem>>
    %dma_start3A_134 = arith.constant 0 : i32
    %dma_start3A_135 = tpu.memref_slice %arg9[%dma_start3A_127, %dma_start3A_128, %dma_start3A_134] : memref<2x8x64xi32, #tpu.memory_space<vmem>> -> memref<1x1x64xi32, #tpu.memory_space<vmem>>
    %dma_start3A_136 = tpu.memref_squeeze %dma_start3A_135 : memref<1x1x64xi32, #tpu.memory_space<vmem>> -> memref<64xi32, #tpu.memory_space<vmem>>
    %dma_start3A_137 = arith.constant 0 : i32
    %dma_start3A_138 = arith.constant 0 : i32
    %dma_start3A_139 = tpu.memref_slice %arg12[%dma_start3A_137, %dma_start3A_138] : memref<10112x64xf32, #tpu.memory_space<vmem_shared>> -> memref<10112x64xf32, #tpu.memory_space<vmem_shared>>
    tpu.enqueue_indirect_dma source(%dma_start3A_139 : memref<10112x64xf32, #tpu.memory_space<vmem_shared>>) target(%dma_start3A_133 : memref<64x64xf32, #tpu.memory_space<vmem>>) offsets(%dma_start3A_136 : memref<64xi32, #tpu.memory_space<vmem>>) semaphore(%arg19 : memref<!tpu.dma_semaphore, #tpu.memory_space<semaphore_mem>>)
    %dma_wait3A_140 = arith.constant 0 : i32
    %dma_wait3A_141 = arith.constant 0 : i32
    %dma_wait3A_142 = arith.constant 0 : i32
    %dma_wait3A_143 = arith.constant 0 : i32
    %dma_wait3A_144 = arith.constant 0 : i32
    %dma_wait3A_145 = tpu.memref_slice %arg11[%dma_wait3A_142, %dma_wait3A_143, %dma_wait3A_144] : memref<4x64x64xf32, #tpu.memory_space<vmem>> -> memref<1x64x64xf32, #tpu.memory_space<vmem>>
    %dma_wait3A_146 = tpu.memref_squeeze %dma_wait3A_145 : memref<1x64x64xf32, #tpu.memory_space<vmem>> -> memref<64x64xf32, #tpu.memory_space<vmem>>
    %dma_wait3A_147 = arith.constant 0 : i32
    %dma_wait3A_148 = tpu.memref_slice %arg9[%dma_wait3A_140, %dma_wait3A_141, %dma_wait3A_147] : memref<2x8x64xi32, #tpu.memory_space<vmem>> -> memref<1x1x64xi32, #tpu.memory_space<vmem>>
    %dma_wait3A_149 = tpu.memref_squeeze %dma_wait3A_148 : memref<1x1x64xi32, #tpu.memory_space<vmem>> -> memref<64xi32, #tpu.memory_space<vmem>>
    %dma_wait3A_150 = arith.constant 0 : i32
    %dma_wait3A_151 = arith.constant 0 : i32
    %dma_wait3A_152 = tpu.memref_slice %arg12[%dma_wait3A_150, %dma_wait3A_151] : memref<10112x64xf32, #tpu.memory_space<vmem_shared>> -> memref<10112x64xf32, #tpu.memory_space<vmem_shared>>
    tpu.wait_indirect_dma semaphore(%arg16 : memref<!tpu.dma_semaphore, #tpu.memory_space<semaphore_mem>>) src(%dma_wait3A_152 : memref<10112x64xf32, #tpu.memory_space<vmem_shared>>) dst(%dma_wait3A_146 : memref<64x64xf32, #tpu.memory_space<vmem>>)
    %dma_start3A_153 = arith.constant 0 : i32
    %dma_start3A_154 = arith.constant 0 : i32
    %dma_start3A_155 = arith.constant 0 : i32
    %dma_start3A_156 = arith.constant 0 : i32
    %dma_start3A_157 = arith.constant 0 : i32
    %dma_start3A_158 = tpu.memref_slice %arg11[%dma_start3A_153, %dma_start3A_156, %dma_start3A_157] : memref<4x64x64xf32, #tpu.memory_space<vmem>> -> memref<1x64x64xf32, #tpu.memory_space<vmem>>
    %dma_start3A_159 = tpu.memref_squeeze %dma_start3A_158 : memref<1x64x64xf32, #tpu.memory_space<vmem>> -> memref<64x64xf32, #tpu.memory_space<vmem>>
    %dma_start3A_160 = arith.constant 0 : i32
    %dma_start3A_161 = tpu.memref_slice %arg10[%dma_start3A_154, %dma_start3A_155, %dma_start3A_160] : memref<2x8x64xi32, #tpu.memory_space<vmem>> -> memref<1x1x64xi32, #tpu.memory_space<vmem>>
    %dma_start3A_162 = tpu.memref_squeeze %dma_start3A_161 : memref<1x1x64xi32, #tpu.memory_space<vmem>> -> memref<64xi32, #tpu.memory_space<vmem>>
    %dma_start3A_163 = arith.constant 0 : i32
    %dma_start3A_164 = arith.constant 0 : i32
    %dma_start3A_165 = tpu.memref_slice %arg13[%dma_start3A_163, %dma_start3A_164] : memref<10112x64xf32, #tpu.memory_space<vmem_shared>> -> memref<10112x64xf32, #tpu.memory_space<vmem_shared>>
    tpu.enqueue_indirect_dma source(%dma_start3A_159 : memref<64x64xf32, #tpu.memory_space<vmem>>) target(%dma_start3A_165 : memref<10112x64xf32, #tpu.memory_space<vmem_shared>>) offsets(%dma_start3A_162 : memref<64xi32, #tpu.memory_space<vmem>>) semaphore(%arg20 : memref<!tpu.dma_semaphore, #tpu.memory_space<semaphore_mem>>) {add = true}
    %dma_wait3A_166 = arith.constant 0 : i32
    %dma_wait3A_167 = arith.constant 0 : i32
    %dma_wait3A_168 = arith.constant 0 : i32
    %dma_wait3A_169 = arith.constant 0 : i32
    %dma_wait3A_170 = arith.constant 0 : i32
    %dma_wait3A_171 = tpu.memref_slice %arg11[%dma_wait3A_166, %dma_wait3A_169, %dma_wait3A_170] : memref<4x64x64xf32, #tpu.memory_space<vmem>> -> memref<1x64x64xf32, #tpu.memory_space<vmem>>
    %dma_wait3A_172 = tpu.memref_squeeze %dma_wait3A_171 : memref<1x64x64xf32, #tpu.memory_space<vmem>> -> memref<64x64xf32, #tpu.memory_space<vmem>>
    %dma_wait3A_173 = arith.constant 0 : i32
    %dma_wait3A_174 = tpu.memref_slice %arg10[%dma_wait3A_167, %dma_wait3A_168, %dma_wait3A_173] : memref<2x8x64xi32, #tpu.memory_space<vmem>> -> memref<1x1x64xi32, #tpu.memory_space<vmem>>
    %dma_wait3A_175 = tpu.memref_squeeze %dma_wait3A_174 : memref<1x1x64xi32, #tpu.memory_space<vmem>> -> memref<64xi32, #tpu.memory_space<vmem>>
    %dma_wait3A_176 = arith.constant 0 : i32
    %dma_wait3A_177 = arith.constant 0 : i32
    %dma_wait3A_178 = tpu.memref_slice %arg13[%dma_wait3A_176, %dma_wait3A_177] : memref<10112x64xf32, #tpu.memory_space<vmem_shared>> -> memref<10112x64xf32, #tpu.memory_space<vmem_shared>>
    tpu.wait_indirect_dma semaphore(%arg20 : memref<!tpu.dma_semaphore, #tpu.memory_space<semaphore_mem>>) src(%dma_wait3A_172 : memref<64x64xf32, #tpu.memory_space<vmem>>) dst(%dma_wait3A_178 : memref<10112x64xf32, #tpu.memory_space<vmem_shared>>)
    %dma_start3A_179 = arith.constant 0 : i32
    %dma_start3A_180 = arith.constant 4 : i32
    %dma_start3A_181 = arith.constant 0 : i32
    %dma_start3A_182 = arith.constant 0 : i32
    %dma_start3A_183 = arith.constant 0 : i32
    %dma_start3A_184 = tpu.memref_slice %arg11[%dma_start3A_181, %dma_start3A_182, %dma_start3A_183] : memref<4x64x64xf32, #tpu.memory_space<vmem>> -> memref<1x64x64xf32, #tpu.memory_space<vmem>>
    %dma_start3A_185 = tpu.memref_squeeze %dma_start3A_184 : memref<1x64x64xf32, #tpu.memory_space<vmem>> -> memref<64x64xf32, #tpu.memory_space<vmem>>
    %dma_start3A_186 = arith.constant 0 : i32
    %dma_start3A_187 = tpu.memref_slice %arg9[%dma_start3A_179, %dma_start3A_180, %dma_start3A_186] : memref<2x8x64xi32, #tpu.memory_space<vmem>> -> memref<1x1x64xi32, #tpu.memory_space<vmem>>
    %dma_start3A_188 = tpu.memref_squeeze %dma_start3A_187 : memref<1x1x64xi32, #tpu.memory_space<vmem>> -> memref<64xi32, #tpu.memory_space<vmem>>
    %dma_start3A_189 = arith.constant 0 : i32
    %dma_start3A_190 = arith.constant 0 : i32
    %dma_start3A_191 = tpu.memref_slice %arg12[%dma_start3A_189, %dma_start3A_190] : memref<10112x64xf32, #tpu.memory_space<vmem_shared>> -> memref<10112x64xf32, #tpu.memory_space<vmem_shared>>
    tpu.enqueue_indirect_dma source(%dma_start3A_191 : memref<10112x64xf32, #tpu.memory_space<vmem_shared>>) target(%dma_start3A_185 : memref<64x64xf32, #tpu.memory_space<vmem>>) offsets(%dma_start3A_188 : memref<64xi32, #tpu.memory_space<vmem>>) semaphore(%arg16 : memref<!tpu.dma_semaphore, #tpu.memory_space<semaphore_mem>>)
    %dma_wait3A_192 = arith.constant 0 : i32
    %dma_wait3A_193 = arith.constant 1 : i32
    %dma_wait3A_194 = arith.constant 1 : i32
    %dma_wait3A_195 = arith.constant 0 : i32
    %dma_wait3A_196 = arith.constant 0 : i32
    %dma_wait3A_197 = tpu.memref_slice %arg11[%dma_wait3A_194, %dma_wait3A_195, %dma_wait3A_196] : memref<4x64x64xf32, #tpu.memory_space<vmem>> -> memref<1x64x64xf32, #tpu.memory_space<vmem>>
    %dma_wait3A_198 = tpu.memref_squeeze %dma_wait3A_197 : memref<1x64x64xf32, #tpu.memory_space<vmem>> -> memref<64x64xf32, #tpu.memory_space<vmem>>
    %dma_wait3A_199 = arith.constant 0 : i32
    %dma_wait3A_200 = tpu.memref_slice %arg9[%dma_wait3A_192, %dma_wait3A_193, %dma_wait3A_199] : memref<2x8x64xi32, #tpu.memory_space<vmem>> -> memref<1x1x64xi32, #tpu.memory_space<vmem>>
    %dma_wait3A_201 = tpu.memref_squeeze %dma_wait3A_200 : memref<1x1x64xi32, #tpu.memory_space<vmem>> -> memref<64xi32, #tpu.memory_space<vmem>>
    %dma_wait3A_202 = arith.constant 0 : i32
    %dma_wait3A_203 = arith.constant 0 : i32
    %dma_wait3A_204 = tpu.memref_slice %arg12[%dma_wait3A_202, %dma_wait3A_203] : memref<10112x64xf32, #tpu.memory_space<vmem_shared>> -> memref<10112x64xf32, #tpu.memory_space<vmem_shared>>
    tpu.wait_indirect_dma semaphore(%arg17 : memref<!tpu.dma_semaphore, #tpu.memory_space<semaphore_mem>>) src(%dma_wait3A_204 : memref<10112x64xf32, #tpu.memory_space<vmem_shared>>) dst(%dma_wait3A_198 : memref<64x64xf32, #tpu.memory_space<vmem>>)
    %dma_start3A_205 = arith.constant 1 : i32
    %dma_start3A_206 = arith.constant 0 : i32
    %dma_start3A_207 = arith.constant 1 : i32
    %dma_start3A_208 = arith.constant 0 : i32
    %dma_start3A_209 = arith.constant 0 : i32
    %dma_start3A_210 = tpu.memref_slice %arg11[%dma_start3A_205, %dma_start3A_208, %dma_start3A_209] : memref<4x64x64xf32, #tpu.memory_space<vmem>> -> memref<1x64x64xf32, #tpu.memory_space<vmem>>
    %dma_start3A_211 = tpu.memref_squeeze %dma_start3A_210 : memref<1x64x64xf32, #tpu.memory_space<vmem>> -> memref<64x64xf32, #tpu.memory_space<vmem>>
    %dma_start3A_212 = arith.constant 0 : i32
    %dma_start3A_213 = tpu.memref_slice %arg10[%dma_start3A_206, %dma_start3A_207, %dma_start3A_212] : memref<2x8x64xi32, #tpu.memory_space<vmem>> -> memref<1x1x64xi32, #tpu.memory_space<vmem>>
    %dma_start3A_214 = tpu.memref_squeeze %dma_start3A_213 : memref<1x1x64xi32, #tpu.memory_space<vmem>> -> memref<64xi32, #tpu.memory_space<vmem>>
    %dma_start3A_215 = arith.constant 0 : i32
    %dma_start3A_216 = arith.constant 0 : i32
    %dma_start3A_217 = tpu.memref_slice %arg13[%dma_start3A_215, %dma_start3A_216] : memref<10112x64xf32, #tpu.memory_space<vmem_shared>> -> memref<10112x64xf32, #tpu.memory_space<vmem_shared>>
    tpu.enqueue_indirect_dma source(%dma_start3A_211 : memref<64x64xf32, #tpu.memory_space<vmem>>) target(%dma_start3A_217 : memref<10112x64xf32, #tpu.memory_space<vmem_shared>>) offsets(%dma_start3A_214 : memref<64xi32, #tpu.memory_space<vmem>>) semaphore(%arg21 : memref<!tpu.dma_semaphore, #tpu.memory_space<semaphore_mem>>) {add = true}
    %dma_wait3A_218 = arith.constant 1 : i32
    %dma_wait3A_219 = arith.constant 0 : i32
    %dma_wait3A_220 = arith.constant 1 : i32
    %dma_wait3A_221 = arith.constant 0 : i32
    %dma_wait3A_222 = arith.constant 0 : i32
    %dma_wait3A_223 = tpu.memref_slice %arg11[%dma_wait3A_218, %dma_wait3A_221, %dma_wait3A_222] : memref<4x64x64xf32, #tpu.memory_space<vmem>> -> memref<1x64x64xf32, #tpu.memory_space<vmem>>
    %dma_wait3A_224 = tpu.memref_squeeze %dma_wait3A_223 : memref<1x64x64xf32, #tpu.memory_space<vmem>> -> memref<64x64xf32, #tpu.memory_space<vmem>>
    %dma_wait3A_225 = arith.constant 0 : i32
    %dma_wait3A_226 = tpu.memref_slice %arg10[%dma_wait3A_219, %dma_wait3A_220, %dma_wait3A_225] : memref<2x8x64xi32, #tpu.memory_space<vmem>> -> memref<1x1x64xi32, #tpu.memory_space<vmem>>
    %dma_wait3A_227 = tpu.memref_squeeze %dma_wait3A_226 : memref<1x1x64xi32, #tpu.memory_space<vmem>> -> memref<64xi32, #tpu.memory_space<vmem>>
    %dma_wait3A_228 = arith.constant 0 : i32
    %dma_wait3A_229 = arith.constant 0 : i32
    %dma_wait3A_230 = tpu.memref_slice %arg13[%dma_wait3A_228, %dma_wait3A_229] : memref<10112x64xf32, #tpu.memory_space<vmem_shared>> -> memref<10112x64xf32, #tpu.memory_space<vmem_shared>>
    tpu.wait_indirect_dma semaphore(%arg21 : memref<!tpu.dma_semaphore, #tpu.memory_space<semaphore_mem>>) src(%dma_wait3A_224 : memref<64x64xf32, #tpu.memory_space<vmem>>) dst(%dma_wait3A_230 : memref<10112x64xf32, #tpu.memory_space<vmem_shared>>)
    %dma_start3A_231 = arith.constant 0 : i32
    %dma_start3A_232 = arith.constant 5 : i32
    %dma_start3A_233 = arith.constant 1 : i32
    %dma_start3A_234 = arith.constant 0 : i32
    %dma_start3A_235 = arith.constant 0 : i32
    %dma_start3A_236 = tpu.memref_slice %arg11[%dma_start3A_233, %dma_start3A_234, %dma_start3A_235] : memref<4x64x64xf32, #tpu.memory_space<vmem>> -> memref<1x64x64xf32, #tpu.memory_space<vmem>>
    %dma_start3A_237 = tpu.memref_squeeze %dma_start3A_236 : memref<1x64x64xf32, #tpu.memory_space<vmem>> -> memref<64x64xf32, #tpu.memory_space<vmem>>
    %dma_start3A_238 = arith.constant 0 : i32
    %dma_start3A_239 = tpu.memref_slice %arg9[%dma_start3A_231, %dma_start3A_232, %dma_start3A_238] : memref<2x8x64xi32, #tpu.memory_space<vmem>> -> memref<1x1x64xi32, #tpu.memory_space<vmem>>
    %dma_start3A_240 = tpu.memref_squeeze %dma_start3A_239 : memref<1x1x64xi32, #tpu.memory_space<vmem>> -> memref<64xi32, #tpu.memory_space<vmem>>
    %dma_start3A_241 = arith.constant 0 : i32
    %dma_start3A_242 = arith.constant 0 : i32
    %dma_start3A_243 = tpu.memref_slice %arg12[%dma_start3A_241, %dma_start3A_242] : memref<10112x64xf32, #tpu.memory_space<vmem_shared>> -> memref<10112x64xf32, #tpu.memory_space<vmem_shared>>
    tpu.enqueue_indirect_dma source(%dma_start3A_243 : memref<10112x64xf32, #tpu.memory_space<vmem_shared>>) target(%dma_start3A_237 : memref<64x64xf32, #tpu.memory_space<vmem>>) offsets(%dma_start3A_240 : memref<64xi32, #tpu.memory_space<vmem>>) semaphore(%arg17 : memref<!tpu.dma_semaphore, #tpu.memory_space<semaphore_mem>>)
    %dma_wait3A_244 = arith.constant 0 : i32
    %dma_wait3A_245 = arith.constant 2 : i32
    %dma_wait3A_246 = arith.constant 2 : i32
    %dma_wait3A_247 = arith.constant 0 : i32
    %dma_wait3A_248 = arith.constant 0 : i32
    %dma_wait3A_249 = tpu.memref_slice %arg11[%dma_wait3A_246, %dma_wait3A_247, %dma_wait3A_248] : memref<4x64x64xf32, #tpu.memory_space<vmem>> -> memref<1x64x64xf32, #tpu.memory_space<vmem>>
    %dma_wait3A_250 = tpu.memref_squeeze %dma_wait3A_249 : memref<1x64x64xf32, #tpu.memory_space<vmem>> -> memref<64x64xf32, #tpu.memory_space<vmem>>
    %dma_wait3A_251 = arith.constant 0 : i32
    %dma_wait3A_252 = tpu.memref_slice %arg9[%dma_wait3A_244, %dma_wait3A_245, %dma_wait3A_251] : memref<2x8x64xi32, #tpu.memory_space<vmem>> -> memref<1x1x64xi32, #tpu.memory_space<vmem>>
    %dma_wait3A_253 = tpu.memref_squeeze %dma_wait3A_252 : memref<1x1x64xi32, #tpu.memory_space<vmem>> -> memref<64xi32, #tpu.memory_space<vmem>>
    %dma_wait3A_254 = arith.constant 0 : i32
    %dma_wait3A_255 = arith.constant 0 : i32
    %dma_wait3A_256 = tpu.memref_slice %arg12[%dma_wait3A_254, %dma_wait3A_255] : memref<10112x64xf32, #tpu.memory_space<vmem_shared>> -> memref<10112x64xf32, #tpu.memory_space<vmem_shared>>
    tpu.wait_indirect_dma semaphore(%arg18 : memref<!tpu.dma_semaphore, #tpu.memory_space<semaphore_mem>>) src(%dma_wait3A_256 : memref<10112x64xf32, #tpu.memory_space<vmem_shared>>) dst(%dma_wait3A_250 : memref<64x64xf32, #tpu.memory_space<vmem>>)
    %dma_start3A_257 = arith.constant 2 : i32
    %dma_start3A_258 = arith.constant 0 : i32
    %dma_start3A_259 = arith.constant 2 : i32
    %dma_start3A_260 = arith.constant 0 : i32
    %dma_start3A_261 = arith.constant 0 : i32
    %dma_start3A_262 = tpu.memref_slice %arg11[%dma_start3A_257, %dma_start3A_260, %dma_start3A_261] : memref<4x64x64xf32, #tpu.memory_space<vmem>> -> memref<1x64x64xf32, #tpu.memory_space<vmem>>
    %dma_start3A_263 = tpu.memref_squeeze %dma_start3A_262 : memref<1x64x64xf32, #tpu.memory_space<vmem>> -> memref<64x64xf32, #tpu.memory_space<vmem>>
    %dma_start3A_264 = arith.constant 0 : i32
    %dma_start3A_265 = tpu.memref_slice %arg10[%dma_start3A_258, %dma_start3A_259, %dma_start3A_264] : memref<2x8x64xi32, #tpu.memory_space<vmem>> -> memref<1x1x64xi32, #tpu.memory_space<vmem>>
    %dma_start3A_266 = tpu.memref_squeeze %dma_start3A_265 : memref<1x1x64xi32, #tpu.memory_space<vmem>> -> memref<64xi32, #tpu.memory_space<vmem>>
    %dma_start3A_267 = arith.constant 0 : i32
    %dma_start3A_268 = arith.constant 0 : i32
    %dma_start3A_269 = tpu.memref_slice %arg13[%dma_start3A_267, %dma_start3A_268] : memref<10112x64xf32, #tpu.memory_space<vmem_shared>> -> memref<10112x64xf32, #tpu.memory_space<vmem_shared>>
    tpu.enqueue_indirect_dma source(%dma_start3A_263 : memref<64x64xf32, #tpu.memory_space<vmem>>) target(%dma_start3A_269 : memref<10112x64xf32, #tpu.memory_space<vmem_shared>>) offsets(%dma_start3A_266 : memref<64xi32, #tpu.memory_space<vmem>>) semaphore(%arg22 : memref<!tpu.dma_semaphore, #tpu.memory_space<semaphore_mem>>) {add = true}
    %dma_wait3A_270 = arith.constant 2 : i32
    %dma_wait3A_271 = arith.constant 0 : i32
    %dma_wait3A_272 = arith.constant 2 : i32
    %dma_wait3A_273 = arith.constant 0 : i32
    %dma_wait3A_274 = arith.constant 0 : i32
    %dma_wait3A_275 = tpu.memref_slice %arg11[%dma_wait3A_270, %dma_wait3A_273, %dma_wait3A_274] : memref<4x64x64xf32, #tpu.memory_space<vmem>> -> memref<1x64x64xf32, #tpu.memory_space<vmem>>
    %dma_wait3A_276 = tpu.memref_squeeze %dma_wait3A_275 : memref<1x64x64xf32, #tpu.memory_space<vmem>> -> memref<64x64xf32, #tpu.memory_space<vmem>>
    %dma_wait3A_277 = arith.constant 0 : i32
    %dma_wait3A_278 = tpu.memref_slice %arg10[%dma_wait3A_271, %dma_wait3A_272, %dma_wait3A_277] : memref<2x8x64xi32, #tpu.memory_space<vmem>> -> memref<1x1x64xi32, #tpu.memory_space<vmem>>
    %dma_wait3A_279 = tpu.memref_squeeze %dma_wait3A_278 : memref<1x1x64xi32, #tpu.memory_space<vmem>> -> memref<64xi32, #tpu.memory_space<vmem>>
    %dma_wait3A_280 = arith.constant 0 : i32
    %dma_wait3A_281 = arith.constant 0 : i32
    %dma_wait3A_282 = tpu.memref_slice %arg13[%dma_wait3A_280, %dma_wait3A_281] : memref<10112x64xf32, #tpu.memory_space<vmem_shared>> -> memref<10112x64xf32, #tpu.memory_space<vmem_shared>>
    tpu.wait_indirect_dma semaphore(%arg22 : memref<!tpu.dma_semaphore, #tpu.memory_space<semaphore_mem>>) src(%dma_wait3A_276 : memref<64x64xf32, #tpu.memory_space<vmem>>) dst(%dma_wait3A_282 : memref<10112x64xf32, #tpu.memory_space<vmem_shared>>)
    %dma_start3A_283 = arith.constant 0 : i32
    %dma_start3A_284 = arith.constant 6 : i32
    %dma_start3A_285 = arith.constant 2 : i32
    %dma_start3A_286 = arith.constant 0 : i32
    %dma_start3A_287 = arith.constant 0 : i32
    %dma_start3A_288 = tpu.memref_slice %arg11[%dma_start3A_285, %dma_start3A_286, %dma_start3A_287] : memref<4x64x64xf32, #tpu.memory_space<vmem>> -> memref<1x64x64xf32, #tpu.memory_space<vmem>>
    %dma_start3A_289 = tpu.memref_squeeze %dma_start3A_288 : memref<1x64x64xf32, #tpu.memory_space<vmem>> -> memref<64x64xf32, #tpu.memory_space<vmem>>
    %dma_start3A_290 = arith.constant 0 : i32
    %dma_start3A_291 = tpu.memref_slice %arg9[%dma_start3A_283, %dma_start3A_284, %dma_start3A_290] : memref<2x8x64xi32, #tpu.memory_space<vmem>> -> memref<1x1x64xi32, #tpu.memory_space<vmem>>
    %dma_start3A_292 = tpu.memref_squeeze %dma_start3A_291 : memref<1x1x64xi32, #tpu.memory_space<vmem>> -> memref<64xi32, #tpu.memory_space<vmem>>
    %dma_start3A_293 = arith.constant 0 : i32
    %dma_start3A_294 = arith.constant 0 : i32
    %dma_start3A_295 = tpu.memref_slice %arg12[%dma_start3A_293, %dma_start3A_294] : memref<10112x64xf32, #tpu.memory_space<vmem_shared>> -> memref<10112x64xf32, #tpu.memory_space<vmem_shared>>
    tpu.enqueue_indirect_dma source(%dma_start3A_295 : memref<10112x64xf32, #tpu.memory_space<vmem_shared>>) target(%dma_start3A_289 : memref<64x64xf32, #tpu.memory_space<vmem>>) offsets(%dma_start3A_292 : memref<64xi32, #tpu.memory_space<vmem>>) semaphore(%arg18 : memref<!tpu.dma_semaphore, #tpu.memory_space<semaphore_mem>>)
    %dma_wait3A_296 = arith.constant 0 : i32
    %dma_wait3A_297 = arith.constant 3 : i32
    %dma_wait3A_298 = arith.constant 3 : i32
    %dma_wait3A_299 = arith.constant 0 : i32
    %dma_wait3A_300 = arith.constant 0 : i32
    %dma_wait3A_301 = tpu.memref_slice %arg11[%dma_wait3A_298, %dma_wait3A_299, %dma_wait3A_300] : memref<4x64x64xf32, #tpu.memory_space<vmem>> -> memref<1x64x64xf32, #tpu.memory_space<vmem>>
    %dma_wait3A_302 = tpu.memref_squeeze %dma_wait3A_301 : memref<1x64x64xf32, #tpu.memory_space<vmem>> -> memref<64x64xf32, #tpu.memory_space<vmem>>
    %dma_wait3A_303 = arith.constant 0 : i32
    %dma_wait3A_304 = tpu.memref_slice %arg9[%dma_wait3A_296, %dma_wait3A_297, %dma_wait3A_303] : memref<2x8x64xi32, #tpu.memory_space<vmem>> -> memref<1x1x64xi32, #tpu.memory_space<vmem>>
    %dma_wait3A_305 = tpu.memref_squeeze %dma_wait3A_304 : memref<1x1x64xi32, #tpu.memory_space<vmem>> -> memref<64xi32, #tpu.memory_space<vmem>>
    %dma_wait3A_306 = arith.constant 0 : i32
    %dma_wait3A_307 = arith.constant 0 : i32
    %dma_wait3A_308 = tpu.memref_slice %arg12[%dma_wait3A_306, %dma_wait3A_307] : memref<10112x64xf32, #tpu.memory_space<vmem_shared>> -> memref<10112x64xf32, #tpu.memory_space<vmem_shared>>
    tpu.wait_indirect_dma semaphore(%arg19 : memref<!tpu.dma_semaphore, #tpu.memory_space<semaphore_mem>>) src(%dma_wait3A_308 : memref<10112x64xf32, #tpu.memory_space<vmem_shared>>) dst(%dma_wait3A_302 : memref<64x64xf32, #tpu.memory_space<vmem>>)
    %dma_start3A_309 = arith.constant 3 : i32
    %dma_start3A_310 = arith.constant 0 : i32
    %dma_start3A_311 = arith.constant 3 : i32
    %dma_start3A_312 = arith.constant 0 : i32
    %dma_start3A_313 = arith.constant 0 : i32
    %dma_start3A_314 = tpu.memref_slice %arg11[%dma_start3A_309, %dma_start3A_312, %dma_start3A_313] : memref<4x64x64xf32, #tpu.memory_space<vmem>> -> memref<1x64x64xf32, #tpu.memory_space<vmem>>
    %dma_start3A_315 = tpu.memref_squeeze %dma_start3A_314 : memref<1x64x64xf32, #tpu.memory_space<vmem>> -> memref<64x64xf32, #tpu.memory_space<vmem>>
    %dma_start3A_316 = arith.constant 0 : i32
    %dma_start3A_317 = tpu.memref_slice %arg10[%dma_start3A_310, %dma_start3A_311, %dma_start3A_316] : memref<2x8x64xi32, #tpu.memory_space<vmem>> -> memref<1x1x64xi32, #tpu.memory_space<vmem>>
    %dma_start3A_318 = tpu.memref_squeeze %dma_start3A_317 : memref<1x1x64xi32, #tpu.memory_space<vmem>> -> memref<64xi32, #tpu.memory_space<vmem>>
    %dma_start3A_319 = arith.constant 0 : i32
    %dma_start3A_320 = arith.constant 0 : i32
    %dma_start3A_321 = tpu.memref_slice %arg13[%dma_start3A_319, %dma_start3A_320] : memref<10112x64xf32, #tpu.memory_space<vmem_shared>> -> memref<10112x64xf32, #tpu.memory_space<vmem_shared>>
    tpu.enqueue_indirect_dma source(%dma_start3A_315 : memref<64x64xf32, #tpu.memory_space<vmem>>) target(%dma_start3A_321 : memref<10112x64xf32, #tpu.memory_space<vmem_shared>>) offsets(%dma_start3A_318 : memref<64xi32, #tpu.memory_space<vmem>>) semaphore(%arg23 : memref<!tpu.dma_semaphore, #tpu.memory_space<semaphore_mem>>) {add = true}
    %dma_start3A_322 = arith.constant 1 : i32
    %dma_start3A_323 = arith.constant 1 : i32
    %dma_start3A_324 = arith.constant 0 : i32
    %dma_start3A_325 = arith.constant 0 : i32
    %dma_start3A_326 = tpu.memref_slice %arg9[%dma_start3A_323, %dma_start3A_324, %dma_start3A_325] : memref<2x8x64xi32, #tpu.memory_space<vmem>> -> memref<1x8x64xi32, #tpu.memory_space<vmem>>
    %dma_start3A_327 = tpu.memref_squeeze %dma_start3A_326 : memref<1x8x64xi32, #tpu.memory_space<vmem>> -> memref<8x64xi32, #tpu.memory_space<vmem>>
    %dma_start3A_328 = arith.constant 0 : i32
    %dma_start3A_329 = arith.constant 0 : i32
    %dma_start3A_330 = tpu.memref_slice %arg4[%arg1, %dma_start3A_322, %dma_start3A_328, %dma_start3A_329] : memref<16x40x8x64xi32, #tpu.memory_space<hbm>> -> memref<1x1x8x64xi32, #tpu.memory_space<hbm>>
    %dma_start3A_331 = tpu.memref_squeeze %dma_start3A_330 : memref<1x1x8x64xi32, #tpu.memory_space<hbm>> -> memref<8x64xi32, #tpu.memory_space<hbm>>
    %dma_start3A_332 = arith.constant 0 : i32
    %dma_start3A_333 = arith.constant 0 : i32
    %dma_start3A_334 = tpu.memref_slice %arg9[%dma_start3A_323, %dma_start3A_332, %dma_start3A_333] : memref<2x8x64xi32, #tpu.memory_space<vmem>> -> memref<1x8x64xi32, #tpu.memory_space<vmem>>
    %dma_start3A_335 = tpu.memref_squeeze %dma_start3A_334 : memref<1x8x64xi32, #tpu.memory_space<vmem>> -> memref<8x64xi32, #tpu.memory_space<vmem>>
    %dma_start3A_336 = arith.constant 0 : i32
    %dma_start3A_337 = arith.constant 0 : i32
    %dma_start3A_338 = tpu.memref_slice %arg4[%arg1, %dma_start3A_322, %dma_start3A_336, %dma_start3A_337] : memref<16x40x8x64xi32, #tpu.memory_space<hbm>> -> memref<1x1x8x64xi32, #tpu.memory_space<hbm>>
    %dma_start3A_339 = tpu.memref_squeeze %dma_start3A_338 : memref<1x1x8x64xi32, #tpu.memory_space<hbm>> -> memref<8x64xi32, #tpu.memory_space<hbm>>
    tpu.enqueue_dma source(%dma_start3A_339 : memref<8x64xi32, #tpu.memory_space<hbm>>) target(%dma_start3A_335 : memref<8x64xi32, #tpu.memory_space<vmem>>) target_semaphore(%arg15 : memref<!tpu.dma_semaphore, #tpu.memory_space<semaphore_mem>>)
    %dma_start3A_340 = arith.constant 1 : i32
    %dma_start3A_341 = arith.constant 1 : i32
    %dma_start3A_342 = arith.constant 0 : i32
    %dma_start3A_343 = arith.constant 0 : i32
    %dma_start3A_344 = tpu.memref_slice %arg10[%dma_start3A_341, %dma_start3A_342, %dma_start3A_343] : memref<2x8x64xi32, #tpu.memory_space<vmem>> -> memref<1x8x64xi32, #tpu.memory_space<vmem>>
    %dma_start3A_345 = tpu.memref_squeeze %dma_start3A_344 : memref<1x8x64xi32, #tpu.memory_space<vmem>> -> memref<8x64xi32, #tpu.memory_space<vmem>>
    %dma_start3A_346 = arith.constant 0 : i32
    %dma_start3A_347 = arith.constant 0 : i32
    %dma_start3A_348 = tpu.memref_slice %arg5[%arg1, %dma_start3A_340, %dma_start3A_346, %dma_start3A_347] : memref<16x40x8x64xi32, #tpu.memory_space<hbm>> -> memref<1x1x8x64xi32, #tpu.memory_space<hbm>>
    %dma_start3A_349 = tpu.memref_squeeze %dma_start3A_348 : memref<1x1x8x64xi32, #tpu.memory_space<hbm>> -> memref<8x64xi32, #tpu.memory_space<hbm>>
    %dma_start3A_350 = arith.constant 0 : i32
    %dma_start3A_351 = arith.constant 0 : i32
    %dma_start3A_352 = tpu.memref_slice %arg10[%dma_start3A_341, %dma_start3A_350, %dma_start3A_351] : memref<2x8x64xi32, #tpu.memory_space<vmem>> -> memref<1x8x64xi32, #tpu.memory_space<vmem>>
    %dma_start3A_353 = tpu.memref_squeeze %dma_start3A_352 : memref<1x8x64xi32, #tpu.memory_space<vmem>> -> memref<8x64xi32, #tpu.memory_space<vmem>>
    %dma_start3A_354 = arith.constant 0 : i32
    %dma_start3A_355 = arith.constant 0 : i32
    %dma_start3A_356 = tpu.memref_slice %arg5[%arg1, %dma_start3A_340, %dma_start3A_354, %dma_start3A_355] : memref<16x40x8x64xi32, #tpu.memory_space<hbm>> -> memref<1x1x8x64xi32, #tpu.memory_space<hbm>>
    %dma_start3A_357 = tpu.memref_squeeze %dma_start3A_356 : memref<1x1x8x64xi32, #tpu.memory_space<hbm>> -> memref<8x64xi32, #tpu.memory_space<hbm>>
    tpu.enqueue_dma source(%dma_start3A_357 : memref<8x64xi32, #tpu.memory_space<hbm>>) target(%dma_start3A_353 : memref<8x64xi32, #tpu.memory_space<vmem>>) target_semaphore(%arg15 : memref<!tpu.dma_semaphore, #tpu.memory_space<semaphore_mem>>)
    %dma_wait3A_358 = arith.constant 3 : i32
    %dma_wait3A_359 = arith.constant 0 : i32
    %dma_wait3A_360 = arith.constant 3 : i32
    %dma_wait3A_361 = arith.constant 0 : i32
    %dma_wait3A_362 = arith.constant 0 : i32
    %dma_wait3A_363 = tpu.memref_slice %arg11[%dma_wait3A_358, %dma_wait3A_361, %dma_wait3A_362] : memref<4x64x64xf32, #tpu.memory_space<vmem>> -> memref<1x64x64xf32, #tpu.memory_space<vmem>>
    %dma_wait3A_364 = tpu.memref_squeeze %dma_wait3A_363 : memref<1x64x64xf32, #tpu.memory_space<vmem>> -> memref<64x64xf32, #tpu.memory_space<vmem>>
    %dma_wait3A_365 = arith.constant 0 : i32
    %dma_wait3A_366 = tpu.memref_slice %arg10[%dma_wait3A_359, %dma_wait3A_360, %dma_wait3A_365] : memref<2x8x64xi32, #tpu.memory_space<vmem>> -> memref<1x1x64xi32, #tpu.memory_space<vmem>>
    %dma_wait3A_367 = tpu.memref_squeeze %dma_wait3A_366 : memref<1x1x64xi32, #tpu.memory_space<vmem>> -> memref<64xi32, #tpu.memory_space<vmem>>
    %dma_wait3A_368 = arith.constant 0 : i32
    %dma_wait3A_369 = arith.constant 0 : i32
    %dma_wait3A_370 = tpu.memref_slice %arg13[%dma_wait3A_368, %dma_wait3A_369] : memref<10112x64xf32, #tpu.memory_space<vmem_shared>> -> memref<10112x64xf32, #tpu.memory_space<vmem_shared>>
    tpu.wait_indirect_dma semaphore(%arg23 : memref<!tpu.dma_semaphore, #tpu.memory_space<semaphore_mem>>) src(%dma_wait3A_364 : memref<64x64xf32, #tpu.memory_space<vmem>>) dst(%dma_wait3A_370 : memref<10112x64xf32, #tpu.memory_space<vmem_shared>>)
    %dma_start3A_371 = arith.constant 0 : i32
    %dma_start3A_372 = arith.constant 7 : i32
    %dma_start3A_373 = arith.constant 3 : i32
    %dma_start3A_374 = arith.constant 0 : i32
    %dma_start3A_375 = arith.constant 0 : i32
    %dma_start3A_376 = tpu.memref_slice %arg11[%dma_start3A_373, %dma_start3A_374, %dma_start3A_375] : memref<4x64x64xf32, #tpu.memory_space<vmem>> -> memref<1x64x64xf32, #tpu.memory_space<vmem>>
    %dma_start3A_377 = tpu.memref_squeeze %dma_start3A_376 : memref<1x64x64xf32, #tpu.memory_space<vmem>> -> memref<64x64xf32, #tpu.memory_space<vmem>>
    %dma_start3A_378 = arith.constant 0 : i32
    %dma_start3A_379 = tpu.memref_slice %arg9[%dma_start3A_371, %dma_start3A_372, %dma_start3A_378] : memref<2x8x64xi32, #tpu.memory_space<vmem>> -> memref<1x1x64xi32, #tpu.memory_space<vmem>>
    %dma_start3A_380 = tpu.memref_squeeze %dma_start3A_379 : memref<1x1x64xi32, #tpu.memory_space<vmem>> -> memref<64xi32, #tpu.memory_space<vmem>>
    %dma_start3A_381 = arith.constant 0 : i32
    %dma_start3A_382 = arith.constant 0 : i32
    %dma_start3A_383 = tpu.memref_slice %arg12[%dma_start3A_381, %dma_start3A_382] : memref<10112x64xf32, #tpu.memory_space<vmem_shared>> -> memref<10112x64xf32, #tpu.memory_space<vmem_shared>>
    tpu.enqueue_indirect_dma source(%dma_start3A_383 : memref<10112x64xf32, #tpu.memory_space<vmem_shared>>) target(%dma_start3A_377 : memref<64x64xf32, #tpu.memory_space<vmem>>) offsets(%dma_start3A_380 : memref<64xi32, #tpu.memory_space<vmem>>) semaphore(%arg19 : memref<!tpu.dma_semaphore, #tpu.memory_space<semaphore_mem>>)
    %dma_wait3A_384 = arith.constant 0 : i32
    %dma_wait3A_385 = arith.constant 4 : i32
    %dma_wait3A_386 = arith.constant 0 : i32
    %dma_wait3A_387 = arith.constant 0 : i32
    %dma_wait3A_388 = arith.constant 0 : i32
    %dma_wait3A_389 = tpu.memref_slice %arg11[%dma_wait3A_386, %dma_wait3A_387, %dma_wait3A_388] : memref<4x64x64xf32, #tpu.memory_space<vmem>> -> memref<1x64x64xf32, #tpu.memory_space<vmem>>
    %dma_wait3A_390 = tpu.memref_squeeze %dma_wait3A_389 : memref<1x64x64xf32, #tpu.memory_space<vmem>> -> memref<64x64xf32, #tpu.memory_space<vmem>>
    %dma_wait3A_391 = arith.constant 0 : i32
    %dma_wait3A_392 = tpu.memref_slice %arg9[%dma_wait3A_384, %dma_wait3A_385, %dma_wait3A_391] : memref<2x8x64xi32, #tpu.memory_space<vmem>> -> memref<1x1x64xi32, #tpu.memory_space<vmem>>
    %dma_wait3A_393 = tpu.memref_squeeze %dma_wait3A_392 : memref<1x1x64xi32, #tpu.memory_space<vmem>> -> memref<64xi32, #tpu.memory_space<vmem>>
    %dma_wait3A_394 = arith.constant 0 : i32
    %dma_wait3A_395 = arith.constant 0 : i32
    %dma_wait3A_396 = tpu.memref_slice %arg12[%dma_wait3A_394, %dma_wait3A_395] : memref<10112x64xf32, #tpu.memory_space<vmem_shared>> -> memref<10112x64xf32, #tpu.memory_space<vmem_shared>>
    tpu.wait_indirect_dma semaphore(%arg16 : memref<!tpu.dma_semaphore, #tpu.memory_space<semaphore_mem>>) src(%dma_wait3A_396 : memref<10112x64xf32, #tpu.memory_space<vmem_shared>>) dst(%dma_wait3A_390 : memref<64x64xf32, #tpu.memory_space<vmem>>)
    %dma_start3A_397 = arith.constant 0 : i32
    %dma_start3A_398 = arith.constant 0 : i32
    %dma_start3A_399 = arith.constant 4 : i32
    %dma_start3A_400 = arith.constant 0 : i32
    %dma_start3A_401 = arith.constant 0 : i32
    %dma_start3A_402 = tpu.memref_slice %arg11[%dma_start3A_397, %dma_start3A_400, %dma_start3A_401] : memref<4x64x64xf32, #tpu.memory_space<vmem>> -> memref<1x64x64xf32, #tpu.memory_space<vmem>>
    %dma_start3A_403 = tpu.memref_squeeze %dma_start3A_402 : memref<1x64x64xf32, #tpu.memory_space<vmem>> -> memref<64x64xf32, #tpu.memory_space<vmem>>
    %dma_start3A_404 = arith.constant 0 : i32
    %dma_start3A_405 = tpu.memref_slice %arg10[%dma_start3A_398, %dma_start3A_399, %dma_start3A_404] : memref<2x8x64xi32, #tpu.memory_space<vmem>> -> memref<1x1x64xi32, #tpu.memory_space<vmem>>
    %dma_start3A_406 = tpu.memref_squeeze %dma_start3A_405 : memref<1x1x64xi32, #tpu.memory_space<vmem>> -> memref<64xi32, #tpu.memory_space<vmem>>
    %dma_start3A_407 = arith.constant 0 : i32
    %dma_start3A_408 = arith.constant 0 : i32
    %dma_start3A_409 = tpu.memref_slice %arg13[%dma_start3A_407, %dma_start3A_408] : memref<10112x64xf32, #tpu.memory_space<vmem_shared>> -> memref<10112x64xf32, #tpu.memory_space<vmem_shared>>
    tpu.enqueue_indirect_dma source(%dma_start3A_403 : memref<64x64xf32, #tpu.memory_space<vmem>>) target(%dma_start3A_409 : memref<10112x64xf32, #tpu.memory_space<vmem_shared>>) offsets(%dma_start3A_406 : memref<64xi32, #tpu.memory_space<vmem>>) semaphore(%arg20 : memref<!tpu.dma_semaphore, #tpu.memory_space<semaphore_mem>>) {add = true}
    %dma_wait3A_410 = arith.constant 0 : i32
    %dma_wait3A_411 = arith.constant 0 : i32
    %dma_wait3A_412 = arith.constant 4 : i32
    %dma_wait3A_413 = arith.constant 0 : i32
    %dma_wait3A_414 = arith.constant 0 : i32
    %dma_wait3A_415 = tpu.memref_slice %arg11[%dma_wait3A_410, %dma_wait3A_413, %dma_wait3A_414] : memref<4x64x64xf32, #tpu.memory_space<vmem>> -> memref<1x64x64xf32, #tpu.memory_space<vmem>>
    %dma_wait3A_416 = tpu.memref_squeeze %dma_wait3A_415 : memref<1x64x64xf32, #tpu.memory_space<vmem>> -> memref<64x64xf32, #tpu.memory_space<vmem>>
    %dma_wait3A_417 = arith.constant 0 : i32
    %dma_wait3A_418 = tpu.memref_slice %arg10[%dma_wait3A_411, %dma_wait3A_412, %dma_wait3A_417] : memref<2x8x64xi32, #tpu.memory_space<vmem>> -> memref<1x1x64xi32, #tpu.memory_space<vmem>>
    %dma_wait3A_419 = tpu.memref_squeeze %dma_wait3A_418 : memref<1x1x64xi32, #tpu.memory_space<vmem>> -> memref<64xi32, #tpu.memory_space<vmem>>
    %dma_wait3A_420 = arith.constant 0 : i32
    %dma_wait3A_421 = arith.constant 0 : i32
    %dma_wait3A_422 = tpu.memref_slice %arg13[%dma_wait3A_420, %dma_wait3A_421] : memref<10112x64xf32, #tpu.memory_space<vmem_shared>> -> memref<10112x64xf32, #tpu.memory_space<vmem_shared>>
    tpu.wait_indirect_dma semaphore(%arg20 : memref<!tpu.dma_semaphore, #tpu.memory_space<semaphore_mem>>) src(%dma_wait3A_416 : memref<64x64xf32, #tpu.memory_space<vmem>>) dst(%dma_wait3A_422 : memref<10112x64xf32, #tpu.memory_space<vmem_shared>>)
    %dma_wait3A_423 = arith.constant 1 : i32
    %dma_wait3A_424 = arith.constant 1 : i32
    %dma_wait3A_425 = arith.constant 0 : i32
    %dma_wait3A_426 = arith.constant 0 : i32
    %dma_wait3A_427 = tpu.memref_slice %arg9[%dma_wait3A_424, %dma_wait3A_425, %dma_wait3A_426] : memref<2x8x64xi32, #tpu.memory_space<vmem>> -> memref<1x8x64xi32, #tpu.memory_space<vmem>>
    %dma_wait3A_428 = tpu.memref_squeeze %dma_wait3A_427 : memref<1x8x64xi32, #tpu.memory_space<vmem>> -> memref<8x64xi32, #tpu.memory_space<vmem>>
    %dma_wait3A_429 = arith.constant 0 : i32
    %dma_wait3A_430 = arith.constant 0 : i32
    %dma_wait3A_431 = tpu.memref_slice %arg4[%arg1, %dma_wait3A_423, %dma_wait3A_429, %dma_wait3A_430] : memref<16x40x8x64xi32, #tpu.memory_space<hbm>> -> memref<1x1x8x64xi32, #tpu.memory_space<hbm>>
    %dma_wait3A_432 = tpu.memref_squeeze %dma_wait3A_431 : memref<1x1x8x64xi32, #tpu.memory_space<hbm>> -> memref<8x64xi32, #tpu.memory_space<hbm>>
    %dma_wait3A_433 = arith.constant 0 : i32
    %dma_wait3A_434 = arith.constant 0 : i32
    %dma_wait3A_435 = tpu.memref_slice %arg9[%dma_wait3A_424, %dma_wait3A_433, %dma_wait3A_434] : memref<2x8x64xi32, #tpu.memory_space<vmem>> -> memref<1x8x64xi32, #tpu.memory_space<vmem>>
    %dma_wait3A_436 = tpu.memref_squeeze %dma_wait3A_435 : memref<1x8x64xi32, #tpu.memory_space<vmem>> -> memref<8x64xi32, #tpu.memory_space<vmem>>
    %dma_wait3A_437 = arith.constant 0 : i32
    %dma_wait3A_438 = arith.constant 0 : i32
    %dma_wait3A_439 = tpu.memref_slice %arg4[%arg1, %dma_wait3A_423, %dma_wait3A_437, %dma_wait3A_438] : memref<16x40x8x64xi32, #tpu.memory_space<hbm>> -> memref<1x1x8x64xi32, #tpu.memory_space<hbm>>
    %dma_wait3A_440 = tpu.memref_squeeze %dma_wait3A_439 : memref<1x1x8x64xi32, #tpu.memory_space<hbm>> -> memref<8x64xi32, #tpu.memory_space<hbm>>
    tpu.wait_dma2 semaphore(%arg15 : memref<!tpu.dma_semaphore, #tpu.memory_space<semaphore_mem>>) src(%dma_wait3A_440 : memref<8x64xi32, #tpu.memory_space<hbm>>) dst(%dma_wait3A_436 : memref<8x64xi32, #tpu.memory_space<vmem>>)
    %dma_wait3A_441 = arith.constant 1 : i32
    %dma_wait3A_442 = arith.constant 1 : i32
    %dma_wait3A_443 = arith.constant 0 : i32
    %dma_wait3A_444 = arith.constant 0 : i32
    %dma_wait3A_445 = tpu.memref_slice %arg10[%dma_wait3A_442, %dma_wait3A_443, %dma_wait3A_444] : memref<2x8x64xi32, #tpu.memory_space<vmem>> -> memref<1x8x64xi32, #tpu.memory_space<vmem>>
    %dma_wait3A_446 = tpu.memref_squeeze %dma_wait3A_445 : memref<1x8x64xi32, #tpu.memory_space<vmem>> -> memref<8x64xi32, #tpu.memory_space<vmem>>
    %dma_wait3A_447 = arith.constant 0 : i32
    %dma_wait3A_448 = arith.constant 0 : i32
    %dma_wait3A_449 = tpu.memref_slice %arg5[%arg1, %dma_wait3A_441, %dma_wait3A_447, %dma_wait3A_448] : memref<16x40x8x64xi32, #tpu.memory_space<hbm>> -> memref<1x1x8x64xi32, #tpu.memory_space<hbm>>
    %dma_wait3A_450 = tpu.memref_squeeze %dma_wait3A_449 : memref<1x1x8x64xi32, #tpu.memory_space<hbm>> -> memref<8x64xi32, #tpu.memory_space<hbm>>
    %dma_wait3A_451 = arith.constant 0 : i32
    %dma_wait3A_452 = arith.constant 0 : i32
    %dma_wait3A_453 = tpu.memref_slice %arg10[%dma_wait3A_442, %dma_wait3A_451, %dma_wait3A_452] : memref<2x8x64xi32, #tpu.memory_space<vmem>> -> memref<1x8x64xi32, #tpu.memory_space<vmem>>
    %dma_wait3A_454 = tpu.memref_squeeze %dma_wait3A_453 : memref<1x8x64xi32, #tpu.memory_space<vmem>> -> memref<8x64xi32, #tpu.memory_space<vmem>>
    %dma_wait3A_455 = arith.constant 0 : i32
    %dma_wait3A_456 = arith.constant 0 : i32
    %dma_wait3A_457 = tpu.memref_slice %arg5[%arg1, %dma_wait3A_441, %dma_wait3A_455, %dma_wait3A_456] : memref<16x40x8x64xi32, #tpu.memory_space<hbm>> -> memref<1x1x8x64xi32, #tpu.memory_space<hbm>>
    %dma_wait3A_458 = tpu.memref_squeeze %dma_wait3A_457 : memref<1x1x8x64xi32, #tpu.memory_space<hbm>> -> memref<8x64xi32, #tpu.memory_space<hbm>>
    tpu.wait_dma2 semaphore(%arg15 : memref<!tpu.dma_semaphore, #tpu.memory_space<semaphore_mem>>) src(%dma_wait3A_458 : memref<8x64xi32, #tpu.memory_space<hbm>>) dst(%dma_wait3A_454 : memref<8x64xi32, #tpu.memory_space<vmem>>)
    %dma_start3A_459 = arith.constant 1 : i32
    %dma_start3A_460 = arith.constant 0 : i32
    %dma_start3A_461 = arith.constant 0 : i32
    %dma_start3A_462 = arith.constant 0 : i32
    %dma_start3A_463 = arith.constant 0 : i32
    %dma_start3A_464 = tpu.memref_slice %arg11[%dma_start3A_461, %dma_start3A_462, %dma_start3A_463] : memref<4x64x64xf32, #tpu.memory_space<vmem>> -> memref<1x64x64xf32, #tpu.memory_space<vmem>>
    %dma_start3A_465 = tpu.memref_squeeze %dma_start3A_464 : memref<1x64x64xf32, #tpu.memory_space<vmem>> -> memref<64x64xf32, #tpu.memory_space<vmem>>
    %dma_start3A_466 = arith.constant 0 : i32
    %dma_start3A_467 = tpu.memref_slice %arg9[%dma_start3A_459, %dma_start3A_460, %dma_start3A_466] : memref<2x8x64xi32, #tpu.memory_space<vmem>> -> memref<1x1x64xi32, #tpu.memory_space<vmem>>
    %dma_start3A_468 = tpu.memref_squeeze %dma_start3A_467 : memref<1x1x64xi32, #tpu.memory_space<vmem>> -> memref<64xi32, #tpu.memory_space<vmem>>
    %dma_start3A_469 = arith.constant 0 : i32
    %dma_start3A_470 = arith.constant 0 : i32
    %dma_start3A_471 = tpu.memref_slice %arg12[%dma_start3A_469, %dma_start3A_470] : memref<10112x64xf32, #tpu.memory_space<vmem_shared>> -> memref<10112x64xf32, #tpu.memory_space<vmem_shared>>
    tpu.enqueue_indirect_dma source(%dma_start3A_471 : memref<10112x64xf32, #tpu.memory_space<vmem_shared>>) target(%dma_start3A_465 : memref<64x64xf32, #tpu.memory_space<vmem>>) offsets(%dma_start3A_468 : memref<64xi32, #tpu.memory_space<vmem>>) semaphore(%arg16 : memref<!tpu.dma_semaphore, #tpu.memory_space<semaphore_mem>>)
    %dma_wait3A_472 = arith.constant 0 : i32
    %dma_wait3A_473 = arith.constant 5 : i32
    %dma_wait3A_474 = arith.constant 1 : i32
    %dma_wait3A_475 = arith.constant 0 : i32
    %dma_wait3A_476 = arith.constant 0 : i32
    %dma_wait3A_477 = tpu.memref_slice %arg11[%dma_wait3A_474, %dma_wait3A_475, %dma_wait3A_476] : memref<4x64x64xf32, #tpu.memory_space<vmem>> -> memref<1x64x64xf32, #tpu.memory_space<vmem>>
    %dma_wait3A_478 = tpu.memref_squeeze %dma_wait3A_477 : memref<1x64x64xf32, #tpu.memory_space<vmem>> -> memref<64x64xf32, #tpu.memory_space<vmem>>
    %dma_wait3A_479 = arith.constant 0 : i32
    %dma_wait3A_480 = tpu.memref_slice %arg9[%dma_wait3A_472, %dma_wait3A_473, %dma_wait3A_479] : memref<2x8x64xi32, #tpu.memory_space<vmem>> -> memref<1x1x64xi32, #tpu.memory_space<vmem>>
    %dma_wait3A_481 = tpu.memref_squeeze %dma_wait3A_480 : memref<1x1x64xi32, #tpu.memory_space<vmem>> -> memref<64xi32, #tpu.memory_space<vmem>>
    %dma_wait3A_482 = arith.constant 0 : i32
    %dma_wait3A_483 = arith.constant 0 : i32
    %dma_wait3A_484 = tpu.memref_slice %arg12[%dma_wait3A_482, %dma_wait3A_483] : memref<10112x64xf32, #tpu.memory_space<vmem_shared>> -> memref<10112x64xf32, #tpu.memory_space<vmem_shared>>
    tpu.wait_indirect_dma semaphore(%arg17 : memref<!tpu.dma_semaphore, #tpu.memory_space<semaphore_mem>>) src(%dma_wait3A_484 : memref<10112x64xf32, #tpu.memory_space<vmem_shared>>) dst(%dma_wait3A_478 : memref<64x64xf32, #tpu.memory_space<vmem>>)
    %dma_start3A_485 = arith.constant 1 : i32
    %dma_start3A_486 = arith.constant 0 : i32
    %dma_start3A_487 = arith.constant 5 : i32
    %dma_start3A_488 = arith.constant 0 : i32
    %dma_start3A_489 = arith.constant 0 : i32
    %dma_start3A_490 = tpu.memref_slice %arg11[%dma_start3A_485, %dma_start3A_488, %dma_start3A_489] : memref<4x64x64xf32, #tpu.memory_space<vmem>> -> memref<1x64x64xf32, #tpu.memory_space<vmem>>
    %dma_start3A_491 = tpu.memref_squeeze %dma_start3A_490 : memref<1x64x64xf32, #tpu.memory_space<vmem>> -> memref<64x64xf32, #tpu.memory_space<vmem>>
    %dma_start3A_492 = arith.constant 0 : i32
    %dma_start3A_493 = tpu.memref_slice %arg10[%dma_start3A_486, %dma_start3A_487, %dma_start3A_492] : memref<2x8x64xi32, #tpu.memory_space<vmem>> -> memref<1x1x64xi32, #tpu.memory_space<vmem>>
    %dma_start3A_494 = tpu.memref_squeeze %dma_start3A_493 : memref<1x1x64xi32, #tpu.memory_space<vmem>> -> memref<64xi32, #tpu.memory_space<vmem>>
    %dma_start3A_495 = arith.constant 0 : i32
    %dma_start3A_496 = arith.constant 0 : i32
    %dma_start3A_497 = tpu.memref_slice %arg13[%dma_start3A_495, %dma_start3A_496] : memref<10112x64xf32, #tpu.memory_space<vmem_shared>> -> memref<10112x64xf32, #tpu.memory_space<vmem_shared>>
    tpu.enqueue_indirect_dma source(%dma_start3A_491 : memref<64x64xf32, #tpu.memory_space<vmem>>) target(%dma_start3A_497 : memref<10112x64xf32, #tpu.memory_space<vmem_shared>>) offsets(%dma_start3A_494 : memref<64xi32, #tpu.memory_space<vmem>>) semaphore(%arg21 : memref<!tpu.dma_semaphore, #tpu.memory_space<semaphore_mem>>) {add = true}
    %dma_wait3A_498 = arith.constant 1 : i32
    %dma_wait3A_499 = arith.constant 0 : i32
    %dma_wait3A_500 = arith.constant 5 : i32
    %dma_wait3A_501 = arith.constant 0 : i32
    %dma_wait3A_502 = arith.constant 0 : i32
    %dma_wait3A_503 = tpu.memref_slice %arg11[%dma_wait3A_498, %dma_wait3A_501, %dma_wait3A_502] : memref<4x64x64xf32, #tpu.memory_space<vmem>> -> memref<1x64x64xf32, #tpu.memory_space<vmem>>
    %dma_wait3A_504 = tpu.memref_squeeze %dma_wait3A_503 : memref<1x64x64xf32, #tpu.memory_space<vmem>> -> memref<64x64xf32, #tpu.memory_space<vmem>>
    %dma_wait3A_505 = arith.constant 0 : i32
    %dma_wait3A_506 = tpu.memref_slice %arg10[%dma_wait3A_499, %dma_wait3A_500, %dma_wait3A_505] : memref<2x8x64xi32, #tpu.memory_space<vmem>> -> memref<1x1x64xi32, #tpu.memory_space<vmem>>
    %dma_wait3A_507 = tpu.memref_squeeze %dma_wait3A_506 : memref<1x1x64xi32, #tpu.memory_space<vmem>> -> memref<64xi32, #tpu.memory_space<vmem>>
    %dma_wait3A_508 = arith.constant 0 : i32
    %dma_wait3A_509 = arith.constant 0 : i32
    %dma_wait3A_510 = tpu.memref_slice %arg13[%dma_wait3A_508, %dma_wait3A_509] : memref<10112x64xf32, #tpu.memory_space<vmem_shared>> -> memref<10112x64xf32, #tpu.memory_space<vmem_shared>>
    tpu.wait_indirect_dma semaphore(%arg21 : memref<!tpu.dma_semaphore, #tpu.memory_space<semaphore_mem>>) src(%dma_wait3A_504 : memref<64x64xf32, #tpu.memory_space<vmem>>) dst(%dma_wait3A_510 : memref<10112x64xf32, #tpu.memory_space<vmem_shared>>)
    %dma_start3A_511 = arith.constant 1 : i32
    %dma_start3A_512 = arith.constant 1 : i32
    %dma_start3A_513 = arith.constant 1 : i32
    %dma_start3A_514 = arith.constant 0 : i32
    %dma_start3A_515 = arith.constant 0 : i32
    %dma_start3A_516 = tpu.memref_slice %arg11[%dma_start3A_513, %dma_start3A_514, %dma_start3A_515] : memref<4x64x64xf32, #tpu.memory_space<vmem>> -> memref<1x64x64xf32, #tpu.memory_space<vmem>>
    %dma_start3A_517 = tpu.memref_squeeze %dma_start3A_516 : memref<1x64x64xf32, #tpu.memory_space<vmem>> -> memref<64x64xf32, #tpu.memory_space<vmem>>
    %dma_start3A_518 = arith.constant 0 : i32
    %dma_start3A_519 = tpu.memref_slice %arg9[%dma_start3A_511, %dma_start3A_512, %dma_start3A_518] : memref<2x8x64xi32, #tpu.memory_space<vmem>> -> memref<1x1x64xi32, #tpu.memory_space<vmem>>
    %dma_start3A_520 = tpu.memref_squeeze %dma_start3A_519 : memref<1x1x64xi32, #tpu.memory_space<vmem>> -> memref<64xi32, #tpu.memory_space<vmem>>
    %dma_start3A_521 = arith.constant 0 : i32
    %dma_start3A_522 = arith.constant 0 : i32
    %dma_start3A_523 = tpu.memref_slice %arg12[%dma_start3A_521, %dma_start3A_522] : memref<10112x64xf32, #tpu.memory_space<vmem_shared>> -> memref<10112x64xf32, #tpu.memory_space<vmem_shared>>
    tpu.enqueue_indirect_dma source(%dma_start3A_523 : memref<10112x64xf32, #tpu.memory_space<vmem_shared>>) target(%dma_start3A_517 : memref<64x64xf32, #tpu.memory_space<vmem>>) offsets(%dma_start3A_520 : memref<64xi32, #tpu.memory_space<vmem>>) semaphore(%arg17 : memref<!tpu.dma_semaphore, #tpu.memory_space<semaphore_mem>>)
    %dma_wait3A_524 = arith.constant 0 : i32
    %dma_wait3A_525 = arith.constant 6 : i32
    %dma_wait3A_526 = arith.constant 2 : i32
    %dma_wait3A_527 = arith.constant 0 : i32
    %dma_wait3A_528 = arith.constant 0 : i32
    %dma_wait3A_529 = tpu.memref_slice %arg11[%dma_wait3A_526, %dma_wait3A_527, %dma_wait3A_528] : memref<4x64x64xf32, #tpu.memory_space<vmem>> -> memref<1x64x64xf32, #tpu.memory_space<vmem>>
    %dma_wait3A_530 = tpu.memref_squeeze %dma_wait3A_529 : memref<1x64x64xf32, #tpu.memory_space<vmem>> -> memref<64x64xf32, #tpu.memory_space<vmem>>
    %dma_wait3A_531 = arith.constant 0 : i32
    %dma_wait3A_532 = tpu.memref_slice %arg9[%dma_wait3A_524, %dma_wait3A_525, %dma_wait3A_531] : memref<2x8x64xi32, #tpu.memory_space<vmem>> -> memref<1x1x64xi32, #tpu.memory_space<vmem>>
    %dma_wait3A_533 = tpu.memref_squeeze %dma_wait3A_532 : memref<1x1x64xi32, #tpu.memory_space<vmem>> -> memref<64xi32, #tpu.memory_space<vmem>>
    %dma_wait3A_534 = arith.constant 0 : i32
    %dma_wait3A_535 = arith.constant 0 : i32
    %dma_wait3A_536 = tpu.memref_slice %arg12[%dma_wait3A_534, %dma_wait3A_535] : memref<10112x64xf32, #tpu.memory_space<vmem_shared>> -> memref<10112x64xf32, #tpu.memory_space<vmem_shared>>
    tpu.wait_indirect_dma semaphore(%arg18 : memref<!tpu.dma_semaphore, #tpu.memory_space<semaphore_mem>>) src(%dma_wait3A_536 : memref<10112x64xf32, #tpu.memory_space<vmem_shared>>) dst(%dma_wait3A_530 : memref<64x64xf32, #tpu.memory_space<vmem>>)
    %dma_start3A_537 = arith.constant 2 : i32
    %dma_start3A_538 = arith.constant 0 : i32
    %dma_start3A_539 = arith.constant 6 : i32
    %dma_start3A_540 = arith.constant 0 : i32
    %dma_start3A_541 = arith.constant 0 : i32
    %dma_start3A_542 = tpu.memref_slice %arg11[%dma_start3A_537, %dma_start3A_540, %dma_start3A_541] : memref<4x64x64xf32, #tpu.memory_space<vmem>> -> memref<1x64x64xf32, #tpu.memory_space<vmem>>
    %dma_start3A_543 = tpu.memref_squeeze %dma_start3A_542 : memref<1x64x64xf32, #tpu.memory_space<vmem>> -> memref<64x64xf32, #tpu.memory_space<vmem>>
    %dma_start3A_544 = arith.constant 0 : i32
    %dma_start3A_545 = tpu.memref_slice %arg10[%dma_start3A_538, %dma_start3A_539, %dma_start3A_544] : memref<2x8x64xi32, #tpu.memory_space<vmem>> -> memref<1x1x64xi32, #tpu.memory_space<vmem>>
    %dma_start3A_546 = tpu.memref_squeeze %dma_start3A_545 : memref<1x1x64xi32, #tpu.memory_space<vmem>> -> memref<64xi32, #tpu.memory_space<vmem>>
    %dma_start3A_547 = arith.constant 0 : i32
    %dma_start3A_548 = arith.constant 0 : i32
    %dma_start3A_549 = tpu.memref_slice %arg13[%dma_start3A_547, %dma_start3A_548] : memref<10112x64xf32, #tpu.memory_space<vmem_shared>> -> memref<10112x64xf32, #tpu.memory_space<vmem_shared>>
    tpu.enqueue_indirect_dma source(%dma_start3A_543 : memref<64x64xf32, #tpu.memory_space<vmem>>) target(%dma_start3A_549 : memref<10112x64xf32, #tpu.memory_space<vmem_shared>>) offsets(%dma_start3A_546 : memref<64xi32, #tpu.memory_space<vmem>>) semaphore(%arg22 : memref<!tpu.dma_semaphore, #tpu.memory_space<semaphore_mem>>) {add = true}
    %dma_wait3A_550 = arith.constant 2 : i32
    %dma_wait3A_551 = arith.constant 0 : i32
    %dma_wait3A_552 = arith.constant 6 : i32
    %dma_wait3A_553 = arith.constant 0 : i32
    %dma_wait3A_554 = arith.constant 0 : i32
    %dma_wait3A_555 = tpu.memref_slice %arg11[%dma_wait3A_550, %dma_wait3A_553, %dma_wait3A_554] : memref<4x64x64xf32, #tpu.memory_space<vmem>> -> memref<1x64x64xf32, #tpu.memory_space<vmem>>
    %dma_wait3A_556 = tpu.memref_squeeze %dma_wait3A_555 : memref<1x64x64xf32, #tpu.memory_space<vmem>> -> memref<64x64xf32, #tpu.memory_space<vmem>>
    %dma_wait3A_557 = arith.constant 0 : i32
    %dma_wait3A_558 = tpu.memref_slice %arg10[%dma_wait3A_551, %dma_wait3A_552, %dma_wait3A_557] : memref<2x8x64xi32, #tpu.memory_space<vmem>> -> memref<1x1x64xi32, #tpu.memory_space<vmem>>
    %dma_wait3A_559 = tpu.memref_squeeze %dma_wait3A_558 : memref<1x1x64xi32, #tpu.memory_space<vmem>> -> memref<64xi32, #tpu.memory_space<vmem>>
    %dma_wait3A_560 = arith.constant 0 : i32
    %dma_wait3A_561 = arith.constant 0 : i32
    %dma_wait3A_562 = tpu.memref_slice %arg13[%dma_wait3A_560, %dma_wait3A_561] : memref<10112x64xf32, #tpu.memory_space<vmem_shared>> -> memref<10112x64xf32, #tpu.memory_space<vmem_shared>>
    tpu.wait_indirect_dma semaphore(%arg22 : memref<!tpu.dma_semaphore, #tpu.memory_space<semaphore_mem>>) src(%dma_wait3A_556 : memref<64x64xf32, #tpu.memory_space<vmem>>) dst(%dma_wait3A_562 : memref<10112x64xf32, #tpu.memory_space<vmem_shared>>)
    %dma_start3A_563 = arith.constant 1 : i32
    %dma_start3A_564 = arith.constant 2 : i32
    %dma_start3A_565 = arith.constant 2 : i32
    %dma_start3A_566 = arith.constant 0 : i32
    %dma_start3A_567 = arith.constant 0 : i32
    %dma_start3A_568 = tpu.memref_slice %arg11[%dma_start3A_565, %dma_start3A_566, %dma_start3A_567] : memref<4x64x64xf32, #tpu.memory_space<vmem>> -> memref<1x64x64xf32, #tpu.memory_space<vmem>>
    %dma_start3A_569 = tpu.memref_squeeze %dma_start3A_568 : memref<1x64x64xf32, #tpu.memory_space<vmem>> -> memref<64x64xf32, #tpu.memory_space<vmem>>
    %dma_start3A_570 = arith.constant 0 : i32
    %dma_start3A_571 = tpu.memref_slice %arg9[%dma_start3A_563, %dma_start3A_564, %dma_start3A_570] : memref<2x8x64xi32, #tpu.memory_space<vmem>> -> memref<1x1x64xi32, #tpu.memory_space<vmem>>
    %dma_start3A_572 = tpu.memref_squeeze %dma_start3A_571 : memref<1x1x64xi32, #tpu.memory_space<vmem>> -> memref<64xi32, #tpu.memory_space<vmem>>
    %dma_start3A_573 = arith.constant 0 : i32
    %dma_start3A_574 = arith.constant 0 : i32
    %dma_start3A_575 = tpu.memref_slice %arg12[%dma_start3A_573, %dma_start3A_574] : memref<10112x64xf32, #tpu.memory_space<vmem_shared>> -> memref<10112x64xf32, #tpu.memory_space<vmem_shared>>
    tpu.enqueue_indirect_dma source(%dma_start3A_575 : memref<10112x64xf32, #tpu.memory_space<vmem_shared>>) target(%dma_start3A_569 : memref<64x64xf32, #tpu.memory_space<vmem>>) offsets(%dma_start3A_572 : memref<64xi32, #tpu.memory_space<vmem>>) semaphore(%arg18 : memref<!tpu.dma_semaphore, #tpu.memory_space<semaphore_mem>>)
    %dma_wait3A_576 = arith.constant 0 : i32
    %dma_wait3A_577 = arith.constant 7 : i32
    %dma_wait3A_578 = arith.constant 3 : i32
    %dma_wait3A_579 = arith.constant 0 : i32
    %dma_wait3A_580 = arith.constant 0 : i32
    %dma_wait3A_581 = tpu.memref_slice %arg11[%dma_wait3A_578, %dma_wait3A_579, %dma_wait3A_580] : memref<4x64x64xf32, #tpu.memory_space<vmem>> -> memref<1x64x64xf32, #tpu.memory_space<vmem>>
    %dma_wait3A_582 = tpu.memref_squeeze %dma_wait3A_581 : memref<1x64x64xf32, #tpu.memory_space<vmem>> -> memref<64x64xf32, #tpu.memory_space<vmem>>
    %dma_wait3A_583 = arith.constant 0 : i32
    %dma_wait3A_584 = tpu.memref_slice %arg9[%dma_wait3A_576, %dma_wait3A_577, %dma_wait3A_583] : memref<2x8x64xi32, #tpu.memory_space<vmem>> -> memref<1x1x64xi32, #tpu.memory_space<vmem>>
    %dma_wait3A_585 = tpu.memref_squeeze %dma_wait3A_584 : memref<1x1x64xi32, #tpu.memory_space<vmem>> -> memref<64xi32, #tpu.memory_space<vmem>>
    %dma_wait3A_586 = arith.constant 0 : i32
    %dma_wait3A_587 = arith.constant 0 : i32
    %dma_wait3A_588 = tpu.memref_slice %arg12[%dma_wait3A_586, %dma_wait3A_587] : memref<10112x64xf32, #tpu.memory_space<vmem_shared>> -> memref<10112x64xf32, #tpu.memory_space<vmem_shared>>
    tpu.wait_indirect_dma semaphore(%arg19 : memref<!tpu.dma_semaphore, #tpu.memory_space<semaphore_mem>>) src(%dma_wait3A_588 : memref<10112x64xf32, #tpu.memory_space<vmem_shared>>) dst(%dma_wait3A_582 : memref<64x64xf32, #tpu.memory_space<vmem>>)
    %dma_start3A_589 = arith.constant 3 : i32
    %dma_start3A_590 = arith.constant 0 : i32
    %dma_start3A_591 = arith.constant 7 : i32
    %dma_start3A_592 = arith.constant 0 : i32
    %dma_start3A_593 = arith.constant 0 : i32
    %dma_start3A_594 = tpu.memref_slice %arg11[%dma_start3A_589, %dma_start3A_592, %dma_start3A_593] : memref<4x64x64xf32, #tpu.memory_space<vmem>> -> memref<1x64x64xf32, #tpu.memory_space<vmem>>
    %dma_start3A_595 = tpu.memref_squeeze %dma_start3A_594 : memref<1x64x64xf32, #tpu.memory_space<vmem>> -> memref<64x64xf32, #tpu.memory_space<vmem>>
    %dma_start3A_596 = arith.constant 0 : i32
    %dma_start3A_597 = tpu.memref_slice %arg10[%dma_start3A_590, %dma_start3A_591, %dma_start3A_596] : memref<2x8x64xi32, #tpu.memory_space<vmem>> -> memref<1x1x64xi32, #tpu.memory_space<vmem>>
    %dma_start3A_598 = tpu.memref_squeeze %dma_start3A_597 : memref<1x1x64xi32, #tpu.memory_space<vmem>> -> memref<64xi32, #tpu.memory_space<vmem>>
    %dma_start3A_599 = arith.constant 0 : i32
    %dma_start3A_600 = arith.constant 0 : i32
    %dma_start3A_601 = tpu.memref_slice %arg13[%dma_start3A_599, %dma_start3A_600] : memref<10112x64xf32, #tpu.memory_space<vmem_shared>> -> memref<10112x64xf32, #tpu.memory_space<vmem_shared>>
    tpu.enqueue_indirect_dma source(%dma_start3A_595 : memref<64x64xf32, #tpu.memory_space<vmem>>) target(%dma_start3A_601 : memref<10112x64xf32, #tpu.memory_space<vmem_shared>>) offsets(%dma_start3A_598 : memref<64xi32, #tpu.memory_space<vmem>>) semaphore(%arg23 : memref<!tpu.dma_semaphore, #tpu.memory_space<semaphore_mem>>) {add = true}
    %scan3A = arith.constant 0 : i32
    %scan3A_602 = arith.constant 19 : i32
    %scan3A_603 = arith.addi %scan3A, %scan3A_602 : i32
    %scan3A_604 = arith.constant 1 : i32
    scf.for %scan3A_1007 = %scan3A to %scan3A_603 step %scan3A_604  : i32 {
      %mul3A_1008 = arith.constant 2 : i32
      %mul3A_1009 = arith.muli %scan3A_1007, %mul3A_1008 : i32
      %add3A = arith.constant 1 : i32
      %add3A_1010 = arith.addi %mul3A_1009, %add3A : i32
      %dma_wait3A_1011 = arith.constant 3 : i32
      %dma_wait3A_1012 = arith.constant 0 : i32
      %dma_wait3A_1013 = arith.constant 7 : i32
      %dma_wait3A_1014 = arith.constant 0 : i32
      %dma_wait3A_1015 = arith.constant 0 : i32
      %dma_wait3A_1016 = tpu.memref_slice %arg11[%dma_wait3A_1011, %dma_wait3A_1014, %dma_wait3A_1015] : memref<4x64x64xf32, #tpu.memory_space<vmem>> -> memref<1x64x64xf32, #tpu.memory_space<vmem>>
      %dma_wait3A_1017 = tpu.memref_squeeze %dma_wait3A_1016 : memref<1x64x64xf32, #tpu.memory_space<vmem>> -> memref<64x64xf32, #tpu.memory_space<vmem>>
      %dma_wait3A_1018 = arith.constant 0 : i32
      %dma_wait3A_1019 = tpu.memref_slice %arg10[%dma_wait3A_1012, %dma_wait3A_1013, %dma_wait3A_1018] : memref<2x8x64xi32, #tpu.memory_space<vmem>> -> memref<1x1x64xi32, #tpu.memory_space<vmem>>
      %dma_wait3A_1020 = tpu.memref_squeeze %dma_wait3A_1019 : memref<1x1x64xi32, #tpu.memory_space<vmem>> -> memref<64xi32, #tpu.memory_space<vmem>>
      %dma_wait3A_1021 = arith.constant 0 : i32
      %dma_wait3A_1022 = arith.constant 0 : i32
      %dma_wait3A_1023 = tpu.memref_slice %arg13[%dma_wait3A_1021, %dma_wait3A_1022] : memref<10112x64xf32, #tpu.memory_space<vmem_shared>> -> memref<10112x64xf32, #tpu.memory_space<vmem_shared>>
      tpu.wait_indirect_dma semaphore(%arg23 : memref<!tpu.dma_semaphore, #tpu.memory_space<semaphore_mem>>) src(%dma_wait3A_1017 : memref<64x64xf32, #tpu.memory_space<vmem>>) dst(%dma_wait3A_1023 : memref<10112x64xf32, #tpu.memory_space<vmem_shared>>)
      %dma_start3A_1024 = arith.constant 1 : i32
      %dma_start3A_1025 = arith.constant 3 : i32
      %dma_start3A_1026 = arith.constant 3 : i32
      %dma_start3A_1027 = arith.constant 0 : i32
      %dma_start3A_1028 = arith.constant 0 : i32
      %dma_start3A_1029 = tpu.memref_slice %arg11[%dma_start3A_1026, %dma_start3A_1027, %dma_start3A_1028] : memref<4x64x64xf32, #tpu.memory_space<vmem>> -> memref<1x64x64xf32, #tpu.memory_space<vmem>>
      %dma_start3A_1030 = tpu.memref_squeeze %dma_start3A_1029 : memref<1x64x64xf32, #tpu.memory_space<vmem>> -> memref<64x64xf32, #tpu.memory_space<vmem>>
      %dma_start3A_1031 = arith.constant 0 : i32
      %dma_start3A_1032 = tpu.memref_slice %arg9[%dma_start3A_1024, %dma_start3A_1025, %dma_start3A_1031] : memref<2x8x64xi32, #tpu.memory_space<vmem>> -> memref<1x1x64xi32, #tpu.memory_space<vmem>>
      %dma_start3A_1033 = tpu.memref_squeeze %dma_start3A_1032 : memref<1x1x64xi32, #tpu.memory_space<vmem>> -> memref<64xi32, #tpu.memory_space<vmem>>
      %dma_start3A_1034 = arith.constant 0 : i32
      %dma_start3A_1035 = arith.constant 0 : i32
      %dma_start3A_1036 = tpu.memref_slice %arg12[%dma_start3A_1034, %dma_start3A_1035] : memref<10112x64xf32, #tpu.memory_space<vmem_shared>> -> memref<10112x64xf32, #tpu.memory_space<vmem_shared>>
      tpu.enqueue_indirect_dma source(%dma_start3A_1036 : memref<10112x64xf32, #tpu.memory_space<vmem_shared>>) target(%dma_start3A_1030 : memref<64x64xf32, #tpu.memory_space<vmem>>) offsets(%dma_start3A_1033 : memref<64xi32, #tpu.memory_space<vmem>>) semaphore(%arg19 : memref<!tpu.dma_semaphore, #tpu.memory_space<semaphore_mem>>)
      %dma_wait3A_1037 = arith.constant 1 : i32
      %dma_wait3A_1038 = arith.constant 0 : i32
      %dma_wait3A_1039 = arith.constant 0 : i32
      %dma_wait3A_1040 = arith.constant 0 : i32
      %dma_wait3A_1041 = arith.constant 0 : i32
      %dma_wait3A_1042 = tpu.memref_slice %arg11[%dma_wait3A_1039, %dma_wait3A_1040, %dma_wait3A_1041] : memref<4x64x64xf32, #tpu.memory_space<vmem>> -> memref<1x64x64xf32, #tpu.memory_space<vmem>>
      %dma_wait3A_1043 = tpu.memref_squeeze %dma_wait3A_1042 : memref<1x64x64xf32, #tpu.memory_space<vmem>> -> memref<64x64xf32, #tpu.memory_space<vmem>>
      %dma_wait3A_1044 = arith.constant 0 : i32
      %dma_wait3A_1045 = tpu.memref_slice %arg9[%dma_wait3A_1037, %dma_wait3A_1038, %dma_wait3A_1044] : memref<2x8x64xi32, #tpu.memory_space<vmem>> -> memref<1x1x64xi32, #tpu.memory_space<vmem>>
      %dma_wait3A_1046 = tpu.memref_squeeze %dma_wait3A_1045 : memref<1x1x64xi32, #tpu.memory_space<vmem>> -> memref<64xi32, #tpu.memory_space<vmem>>
      %dma_wait3A_1047 = arith.constant 0 : i32
      %dma_wait3A_1048 = arith.constant 0 : i32
      %dma_wait3A_1049 = tpu.memref_slice %arg12[%dma_wait3A_1047, %dma_wait3A_1048] : memref<10112x64xf32, #tpu.memory_space<vmem_shared>> -> memref<10112x64xf32, #tpu.memory_space<vmem_shared>>
      tpu.wait_indirect_dma semaphore(%arg16 : memref<!tpu.dma_semaphore, #tpu.memory_space<semaphore_mem>>) src(%dma_wait3A_1049 : memref<10112x64xf32, #tpu.memory_space<vmem_shared>>) dst(%dma_wait3A_1043 : memref<64x64xf32, #tpu.memory_space<vmem>>)
      %dma_start3A_1050 = arith.constant 0 : i32
      %dma_start3A_1051 = arith.constant 1 : i32
      %dma_start3A_1052 = arith.constant 0 : i32
      %dma_start3A_1053 = arith.constant 0 : i32
      %dma_start3A_1054 = arith.constant 0 : i32
      %dma_start3A_1055 = tpu.memref_slice %arg11[%dma_start3A_1050, %dma_start3A_1053, %dma_start3A_1054] : memref<4x64x64xf32, #tpu.memory_space<vmem>> -> memref<1x64x64xf32, #tpu.memory_space<vmem>>
      %dma_start3A_1056 = tpu.memref_squeeze %dma_start3A_1055 : memref<1x64x64xf32, #tpu.memory_space<vmem>> -> memref<64x64xf32, #tpu.memory_space<vmem>>
      %dma_start3A_1057 = arith.constant 0 : i32
      %dma_start3A_1058 = tpu.memref_slice %arg10[%dma_start3A_1051, %dma_start3A_1052, %dma_start3A_1057] : memref<2x8x64xi32, #tpu.memory_space<vmem>> -> memref<1x1x64xi32, #tpu.memory_space<vmem>>
      %dma_start3A_1059 = tpu.memref_squeeze %dma_start3A_1058 : memref<1x1x64xi32, #tpu.memory_space<vmem>> -> memref<64xi32, #tpu.memory_space<vmem>>
      %dma_start3A_1060 = arith.constant 0 : i32
      %dma_start3A_1061 = arith.constant 0 : i32
      %dma_start3A_1062 = tpu.memref_slice %arg13[%dma_start3A_1060, %dma_start3A_1061] : memref<10112x64xf32, #tpu.memory_space<vmem_shared>> -> memref<10112x64xf32, #tpu.memory_space<vmem_shared>>
      tpu.enqueue_indirect_dma source(%dma_start3A_1056 : memref<64x64xf32, #tpu.memory_space<vmem>>) target(%dma_start3A_1062 : memref<10112x64xf32, #tpu.memory_space<vmem_shared>>) offsets(%dma_start3A_1059 : memref<64xi32, #tpu.memory_space<vmem>>) semaphore(%arg20 : memref<!tpu.dma_semaphore, #tpu.memory_space<semaphore_mem>>) {add = true}
      %dma_wait3A_1063 = arith.constant 0 : i32
      %dma_wait3A_1064 = arith.constant 1 : i32
      %dma_wait3A_1065 = arith.constant 0 : i32
      %dma_wait3A_1066 = arith.constant 0 : i32
      %dma_wait3A_1067 = arith.constant 0 : i32
      %dma_wait3A_1068 = tpu.memref_slice %arg11[%dma_wait3A_1063, %dma_wait3A_1066, %dma_wait3A_1067] : memref<4x64x64xf32, #tpu.memory_space<vmem>> -> memref<1x64x64xf32, #tpu.memory_space<vmem>>
      %dma_wait3A_1069 = tpu.memref_squeeze %dma_wait3A_1068 : memref<1x64x64xf32, #tpu.memory_space<vmem>> -> memref<64x64xf32, #tpu.memory_space<vmem>>
      %dma_wait3A_1070 = arith.constant 0 : i32
      %dma_wait3A_1071 = tpu.memref_slice %arg10[%dma_wait3A_1064, %dma_wait3A_1065, %dma_wait3A_1070] : memref<2x8x64xi32, #tpu.memory_space<vmem>> -> memref<1x1x64xi32, #tpu.memory_space<vmem>>
      %dma_wait3A_1072 = tpu.memref_squeeze %dma_wait3A_1071 : memref<1x1x64xi32, #tpu.memory_space<vmem>> -> memref<64xi32, #tpu.memory_space<vmem>>
      %dma_wait3A_1073 = arith.constant 0 : i32
      %dma_wait3A_1074 = arith.constant 0 : i32
      %dma_wait3A_1075 = tpu.memref_slice %arg13[%dma_wait3A_1073, %dma_wait3A_1074] : memref<10112x64xf32, #tpu.memory_space<vmem_shared>> -> memref<10112x64xf32, #tpu.memory_space<vmem_shared>>
      tpu.wait_indirect_dma semaphore(%arg20 : memref<!tpu.dma_semaphore, #tpu.memory_space<semaphore_mem>>) src(%dma_wait3A_1069 : memref<64x64xf32, #tpu.memory_space<vmem>>) dst(%dma_wait3A_1075 : memref<10112x64xf32, #tpu.memory_space<vmem_shared>>)
      %dma_start3A_1076 = arith.constant 1 : i32
      %dma_start3A_1077 = arith.constant 4 : i32
      %dma_start3A_1078 = arith.constant 0 : i32
      %dma_start3A_1079 = arith.constant 0 : i32
      %dma_start3A_1080 = arith.constant 0 : i32
      %dma_start3A_1081 = tpu.memref_slice %arg11[%dma_start3A_1078, %dma_start3A_1079, %dma_start3A_1080] : memref<4x64x64xf32, #tpu.memory_space<vmem>> -> memref<1x64x64xf32, #tpu.memory_space<vmem>>
      %dma_start3A_1082 = tpu.memref_squeeze %dma_start3A_1081 : memref<1x64x64xf32, #tpu.memory_space<vmem>> -> memref<64x64xf32, #tpu.memory_space<vmem>>
      %dma_start3A_1083 = arith.constant 0 : i32
      %dma_start3A_1084 = tpu.memref_slice %arg9[%dma_start3A_1076, %dma_start3A_1077, %dma_start3A_1083] : memref<2x8x64xi32, #tpu.memory_space<vmem>> -> memref<1x1x64xi32, #tpu.memory_space<vmem>>
      %dma_start3A_1085 = tpu.memref_squeeze %dma_start3A_1084 : memref<1x1x64xi32, #tpu.memory_space<vmem>> -> memref<64xi32, #tpu.memory_space<vmem>>
      %dma_start3A_1086 = arith.constant 0 : i32
      %dma_start3A_1087 = arith.constant 0 : i32
      %dma_start3A_1088 = tpu.memref_slice %arg12[%dma_start3A_1086, %dma_start3A_1087] : memref<10112x64xf32, #tpu.memory_space<vmem_shared>> -> memref<10112x64xf32, #tpu.memory_space<vmem_shared>>
      tpu.enqueue_indirect_dma source(%dma_start3A_1088 : memref<10112x64xf32, #tpu.memory_space<vmem_shared>>) target(%dma_start3A_1082 : memref<64x64xf32, #tpu.memory_space<vmem>>) offsets(%dma_start3A_1085 : memref<64xi32, #tpu.memory_space<vmem>>) semaphore(%arg16 : memref<!tpu.dma_semaphore, #tpu.memory_space<semaphore_mem>>)
      %dma_wait3A_1089 = arith.constant 1 : i32
      %dma_wait3A_1090 = arith.constant 1 : i32
      %dma_wait3A_1091 = arith.constant 1 : i32
      %dma_wait3A_1092 = arith.constant 0 : i32
      %dma_wait3A_1093 = arith.constant 0 : i32
      %dma_wait3A_1094 = tpu.memref_slice %arg11[%dma_wait3A_1091, %dma_wait3A_1092, %dma_wait3A_1093] : memref<4x64x64xf32, #tpu.memory_space<vmem>> -> memref<1x64x64xf32, #tpu.memory_space<vmem>>
      %dma_wait3A_1095 = tpu.memref_squeeze %dma_wait3A_1094 : memref<1x64x64xf32, #tpu.memory_space<vmem>> -> memref<64x64xf32, #tpu.memory_space<vmem>>
      %dma_wait3A_1096 = arith.constant 0 : i32
      %dma_wait3A_1097 = tpu.memref_slice %arg9[%dma_wait3A_1089, %dma_wait3A_1090, %dma_wait3A_1096] : memref<2x8x64xi32, #tpu.memory_space<vmem>> -> memref<1x1x64xi32, #tpu.memory_space<vmem>>
      %dma_wait3A_1098 = tpu.memref_squeeze %dma_wait3A_1097 : memref<1x1x64xi32, #tpu.memory_space<vmem>> -> memref<64xi32, #tpu.memory_space<vmem>>
      %dma_wait3A_1099 = arith.constant 0 : i32
      %dma_wait3A_1100 = arith.constant 0 : i32
      %dma_wait3A_1101 = tpu.memref_slice %arg12[%dma_wait3A_1099, %dma_wait3A_1100] : memref<10112x64xf32, #tpu.memory_space<vmem_shared>> -> memref<10112x64xf32, #tpu.memory_space<vmem_shared>>
      tpu.wait_indirect_dma semaphore(%arg17 : memref<!tpu.dma_semaphore, #tpu.memory_space<semaphore_mem>>) src(%dma_wait3A_1101 : memref<10112x64xf32, #tpu.memory_space<vmem_shared>>) dst(%dma_wait3A_1095 : memref<64x64xf32, #tpu.memory_space<vmem>>)
      %dma_start3A_1102 = arith.constant 1 : i32
      %dma_start3A_1103 = arith.constant 1 : i32
      %dma_start3A_1104 = arith.constant 1 : i32
      %dma_start3A_1105 = arith.constant 0 : i32
      %dma_start3A_1106 = arith.constant 0 : i32
      %dma_start3A_1107 = tpu.memref_slice %arg11[%dma_start3A_1102, %dma_start3A_1105, %dma_start3A_1106] : memref<4x64x64xf32, #tpu.memory_space<vmem>> -> memref<1x64x64xf32, #tpu.memory_space<vmem>>
      %dma_start3A_1108 = tpu.memref_squeeze %dma_start3A_1107 : memref<1x64x64xf32, #tpu.memory_space<vmem>> -> memref<64x64xf32, #tpu.memory_space<vmem>>
      %dma_start3A_1109 = arith.constant 0 : i32
      %dma_start3A_1110 = tpu.memref_slice %arg10[%dma_start3A_1103, %dma_start3A_1104, %dma_start3A_1109] : memref<2x8x64xi32, #tpu.memory_space<vmem>> -> memref<1x1x64xi32, #tpu.memory_space<vmem>>
      %dma_start3A_1111 = tpu.memref_squeeze %dma_start3A_1110 : memref<1x1x64xi32, #tpu.memory_space<vmem>> -> memref<64xi32, #tpu.memory_space<vmem>>
      %dma_start3A_1112 = arith.constant 0 : i32
      %dma_start3A_1113 = arith.constant 0 : i32
      %dma_start3A_1114 = tpu.memref_slice %arg13[%dma_start3A_1112, %dma_start3A_1113] : memref<10112x64xf32, #tpu.memory_space<vmem_shared>> -> memref<10112x64xf32, #tpu.memory_space<vmem_shared>>
      tpu.enqueue_indirect_dma source(%dma_start3A_1108 : memref<64x64xf32, #tpu.memory_space<vmem>>) target(%dma_start3A_1114 : memref<10112x64xf32, #tpu.memory_space<vmem_shared>>) offsets(%dma_start3A_1111 : memref<64xi32, #tpu.memory_space<vmem>>) semaphore(%arg21 : memref<!tpu.dma_semaphore, #tpu.memory_space<semaphore_mem>>) {add = true}
      %dma_wait3A_1115 = arith.constant 1 : i32
      %dma_wait3A_1116 = arith.constant 1 : i32
      %dma_wait3A_1117 = arith.constant 1 : i32
      %dma_wait3A_1118 = arith.constant 0 : i32
      %dma_wait3A_1119 = arith.constant 0 : i32
      %dma_wait3A_1120 = tpu.memref_slice %arg11[%dma_wait3A_1115, %dma_wait3A_1118, %dma_wait3A_1119] : memref<4x64x64xf32, #tpu.memory_space<vmem>> -> memref<1x64x64xf32, #tpu.memory_space<vmem>>
      %dma_wait3A_1121 = tpu.memref_squeeze %dma_wait3A_1120 : memref<1x64x64xf32, #tpu.memory_space<vmem>> -> memref<64x64xf32, #tpu.memory_space<vmem>>
      %dma_wait3A_1122 = arith.constant 0 : i32
      %dma_wait3A_1123 = tpu.memref_slice %arg10[%dma_wait3A_1116, %dma_wait3A_1117, %dma_wait3A_1122] : memref<2x8x64xi32, #tpu.memory_space<vmem>> -> memref<1x1x64xi32, #tpu.memory_space<vmem>>
      %dma_wait3A_1124 = tpu.memref_squeeze %dma_wait3A_1123 : memref<1x1x64xi32, #tpu.memory_space<vmem>> -> memref<64xi32, #tpu.memory_space<vmem>>
      %dma_wait3A_1125 = arith.constant 0 : i32
      %dma_wait3A_1126 = arith.constant 0 : i32
      %dma_wait3A_1127 = tpu.memref_slice %arg13[%dma_wait3A_1125, %dma_wait3A_1126] : memref<10112x64xf32, #tpu.memory_space<vmem_shared>> -> memref<10112x64xf32, #tpu.memory_space<vmem_shared>>
      tpu.wait_indirect_dma semaphore(%arg21 : memref<!tpu.dma_semaphore, #tpu.memory_space<semaphore_mem>>) src(%dma_wait3A_1121 : memref<64x64xf32, #tpu.memory_space<vmem>>) dst(%dma_wait3A_1127 : memref<10112x64xf32, #tpu.memory_space<vmem_shared>>)
      %dma_start3A_1128 = arith.constant 1 : i32
      %dma_start3A_1129 = arith.constant 5 : i32
      %dma_start3A_1130 = arith.constant 1 : i32
      %dma_start3A_1131 = arith.constant 0 : i32
      %dma_start3A_1132 = arith.constant 0 : i32
      %dma_start3A_1133 = tpu.memref_slice %arg11[%dma_start3A_1130, %dma_start3A_1131, %dma_start3A_1132] : memref<4x64x64xf32, #tpu.memory_space<vmem>> -> memref<1x64x64xf32, #tpu.memory_space<vmem>>
      %dma_start3A_1134 = tpu.memref_squeeze %dma_start3A_1133 : memref<1x64x64xf32, #tpu.memory_space<vmem>> -> memref<64x64xf32, #tpu.memory_space<vmem>>
      %dma_start3A_1135 = arith.constant 0 : i32
      %dma_start3A_1136 = tpu.memref_slice %arg9[%dma_start3A_1128, %dma_start3A_1129, %dma_start3A_1135] : memref<2x8x64xi32, #tpu.memory_space<vmem>> -> memref<1x1x64xi32, #tpu.memory_space<vmem>>
      %dma_start3A_1137 = tpu.memref_squeeze %dma_start3A_1136 : memref<1x1x64xi32, #tpu.memory_space<vmem>> -> memref<64xi32, #tpu.memory_space<vmem>>
      %dma_start3A_1138 = arith.constant 0 : i32
      %dma_start3A_1139 = arith.constant 0 : i32
      %dma_start3A_1140 = tpu.memref_slice %arg12[%dma_start3A_1138, %dma_start3A_1139] : memref<10112x64xf32, #tpu.memory_space<vmem_shared>> -> memref<10112x64xf32, #tpu.memory_space<vmem_shared>>
      tpu.enqueue_indirect_dma source(%dma_start3A_1140 : memref<10112x64xf32, #tpu.memory_space<vmem_shared>>) target(%dma_start3A_1134 : memref<64x64xf32, #tpu.memory_space<vmem>>) offsets(%dma_start3A_1137 : memref<64xi32, #tpu.memory_space<vmem>>) semaphore(%arg17 : memref<!tpu.dma_semaphore, #tpu.memory_space<semaphore_mem>>)
      %dma_wait3A_1141 = arith.constant 1 : i32
      %dma_wait3A_1142 = arith.constant 2 : i32
      %dma_wait3A_1143 = arith.constant 2 : i32
      %dma_wait3A_1144 = arith.constant 0 : i32
      %dma_wait3A_1145 = arith.constant 0 : i32
      %dma_wait3A_1146 = tpu.memref_slice %arg11[%dma_wait3A_1143, %dma_wait3A_1144, %dma_wait3A_1145] : memref<4x64x64xf32, #tpu.memory_space<vmem>> -> memref<1x64x64xf32, #tpu.memory_space<vmem>>
      %dma_wait3A_1147 = tpu.memref_squeeze %dma_wait3A_1146 : memref<1x64x64xf32, #tpu.memory_space<vmem>> -> memref<64x64xf32, #tpu.memory_space<vmem>>
      %dma_wait3A_1148 = arith.constant 0 : i32
      %dma_wait3A_1149 = tpu.memref_slice %arg9[%dma_wait3A_1141, %dma_wait3A_1142, %dma_wait3A_1148] : memref<2x8x64xi32, #tpu.memory_space<vmem>> -> memref<1x1x64xi32, #tpu.memory_space<vmem>>
      %dma_wait3A_1150 = tpu.memref_squeeze %dma_wait3A_1149 : memref<1x1x64xi32, #tpu.memory_space<vmem>> -> memref<64xi32, #tpu.memory_space<vmem>>
      %dma_wait3A_1151 = arith.constant 0 : i32
      %dma_wait3A_1152 = arith.constant 0 : i32
      %dma_wait3A_1153 = tpu.memref_slice %arg12[%dma_wait3A_1151, %dma_wait3A_1152] : memref<10112x64xf32, #tpu.memory_space<vmem_shared>> -> memref<10112x64xf32, #tpu.memory_space<vmem_shared>>
      tpu.wait_indirect_dma semaphore(%arg18 : memref<!tpu.dma_semaphore, #tpu.memory_space<semaphore_mem>>) src(%dma_wait3A_1153 : memref<10112x64xf32, #tpu.memory_space<vmem_shared>>) dst(%dma_wait3A_1147 : memref<64x64xf32, #tpu.memory_space<vmem>>)
      %dma_start3A_1154 = arith.constant 2 : i32
      %dma_start3A_1155 = arith.constant 1 : i32
      %dma_start3A_1156 = arith.constant 2 : i32
      %dma_start3A_1157 = arith.constant 0 : i32
      %dma_start3A_1158 = arith.constant 0 : i32
      %dma_start3A_1159 = tpu.memref_slice %arg11[%dma_start3A_1154, %dma_start3A_1157, %dma_start3A_1158] : memref<4x64x64xf32, #tpu.memory_space<vmem>> -> memref<1x64x64xf32, #tpu.memory_space<vmem>>
      %dma_start3A_1160 = tpu.memref_squeeze %dma_start3A_1159 : memref<1x64x64xf32, #tpu.memory_space<vmem>> -> memref<64x64xf32, #tpu.memory_space<vmem>>
      %dma_start3A_1161 = arith.constant 0 : i32
      %dma_start3A_1162 = tpu.memref_slice %arg10[%dma_start3A_1155, %dma_start3A_1156, %dma_start3A_1161] : memref<2x8x64xi32, #tpu.memory_space<vmem>> -> memref<1x1x64xi32, #tpu.memory_space<vmem>>
      %dma_start3A_1163 = tpu.memref_squeeze %dma_start3A_1162 : memref<1x1x64xi32, #tpu.memory_space<vmem>> -> memref<64xi32, #tpu.memory_space<vmem>>
      %dma_start3A_1164 = arith.constant 0 : i32
      %dma_start3A_1165 = arith.constant 0 : i32
      %dma_start3A_1166 = tpu.memref_slice %arg13[%dma_start3A_1164, %dma_start3A_1165] : memref<10112x64xf32, #tpu.memory_space<vmem_shared>> -> memref<10112x64xf32, #tpu.memory_space<vmem_shared>>
      tpu.enqueue_indirect_dma source(%dma_start3A_1160 : memref<64x64xf32, #tpu.memory_space<vmem>>) target(%dma_start3A_1166 : memref<10112x64xf32, #tpu.memory_space<vmem_shared>>) offsets(%dma_start3A_1163 : memref<64xi32, #tpu.memory_space<vmem>>) semaphore(%arg22 : memref<!tpu.dma_semaphore, #tpu.memory_space<semaphore_mem>>) {add = true}
      %dma_wait3A_1167 = arith.constant 2 : i32
      %dma_wait3A_1168 = arith.constant 1 : i32
      %dma_wait3A_1169 = arith.constant 2 : i32
      %dma_wait3A_1170 = arith.constant 0 : i32
      %dma_wait3A_1171 = arith.constant 0 : i32
      %dma_wait3A_1172 = tpu.memref_slice %arg11[%dma_wait3A_1167, %dma_wait3A_1170, %dma_wait3A_1171] : memref<4x64x64xf32, #tpu.memory_space<vmem>> -> memref<1x64x64xf32, #tpu.memory_space<vmem>>
      %dma_wait3A_1173 = tpu.memref_squeeze %dma_wait3A_1172 : memref<1x64x64xf32, #tpu.memory_space<vmem>> -> memref<64x64xf32, #tpu.memory_space<vmem>>
      %dma_wait3A_1174 = arith.constant 0 : i32
      %dma_wait3A_1175 = tpu.memref_slice %arg10[%dma_wait3A_1168, %dma_wait3A_1169, %dma_wait3A_1174] : memref<2x8x64xi32, #tpu.memory_space<vmem>> -> memref<1x1x64xi32, #tpu.memory_space<vmem>>
      %dma_wait3A_1176 = tpu.memref_squeeze %dma_wait3A_1175 : memref<1x1x64xi32, #tpu.memory_space<vmem>> -> memref<64xi32, #tpu.memory_space<vmem>>
      %dma_wait3A_1177 = arith.constant 0 : i32
      %dma_wait3A_1178 = arith.constant 0 : i32
      %dma_wait3A_1179 = tpu.memref_slice %arg13[%dma_wait3A_1177, %dma_wait3A_1178] : memref<10112x64xf32, #tpu.memory_space<vmem_shared>> -> memref<10112x64xf32, #tpu.memory_space<vmem_shared>>
      tpu.wait_indirect_dma semaphore(%arg22 : memref<!tpu.dma_semaphore, #tpu.memory_space<semaphore_mem>>) src(%dma_wait3A_1173 : memref<64x64xf32, #tpu.memory_space<vmem>>) dst(%dma_wait3A_1179 : memref<10112x64xf32, #tpu.memory_space<vmem_shared>>)
      %dma_start3A_1180 = arith.constant 1 : i32
      %dma_start3A_1181 = arith.constant 6 : i32
      %dma_start3A_1182 = arith.constant 2 : i32
      %dma_start3A_1183 = arith.constant 0 : i32
      %dma_start3A_1184 = arith.constant 0 : i32
      %dma_start3A_1185 = tpu.memref_slice %arg11[%dma_start3A_1182, %dma_start3A_1183, %dma_start3A_1184] : memref<4x64x64xf32, #tpu.memory_space<vmem>> -> memref<1x64x64xf32, #tpu.memory_space<vmem>>
      %dma_start3A_1186 = tpu.memref_squeeze %dma_start3A_1185 : memref<1x64x64xf32, #tpu.memory_space<vmem>> -> memref<64x64xf32, #tpu.memory_space<vmem>>
      %dma_start3A_1187 = arith.constant 0 : i32
      %dma_start3A_1188 = tpu.memref_slice %arg9[%dma_start3A_1180, %dma_start3A_1181, %dma_start3A_1187] : memref<2x8x64xi32, #tpu.memory_space<vmem>> -> memref<1x1x64xi32, #tpu.memory_space<vmem>>
      %dma_start3A_1189 = tpu.memref_squeeze %dma_start3A_1188 : memref<1x1x64xi32, #tpu.memory_space<vmem>> -> memref<64xi32, #tpu.memory_space<vmem>>
      %dma_start3A_1190 = arith.constant 0 : i32
      %dma_start3A_1191 = arith.constant 0 : i32
      %dma_start3A_1192 = tpu.memref_slice %arg12[%dma_start3A_1190, %dma_start3A_1191] : memref<10112x64xf32, #tpu.memory_space<vmem_shared>> -> memref<10112x64xf32, #tpu.memory_space<vmem_shared>>
      tpu.enqueue_indirect_dma source(%dma_start3A_1192 : memref<10112x64xf32, #tpu.memory_space<vmem_shared>>) target(%dma_start3A_1186 : memref<64x64xf32, #tpu.memory_space<vmem>>) offsets(%dma_start3A_1189 : memref<64xi32, #tpu.memory_space<vmem>>) semaphore(%arg18 : memref<!tpu.dma_semaphore, #tpu.memory_space<semaphore_mem>>)
      %dma_wait3A_1193 = arith.constant 1 : i32
      %dma_wait3A_1194 = arith.constant 3 : i32
      %dma_wait3A_1195 = arith.constant 3 : i32
      %dma_wait3A_1196 = arith.constant 0 : i32
      %dma_wait3A_1197 = arith.constant 0 : i32
      %dma_wait3A_1198 = tpu.memref_slice %arg11[%dma_wait3A_1195, %dma_wait3A_1196, %dma_wait3A_1197] : memref<4x64x64xf32, #tpu.memory_space<vmem>> -> memref<1x64x64xf32, #tpu.memory_space<vmem>>
      %dma_wait3A_1199 = tpu.memref_squeeze %dma_wait3A_1198 : memref<1x64x64xf32, #tpu.memory_space<vmem>> -> memref<64x64xf32, #tpu.memory_space<vmem>>
      %dma_wait3A_1200 = arith.constant 0 : i32
      %dma_wait3A_1201 = tpu.memref_slice %arg9[%dma_wait3A_1193, %dma_wait3A_1194, %dma_wait3A_1200] : memref<2x8x64xi32, #tpu.memory_space<vmem>> -> memref<1x1x64xi32, #tpu.memory_space<vmem>>
      %dma_wait3A_1202 = tpu.memref_squeeze %dma_wait3A_1201 : memref<1x1x64xi32, #tpu.memory_space<vmem>> -> memref<64xi32, #tpu.memory_space<vmem>>
      %dma_wait3A_1203 = arith.constant 0 : i32
      %dma_wait3A_1204 = arith.constant 0 : i32
      %dma_wait3A_1205 = tpu.memref_slice %arg12[%dma_wait3A_1203, %dma_wait3A_1204] : memref<10112x64xf32, #tpu.memory_space<vmem_shared>> -> memref<10112x64xf32, #tpu.memory_space<vmem_shared>>
      tpu.wait_indirect_dma semaphore(%arg19 : memref<!tpu.dma_semaphore, #tpu.memory_space<semaphore_mem>>) src(%dma_wait3A_1205 : memref<10112x64xf32, #tpu.memory_space<vmem_shared>>) dst(%dma_wait3A_1199 : memref<64x64xf32, #tpu.memory_space<vmem>>)
      %dma_start3A_1206 = arith.constant 3 : i32
      %dma_start3A_1207 = arith.constant 1 : i32
      %dma_start3A_1208 = arith.constant 3 : i32
      %dma_start3A_1209 = arith.constant 0 : i32
      %dma_start3A_1210 = arith.constant 0 : i32
      %dma_start3A_1211 = tpu.memref_slice %arg11[%dma_start3A_1206, %dma_start3A_1209, %dma_start3A_1210] : memref<4x64x64xf32, #tpu.memory_space<vmem>> -> memref<1x64x64xf32, #tpu.memory_space<vmem>>
      %dma_start3A_1212 = tpu.memref_squeeze %dma_start3A_1211 : memref<1x64x64xf32, #tpu.memory_space<vmem>> -> memref<64x64xf32, #tpu.memory_space<vmem>>
      %dma_start3A_1213 = arith.constant 0 : i32
      %dma_start3A_1214 = tpu.memref_slice %arg10[%dma_start3A_1207, %dma_start3A_1208, %dma_start3A_1213] : memref<2x8x64xi32, #tpu.memory_space<vmem>> -> memref<1x1x64xi32, #tpu.memory_space<vmem>>
      %dma_start3A_1215 = tpu.memref_squeeze %dma_start3A_1214 : memref<1x1x64xi32, #tpu.memory_space<vmem>> -> memref<64xi32, #tpu.memory_space<vmem>>
      %dma_start3A_1216 = arith.constant 0 : i32
      %dma_start3A_1217 = arith.constant 0 : i32
      %dma_start3A_1218 = tpu.memref_slice %arg13[%dma_start3A_1216, %dma_start3A_1217] : memref<10112x64xf32, #tpu.memory_space<vmem_shared>> -> memref<10112x64xf32, #tpu.memory_space<vmem_shared>>
      tpu.enqueue_indirect_dma source(%dma_start3A_1212 : memref<64x64xf32, #tpu.memory_space<vmem>>) target(%dma_start3A_1218 : memref<10112x64xf32, #tpu.memory_space<vmem_shared>>) offsets(%dma_start3A_1215 : memref<64xi32, #tpu.memory_space<vmem>>) semaphore(%arg23 : memref<!tpu.dma_semaphore, #tpu.memory_space<semaphore_mem>>) {add = true}
      %add3A_1219 = arith.constant 1 : i32
      %add3A_1220 = arith.addi %add3A_1010, %add3A_1219 : i32
      %dma_start3A_1221 = arith.constant 0 : i32
      %dma_start3A_1222 = arith.constant 0 : i32
      %dma_start3A_1223 = arith.constant 0 : i32
      %dma_start3A_1224 = tpu.memref_slice %arg9[%dma_start3A_1221, %dma_start3A_1222, %dma_start3A_1223] : memref<2x8x64xi32, #tpu.memory_space<vmem>> -> memref<1x8x64xi32, #tpu.memory_space<vmem>>
      %dma_start3A_1225 = tpu.memref_squeeze %dma_start3A_1224 : memref<1x8x64xi32, #tpu.memory_space<vmem>> -> memref<8x64xi32, #tpu.memory_space<vmem>>
      %dma_start3A_1226 = arith.constant 0 : i32
      %dma_start3A_1227 = arith.constant 0 : i32
      %dma_start3A_1228 = tpu.memref_slice %arg4[%arg1, %add3A_1220, %dma_start3A_1226, %dma_start3A_1227] : memref<16x40x8x64xi32, #tpu.memory_space<hbm>> -> memref<1x1x8x64xi32, #tpu.memory_space<hbm>>
      %dma_start3A_1229 = tpu.memref_squeeze %dma_start3A_1228 : memref<1x1x8x64xi32, #tpu.memory_space<hbm>> -> memref<8x64xi32, #tpu.memory_space<hbm>>
      %dma_start3A_1230 = arith.constant 0 : i32
      %dma_start3A_1231 = arith.constant 0 : i32
      %dma_start3A_1232 = tpu.memref_slice %arg9[%dma_start3A_1221, %dma_start3A_1230, %dma_start3A_1231] : memref<2x8x64xi32, #tpu.memory_space<vmem>> -> memref<1x8x64xi32, #tpu.memory_space<vmem>>
      %dma_start3A_1233 = tpu.memref_squeeze %dma_start3A_1232 : memref<1x8x64xi32, #tpu.memory_space<vmem>> -> memref<8x64xi32, #tpu.memory_space<vmem>>
      %dma_start3A_1234 = arith.constant 0 : i32
      %dma_start3A_1235 = arith.constant 0 : i32
      %dma_start3A_1236 = tpu.memref_slice %arg4[%arg1, %add3A_1220, %dma_start3A_1234, %dma_start3A_1235] : memref<16x40x8x64xi32, #tpu.memory_space<hbm>> -> memref<1x1x8x64xi32, #tpu.memory_space<hbm>>
      %dma_start3A_1237 = tpu.memref_squeeze %dma_start3A_1236 : memref<1x1x8x64xi32, #tpu.memory_space<hbm>> -> memref<8x64xi32, #tpu.memory_space<hbm>>
      tpu.enqueue_dma source(%dma_start3A_1237 : memref<8x64xi32, #tpu.memory_space<hbm>>) target(%dma_start3A_1233 : memref<8x64xi32, #tpu.memory_space<vmem>>) target_semaphore(%arg14 : memref<!tpu.dma_semaphore, #tpu.memory_space<semaphore_mem>>)
      %dma_start3A_1238 = arith.constant 0 : i32
      %dma_start3A_1239 = arith.constant 0 : i32
      %dma_start3A_1240 = arith.constant 0 : i32
      %dma_start3A_1241 = tpu.memref_slice %arg10[%dma_start3A_1238, %dma_start3A_1239, %dma_start3A_1240] : memref<2x8x64xi32, #tpu.memory_space<vmem>> -> memref<1x8x64xi32, #tpu.memory_space<vmem>>
      %dma_start3A_1242 = tpu.memref_squeeze %dma_start3A_1241 : memref<1x8x64xi32, #tpu.memory_space<vmem>> -> memref<8x64xi32, #tpu.memory_space<vmem>>
      %dma_start3A_1243 = arith.constant 0 : i32
      %dma_start3A_1244 = arith.constant 0 : i32
      %dma_start3A_1245 = tpu.memref_slice %arg5[%arg1, %add3A_1220, %dma_start3A_1243, %dma_start3A_1244] : memref<16x40x8x64xi32, #tpu.memory_space<hbm>> -> memref<1x1x8x64xi32, #tpu.memory_space<hbm>>
      %dma_start3A_1246 = tpu.memref_squeeze %dma_start3A_1245 : memref<1x1x8x64xi32, #tpu.memory_space<hbm>> -> memref<8x64xi32, #tpu.memory_space<hbm>>
      %dma_start3A_1247 = arith.constant 0 : i32
      %dma_start3A_1248 = arith.constant 0 : i32
      %dma_start3A_1249 = tpu.memref_slice %arg10[%dma_start3A_1238, %dma_start3A_1247, %dma_start3A_1248] : memref<2x8x64xi32, #tpu.memory_space<vmem>> -> memref<1x8x64xi32, #tpu.memory_space<vmem>>
      %dma_start3A_1250 = tpu.memref_squeeze %dma_start3A_1249 : memref<1x8x64xi32, #tpu.memory_space<vmem>> -> memref<8x64xi32, #tpu.memory_space<vmem>>
      %dma_start3A_1251 = arith.constant 0 : i32
      %dma_start3A_1252 = arith.constant 0 : i32
      %dma_start3A_1253 = tpu.memref_slice %arg5[%arg1, %add3A_1220, %dma_start3A_1251, %dma_start3A_1252] : memref<16x40x8x64xi32, #tpu.memory_space<hbm>> -> memref<1x1x8x64xi32, #tpu.memory_space<hbm>>
      %dma_start3A_1254 = tpu.memref_squeeze %dma_start3A_1253 : memref<1x1x8x64xi32, #tpu.memory_space<hbm>> -> memref<8x64xi32, #tpu.memory_space<hbm>>
      tpu.enqueue_dma source(%dma_start3A_1254 : memref<8x64xi32, #tpu.memory_space<hbm>>) target(%dma_start3A_1250 : memref<8x64xi32, #tpu.memory_space<vmem>>) target_semaphore(%arg14 : memref<!tpu.dma_semaphore, #tpu.memory_space<semaphore_mem>>)
      %dma_wait3A_1255 = arith.constant 3 : i32
      %dma_wait3A_1256 = arith.constant 1 : i32
      %dma_wait3A_1257 = arith.constant 3 : i32
      %dma_wait3A_1258 = arith.constant 0 : i32
      %dma_wait3A_1259 = arith.constant 0 : i32
      %dma_wait3A_1260 = tpu.memref_slice %arg11[%dma_wait3A_1255, %dma_wait3A_1258, %dma_wait3A_1259] : memref<4x64x64xf32, #tpu.memory_space<vmem>> -> memref<1x64x64xf32, #tpu.memory_space<vmem>>
      %dma_wait3A_1261 = tpu.memref_squeeze %dma_wait3A_1260 : memref<1x64x64xf32, #tpu.memory_space<vmem>> -> memref<64x64xf32, #tpu.memory_space<vmem>>
      %dma_wait3A_1262 = arith.constant 0 : i32
      %dma_wait3A_1263 = tpu.memref_slice %arg10[%dma_wait3A_1256, %dma_wait3A_1257, %dma_wait3A_1262] : memref<2x8x64xi32, #tpu.memory_space<vmem>> -> memref<1x1x64xi32, #tpu.memory_space<vmem>>
      %dma_wait3A_1264 = tpu.memref_squeeze %dma_wait3A_1263 : memref<1x1x64xi32, #tpu.memory_space<vmem>> -> memref<64xi32, #tpu.memory_space<vmem>>
      %dma_wait3A_1265 = arith.constant 0 : i32
      %dma_wait3A_1266 = arith.constant 0 : i32
      %dma_wait3A_1267 = tpu.memref_slice %arg13[%dma_wait3A_1265, %dma_wait3A_1266] : memref<10112x64xf32, #tpu.memory_space<vmem_shared>> -> memref<10112x64xf32, #tpu.memory_space<vmem_shared>>
      tpu.wait_indirect_dma semaphore(%arg23 : memref<!tpu.dma_semaphore, #tpu.memory_space<semaphore_mem>>) src(%dma_wait3A_1261 : memref<64x64xf32, #tpu.memory_space<vmem>>) dst(%dma_wait3A_1267 : memref<10112x64xf32, #tpu.memory_space<vmem_shared>>)
      %dma_start3A_1268 = arith.constant 1 : i32
      %dma_start3A_1269 = arith.constant 7 : i32
      %dma_start3A_1270 = arith.constant 3 : i32
      %dma_start3A_1271 = arith.constant 0 : i32
      %dma_start3A_1272 = arith.constant 0 : i32
      %dma_start3A_1273 = tpu.memref_slice %arg11[%dma_start3A_1270, %dma_start3A_1271, %dma_start3A_1272] : memref<4x64x64xf32, #tpu.memory_space<vmem>> -> memref<1x64x64xf32, #tpu.memory_space<vmem>>
      %dma_start3A_1274 = tpu.memref_squeeze %dma_start3A_1273 : memref<1x64x64xf32, #tpu.memory_space<vmem>> -> memref<64x64xf32, #tpu.memory_space<vmem>>
      %dma_start3A_1275 = arith.constant 0 : i32
      %dma_start3A_1276 = tpu.memref_slice %arg9[%dma_start3A_1268, %dma_start3A_1269, %dma_start3A_1275] : memref<2x8x64xi32, #tpu.memory_space<vmem>> -> memref<1x1x64xi32, #tpu.memory_space<vmem>>
      %dma_start3A_1277 = tpu.memref_squeeze %dma_start3A_1276 : memref<1x1x64xi32, #tpu.memory_space<vmem>> -> memref<64xi32, #tpu.memory_space<vmem>>
      %dma_start3A_1278 = arith.constant 0 : i32
      %dma_start3A_1279 = arith.constant 0 : i32
      %dma_start3A_1280 = tpu.memref_slice %arg12[%dma_start3A_1278, %dma_start3A_1279] : memref<10112x64xf32, #tpu.memory_space<vmem_shared>> -> memref<10112x64xf32, #tpu.memory_space<vmem_shared>>
      tpu.enqueue_indirect_dma source(%dma_start3A_1280 : memref<10112x64xf32, #tpu.memory_space<vmem_shared>>) target(%dma_start3A_1274 : memref<64x64xf32, #tpu.memory_space<vmem>>) offsets(%dma_start3A_1277 : memref<64xi32, #tpu.memory_space<vmem>>) semaphore(%arg19 : memref<!tpu.dma_semaphore, #tpu.memory_space<semaphore_mem>>)
      %dma_wait3A_1281 = arith.constant 1 : i32
      %dma_wait3A_1282 = arith.constant 4 : i32
      %dma_wait3A_1283 = arith.constant 0 : i32
      %dma_wait3A_1284 = arith.constant 0 : i32
      %dma_wait3A_1285 = arith.constant 0 : i32
      %dma_wait3A_1286 = tpu.memref_slice %arg11[%dma_wait3A_1283, %dma_wait3A_1284, %dma_wait3A_1285] : memref<4x64x64xf32, #tpu.memory_space<vmem>> -> memref<1x64x64xf32, #tpu.memory_space<vmem>>
      %dma_wait3A_1287 = tpu.memref_squeeze %dma_wait3A_1286 : memref<1x64x64xf32, #tpu.memory_space<vmem>> -> memref<64x64xf32, #tpu.memory_space<vmem>>
      %dma_wait3A_1288 = arith.constant 0 : i32
      %dma_wait3A_1289 = tpu.memref_slice %arg9[%dma_wait3A_1281, %dma_wait3A_1282, %dma_wait3A_1288] : memref<2x8x64xi32, #tpu.memory_space<vmem>> -> memref<1x1x64xi32, #tpu.memory_space<vmem>>
      %dma_wait3A_1290 = tpu.memref_squeeze %dma_wait3A_1289 : memref<1x1x64xi32, #tpu.memory_space<vmem>> -> memref<64xi32, #tpu.memory_space<vmem>>
      %dma_wait3A_1291 = arith.constant 0 : i32
      %dma_wait3A_1292 = arith.constant 0 : i32
      %dma_wait3A_1293 = tpu.memref_slice %arg12[%dma_wait3A_1291, %dma_wait3A_1292] : memref<10112x64xf32, #tpu.memory_space<vmem_shared>> -> memref<10112x64xf32, #tpu.memory_space<vmem_shared>>
      tpu.wait_indirect_dma semaphore(%arg16 : memref<!tpu.dma_semaphore, #tpu.memory_space<semaphore_mem>>) src(%dma_wait3A_1293 : memref<10112x64xf32, #tpu.memory_space<vmem_shared>>) dst(%dma_wait3A_1287 : memref<64x64xf32, #tpu.memory_space<vmem>>)
      %dma_start3A_1294 = arith.constant 0 : i32
      %dma_start3A_1295 = arith.constant 1 : i32
      %dma_start3A_1296 = arith.constant 4 : i32
      %dma_start3A_1297 = arith.constant 0 : i32
      %dma_start3A_1298 = arith.constant 0 : i32
      %dma_start3A_1299 = tpu.memref_slice %arg11[%dma_start3A_1294, %dma_start3A_1297, %dma_start3A_1298] : memref<4x64x64xf32, #tpu.memory_space<vmem>> -> memref<1x64x64xf32, #tpu.memory_space<vmem>>
      %dma_start3A_1300 = tpu.memref_squeeze %dma_start3A_1299 : memref<1x64x64xf32, #tpu.memory_space<vmem>> -> memref<64x64xf32, #tpu.memory_space<vmem>>
      %dma_start3A_1301 = arith.constant 0 : i32
      %dma_start3A_1302 = tpu.memref_slice %arg10[%dma_start3A_1295, %dma_start3A_1296, %dma_start3A_1301] : memref<2x8x64xi32, #tpu.memory_space<vmem>> -> memref<1x1x64xi32, #tpu.memory_space<vmem>>
      %dma_start3A_1303 = tpu.memref_squeeze %dma_start3A_1302 : memref<1x1x64xi32, #tpu.memory_space<vmem>> -> memref<64xi32, #tpu.memory_space<vmem>>
      %dma_start3A_1304 = arith.constant 0 : i32
      %dma_start3A_1305 = arith.constant 0 : i32
      %dma_start3A_1306 = tpu.memref_slice %arg13[%dma_start3A_1304, %dma_start3A_1305] : memref<10112x64xf32, #tpu.memory_space<vmem_shared>> -> memref<10112x64xf32, #tpu.memory_space<vmem_shared>>
      tpu.enqueue_indirect_dma source(%dma_start3A_1300 : memref<64x64xf32, #tpu.memory_space<vmem>>) target(%dma_start3A_1306 : memref<10112x64xf32, #tpu.memory_space<vmem_shared>>) offsets(%dma_start3A_1303 : memref<64xi32, #tpu.memory_space<vmem>>) semaphore(%arg20 : memref<!tpu.dma_semaphore, #tpu.memory_space<semaphore_mem>>) {add = true}
      %dma_wait3A_1307 = arith.constant 0 : i32
      %dma_wait3A_1308 = arith.constant 1 : i32
      %dma_wait3A_1309 = arith.constant 4 : i32
      %dma_wait3A_1310 = arith.constant 0 : i32
      %dma_wait3A_1311 = arith.constant 0 : i32
      %dma_wait3A_1312 = tpu.memref_slice %arg11[%dma_wait3A_1307, %dma_wait3A_1310, %dma_wait3A_1311] : memref<4x64x64xf32, #tpu.memory_space<vmem>> -> memref<1x64x64xf32, #tpu.memory_space<vmem>>
      %dma_wait3A_1313 = tpu.memref_squeeze %dma_wait3A_1312 : memref<1x64x64xf32, #tpu.memory_space<vmem>> -> memref<64x64xf32, #tpu.memory_space<vmem>>
      %dma_wait3A_1314 = arith.constant 0 : i32
      %dma_wait3A_1315 = tpu.memref_slice %arg10[%dma_wait3A_1308, %dma_wait3A_1309, %dma_wait3A_1314] : memref<2x8x64xi32, #tpu.memory_space<vmem>> -> memref<1x1x64xi32, #tpu.memory_space<vmem>>
      %dma_wait3A_1316 = tpu.memref_squeeze %dma_wait3A_1315 : memref<1x1x64xi32, #tpu.memory_space<vmem>> -> memref<64xi32, #tpu.memory_space<vmem>>
      %dma_wait3A_1317 = arith.constant 0 : i32
      %dma_wait3A_1318 = arith.constant 0 : i32
      %dma_wait3A_1319 = tpu.memref_slice %arg13[%dma_wait3A_1317, %dma_wait3A_1318] : memref<10112x64xf32, #tpu.memory_space<vmem_shared>> -> memref<10112x64xf32, #tpu.memory_space<vmem_shared>>
      tpu.wait_indirect_dma semaphore(%arg20 : memref<!tpu.dma_semaphore, #tpu.memory_space<semaphore_mem>>) src(%dma_wait3A_1313 : memref<64x64xf32, #tpu.memory_space<vmem>>) dst(%dma_wait3A_1319 : memref<10112x64xf32, #tpu.memory_space<vmem_shared>>)
      %add3A_1320 = arith.constant 1 : i32
      %add3A_1321 = arith.addi %add3A_1010, %add3A_1320 : i32
      %dma_wait3A_1322 = arith.constant 0 : i32
      %dma_wait3A_1323 = arith.constant 0 : i32
      %dma_wait3A_1324 = arith.constant 0 : i32
      %dma_wait3A_1325 = tpu.memref_slice %arg9[%dma_wait3A_1322, %dma_wait3A_1323, %dma_wait3A_1324] : memref<2x8x64xi32, #tpu.memory_space<vmem>> -> memref<1x8x64xi32, #tpu.memory_space<vmem>>
      %dma_wait3A_1326 = tpu.memref_squeeze %dma_wait3A_1325 : memref<1x8x64xi32, #tpu.memory_space<vmem>> -> memref<8x64xi32, #tpu.memory_space<vmem>>
      %dma_wait3A_1327 = arith.constant 0 : i32
      %dma_wait3A_1328 = arith.constant 0 : i32
      %dma_wait3A_1329 = tpu.memref_slice %arg4[%arg1, %add3A_1321, %dma_wait3A_1327, %dma_wait3A_1328] : memref<16x40x8x64xi32, #tpu.memory_space<hbm>> -> memref<1x1x8x64xi32, #tpu.memory_space<hbm>>
      %dma_wait3A_1330 = tpu.memref_squeeze %dma_wait3A_1329 : memref<1x1x8x64xi32, #tpu.memory_space<hbm>> -> memref<8x64xi32, #tpu.memory_space<hbm>>
      %dma_wait3A_1331 = arith.constant 0 : i32
      %dma_wait3A_1332 = arith.constant 0 : i32
      %dma_wait3A_1333 = tpu.memref_slice %arg9[%dma_wait3A_1322, %dma_wait3A_1331, %dma_wait3A_1332] : memref<2x8x64xi32, #tpu.memory_space<vmem>> -> memref<1x8x64xi32, #tpu.memory_space<vmem>>
      %dma_wait3A_1334 = tpu.memref_squeeze %dma_wait3A_1333 : memref<1x8x64xi32, #tpu.memory_space<vmem>> -> memref<8x64xi32, #tpu.memory_space<vmem>>
      %dma_wait3A_1335 = arith.constant 0 : i32
      %dma_wait3A_1336 = arith.constant 0 : i32
      %dma_wait3A_1337 = tpu.memref_slice %arg4[%arg1, %add3A_1321, %dma_wait3A_1335, %dma_wait3A_1336] : memref<16x40x8x64xi32, #tpu.memory_space<hbm>> -> memref<1x1x8x64xi32, #tpu.memory_space<hbm>>
      %dma_wait3A_1338 = tpu.memref_squeeze %dma_wait3A_1337 : memref<1x1x8x64xi32, #tpu.memory_space<hbm>> -> memref<8x64xi32, #tpu.memory_space<hbm>>
      tpu.wait_dma2 semaphore(%arg14 : memref<!tpu.dma_semaphore, #tpu.memory_space<semaphore_mem>>) src(%dma_wait3A_1338 : memref<8x64xi32, #tpu.memory_space<hbm>>) dst(%dma_wait3A_1334 : memref<8x64xi32, #tpu.memory_space<vmem>>)
      %dma_wait3A_1339 = arith.constant 0 : i32
      %dma_wait3A_1340 = arith.constant 0 : i32
      %dma_wait3A_1341 = arith.constant 0 : i32
      %dma_wait3A_1342 = tpu.memref_slice %arg10[%dma_wait3A_1339, %dma_wait3A_1340, %dma_wait3A_1341] : memref<2x8x64xi32, #tpu.memory_space<vmem>> -> memref<1x8x64xi32, #tpu.memory_space<vmem>>
      %dma_wait3A_1343 = tpu.memref_squeeze %dma_wait3A_1342 : memref<1x8x64xi32, #tpu.memory_space<vmem>> -> memref<8x64xi32, #tpu.memory_space<vmem>>
      %dma_wait3A_1344 = arith.constant 0 : i32
      %dma_wait3A_1345 = arith.constant 0 : i32
      %dma_wait3A_1346 = tpu.memref_slice %arg5[%arg1, %add3A_1321, %dma_wait3A_1344, %dma_wait3A_1345] : memref<16x40x8x64xi32, #tpu.memory_space<hbm>> -> memref<1x1x8x64xi32, #tpu.memory_space<hbm>>
      %dma_wait3A_1347 = tpu.memref_squeeze %dma_wait3A_1346 : memref<1x1x8x64xi32, #tpu.memory_space<hbm>> -> memref<8x64xi32, #tpu.memory_space<hbm>>
      %dma_wait3A_1348 = arith.constant 0 : i32
      %dma_wait3A_1349 = arith.constant 0 : i32
      %dma_wait3A_1350 = tpu.memref_slice %arg10[%dma_wait3A_1339, %dma_wait3A_1348, %dma_wait3A_1349] : memref<2x8x64xi32, #tpu.memory_space<vmem>> -> memref<1x8x64xi32, #tpu.memory_space<vmem>>
      %dma_wait3A_1351 = tpu.memref_squeeze %dma_wait3A_1350 : memref<1x8x64xi32, #tpu.memory_space<vmem>> -> memref<8x64xi32, #tpu.memory_space<vmem>>
      %dma_wait3A_1352 = arith.constant 0 : i32
      %dma_wait3A_1353 = arith.constant 0 : i32
      %dma_wait3A_1354 = tpu.memref_slice %arg5[%arg1, %add3A_1321, %dma_wait3A_1352, %dma_wait3A_1353] : memref<16x40x8x64xi32, #tpu.memory_space<hbm>> -> memref<1x1x8x64xi32, #tpu.memory_space<hbm>>
      %dma_wait3A_1355 = tpu.memref_squeeze %dma_wait3A_1354 : memref<1x1x8x64xi32, #tpu.memory_space<hbm>> -> memref<8x64xi32, #tpu.memory_space<hbm>>
      tpu.wait_dma2 semaphore(%arg14 : memref<!tpu.dma_semaphore, #tpu.memory_space<semaphore_mem>>) src(%dma_wait3A_1355 : memref<8x64xi32, #tpu.memory_space<hbm>>) dst(%dma_wait3A_1351 : memref<8x64xi32, #tpu.memory_space<vmem>>)
      %dma_start3A_1356 = arith.constant 0 : i32
      %dma_start3A_1357 = arith.constant 0 : i32
      %dma_start3A_1358 = arith.constant 0 : i32
      %dma_start3A_1359 = arith.constant 0 : i32
      %dma_start3A_1360 = arith.constant 0 : i32
      %dma_start3A_1361 = tpu.memref_slice %arg11[%dma_start3A_1358, %dma_start3A_1359, %dma_start3A_1360] : memref<4x64x64xf32, #tpu.memory_space<vmem>> -> memref<1x64x64xf32, #tpu.memory_space<vmem>>
      %dma_start3A_1362 = tpu.memref_squeeze %dma_start3A_1361 : memref<1x64x64xf32, #tpu.memory_space<vmem>> -> memref<64x64xf32, #tpu.memory_space<vmem>>
      %dma_start3A_1363 = arith.constant 0 : i32
      %dma_start3A_1364 = tpu.memref_slice %arg9[%dma_start3A_1356, %dma_start3A_1357, %dma_start3A_1363] : memref<2x8x64xi32, #tpu.memory_space<vmem>> -> memref<1x1x64xi32, #tpu.memory_space<vmem>>
      %dma_start3A_1365 = tpu.memref_squeeze %dma_start3A_1364 : memref<1x1x64xi32, #tpu.memory_space<vmem>> -> memref<64xi32, #tpu.memory_space<vmem>>
      %dma_start3A_1366 = arith.constant 0 : i32
      %dma_start3A_1367 = arith.constant 0 : i32
      %dma_start3A_1368 = tpu.memref_slice %arg12[%dma_start3A_1366, %dma_start3A_1367] : memref<10112x64xf32, #tpu.memory_space<vmem_shared>> -> memref<10112x64xf32, #tpu.memory_space<vmem_shared>>
      tpu.enqueue_indirect_dma source(%dma_start3A_1368 : memref<10112x64xf32, #tpu.memory_space<vmem_shared>>) target(%dma_start3A_1362 : memref<64x64xf32, #tpu.memory_space<vmem>>) offsets(%dma_start3A_1365 : memref<64xi32, #tpu.memory_space<vmem>>) semaphore(%arg16 : memref<!tpu.dma_semaphore, #tpu.memory_space<semaphore_mem>>)
      %dma_wait3A_1369 = arith.constant 1 : i32
      %dma_wait3A_1370 = arith.constant 5 : i32
      %dma_wait3A_1371 = arith.constant 1 : i32
      %dma_wait3A_1372 = arith.constant 0 : i32
      %dma_wait3A_1373 = arith.constant 0 : i32
      %dma_wait3A_1374 = tpu.memref_slice %arg11[%dma_wait3A_1371, %dma_wait3A_1372, %dma_wait3A_1373] : memref<4x64x64xf32, #tpu.memory_space<vmem>> -> memref<1x64x64xf32, #tpu.memory_space<vmem>>
      %dma_wait3A_1375 = tpu.memref_squeeze %dma_wait3A_1374 : memref<1x64x64xf32, #tpu.memory_space<vmem>> -> memref<64x64xf32, #tpu.memory_space<vmem>>
      %dma_wait3A_1376 = arith.constant 0 : i32
      %dma_wait3A_1377 = tpu.memref_slice %arg9[%dma_wait3A_1369, %dma_wait3A_1370, %dma_wait3A_1376] : memref<2x8x64xi32, #tpu.memory_space<vmem>> -> memref<1x1x64xi32, #tpu.memory_space<vmem>>
      %dma_wait3A_1378 = tpu.memref_squeeze %dma_wait3A_1377 : memref<1x1x64xi32, #tpu.memory_space<vmem>> -> memref<64xi32, #tpu.memory_space<vmem>>
      %dma_wait3A_1379 = arith.constant 0 : i32
      %dma_wait3A_1380 = arith.constant 0 : i32
      %dma_wait3A_1381 = tpu.memref_slice %arg12[%dma_wait3A_1379, %dma_wait3A_1380] : memref<10112x64xf32, #tpu.memory_space<vmem_shared>> -> memref<10112x64xf32, #tpu.memory_space<vmem_shared>>
      tpu.wait_indirect_dma semaphore(%arg17 : memref<!tpu.dma_semaphore, #tpu.memory_space<semaphore_mem>>) src(%dma_wait3A_1381 : memref<10112x64xf32, #tpu.memory_space<vmem_shared>>) dst(%dma_wait3A_1375 : memref<64x64xf32, #tpu.memory_space<vmem>>)
      %dma_start3A_1382 = arith.constant 1 : i32
      %dma_start3A_1383 = arith.constant 1 : i32
      %dma_start3A_1384 = arith.constant 5 : i32
      %dma_start3A_1385 = arith.constant 0 : i32
      %dma_start3A_1386 = arith.constant 0 : i32
      %dma_start3A_1387 = tpu.memref_slice %arg11[%dma_start3A_1382, %dma_start3A_1385, %dma_start3A_1386] : memref<4x64x64xf32, #tpu.memory_space<vmem>> -> memref<1x64x64xf32, #tpu.memory_space<vmem>>
      %dma_start3A_1388 = tpu.memref_squeeze %dma_start3A_1387 : memref<1x64x64xf32, #tpu.memory_space<vmem>> -> memref<64x64xf32, #tpu.memory_space<vmem>>
      %dma_start3A_1389 = arith.constant 0 : i32
      %dma_start3A_1390 = tpu.memref_slice %arg10[%dma_start3A_1383, %dma_start3A_1384, %dma_start3A_1389] : memref<2x8x64xi32, #tpu.memory_space<vmem>> -> memref<1x1x64xi32, #tpu.memory_space<vmem>>
      %dma_start3A_1391 = tpu.memref_squeeze %dma_start3A_1390 : memref<1x1x64xi32, #tpu.memory_space<vmem>> -> memref<64xi32, #tpu.memory_space<vmem>>
      %dma_start3A_1392 = arith.constant 0 : i32
      %dma_start3A_1393 = arith.constant 0 : i32
      %dma_start3A_1394 = tpu.memref_slice %arg13[%dma_start3A_1392, %dma_start3A_1393] : memref<10112x64xf32, #tpu.memory_space<vmem_shared>> -> memref<10112x64xf32, #tpu.memory_space<vmem_shared>>
      tpu.enqueue_indirect_dma source(%dma_start3A_1388 : memref<64x64xf32, #tpu.memory_space<vmem>>) target(%dma_start3A_1394 : memref<10112x64xf32, #tpu.memory_space<vmem_shared>>) offsets(%dma_start3A_1391 : memref<64xi32, #tpu.memory_space<vmem>>) semaphore(%arg21 : memref<!tpu.dma_semaphore, #tpu.memory_space<semaphore_mem>>) {add = true}
      %dma_wait3A_1395 = arith.constant 1 : i32
      %dma_wait3A_1396 = arith.constant 1 : i32
      %dma_wait3A_1397 = arith.constant 5 : i32
      %dma_wait3A_1398 = arith.constant 0 : i32
      %dma_wait3A_1399 = arith.constant 0 : i32
      %dma_wait3A_1400 = tpu.memref_slice %arg11[%dma_wait3A_1395, %dma_wait3A_1398, %dma_wait3A_1399] : memref<4x64x64xf32, #tpu.memory_space<vmem>> -> memref<1x64x64xf32, #tpu.memory_space<vmem>>
      %dma_wait3A_1401 = tpu.memref_squeeze %dma_wait3A_1400 : memref<1x64x64xf32, #tpu.memory_space<vmem>> -> memref<64x64xf32, #tpu.memory_space<vmem>>
      %dma_wait3A_1402 = arith.constant 0 : i32
      %dma_wait3A_1403 = tpu.memref_slice %arg10[%dma_wait3A_1396, %dma_wait3A_1397, %dma_wait3A_1402] : memref<2x8x64xi32, #tpu.memory_space<vmem>> -> memref<1x1x64xi32, #tpu.memory_space<vmem>>
      %dma_wait3A_1404 = tpu.memref_squeeze %dma_wait3A_1403 : memref<1x1x64xi32, #tpu.memory_space<vmem>> -> memref<64xi32, #tpu.memory_space<vmem>>
      %dma_wait3A_1405 = arith.constant 0 : i32
      %dma_wait3A_1406 = arith.constant 0 : i32
      %dma_wait3A_1407 = tpu.memref_slice %arg13[%dma_wait3A_1405, %dma_wait3A_1406] : memref<10112x64xf32, #tpu.memory_space<vmem_shared>> -> memref<10112x64xf32, #tpu.memory_space<vmem_shared>>
      tpu.wait_indirect_dma semaphore(%arg21 : memref<!tpu.dma_semaphore, #tpu.memory_space<semaphore_mem>>) src(%dma_wait3A_1401 : memref<64x64xf32, #tpu.memory_space<vmem>>) dst(%dma_wait3A_1407 : memref<10112x64xf32, #tpu.memory_space<vmem_shared>>)
      %dma_start3A_1408 = arith.constant 0 : i32
      %dma_start3A_1409 = arith.constant 1 : i32
      %dma_start3A_1410 = arith.constant 1 : i32
      %dma_start3A_1411 = arith.constant 0 : i32
      %dma_start3A_1412 = arith.constant 0 : i32
      %dma_start3A_1413 = tpu.memref_slice %arg11[%dma_start3A_1410, %dma_start3A_1411, %dma_start3A_1412] : memref<4x64x64xf32, #tpu.memory_space<vmem>> -> memref<1x64x64xf32, #tpu.memory_space<vmem>>
      %dma_start3A_1414 = tpu.memref_squeeze %dma_start3A_1413 : memref<1x64x64xf32, #tpu.memory_space<vmem>> -> memref<64x64xf32, #tpu.memory_space<vmem>>
      %dma_start3A_1415 = arith.constant 0 : i32
      %dma_start3A_1416 = tpu.memref_slice %arg9[%dma_start3A_1408, %dma_start3A_1409, %dma_start3A_1415] : memref<2x8x64xi32, #tpu.memory_space<vmem>> -> memref<1x1x64xi32, #tpu.memory_space<vmem>>
      %dma_start3A_1417 = tpu.memref_squeeze %dma_start3A_1416 : memref<1x1x64xi32, #tpu.memory_space<vmem>> -> memref<64xi32, #tpu.memory_space<vmem>>
      %dma_start3A_1418 = arith.constant 0 : i32
      %dma_start3A_1419 = arith.constant 0 : i32
      %dma_start3A_1420 = tpu.memref_slice %arg12[%dma_start3A_1418, %dma_start3A_1419] : memref<10112x64xf32, #tpu.memory_space<vmem_shared>> -> memref<10112x64xf32, #tpu.memory_space<vmem_shared>>
      tpu.enqueue_indirect_dma source(%dma_start3A_1420 : memref<10112x64xf32, #tpu.memory_space<vmem_shared>>) target(%dma_start3A_1414 : memref<64x64xf32, #tpu.memory_space<vmem>>) offsets(%dma_start3A_1417 : memref<64xi32, #tpu.memory_space<vmem>>) semaphore(%arg17 : memref<!tpu.dma_semaphore, #tpu.memory_space<semaphore_mem>>)
      %dma_wait3A_1421 = arith.constant 1 : i32
      %dma_wait3A_1422 = arith.constant 6 : i32
      %dma_wait3A_1423 = arith.constant 2 : i32
      %dma_wait3A_1424 = arith.constant 0 : i32
      %dma_wait3A_1425 = arith.constant 0 : i32
      %dma_wait3A_1426 = tpu.memref_slice %arg11[%dma_wait3A_1423, %dma_wait3A_1424, %dma_wait3A_1425] : memref<4x64x64xf32, #tpu.memory_space<vmem>> -> memref<1x64x64xf32, #tpu.memory_space<vmem>>
      %dma_wait3A_1427 = tpu.memref_squeeze %dma_wait3A_1426 : memref<1x64x64xf32, #tpu.memory_space<vmem>> -> memref<64x64xf32, #tpu.memory_space<vmem>>
      %dma_wait3A_1428 = arith.constant 0 : i32
      %dma_wait3A_1429 = tpu.memref_slice %arg9[%dma_wait3A_1421, %dma_wait3A_1422, %dma_wait3A_1428] : memref<2x8x64xi32, #tpu.memory_space<vmem>> -> memref<1x1x64xi32, #tpu.memory_space<vmem>>
      %dma_wait3A_1430 = tpu.memref_squeeze %dma_wait3A_1429 : memref<1x1x64xi32, #tpu.memory_space<vmem>> -> memref<64xi32, #tpu.memory_space<vmem>>
      %dma_wait3A_1431 = arith.constant 0 : i32
      %dma_wait3A_1432 = arith.constant 0 : i32
      %dma_wait3A_1433 = tpu.memref_slice %arg12[%dma_wait3A_1431, %dma_wait3A_1432] : memref<10112x64xf32, #tpu.memory_space<vmem_shared>> -> memref<10112x64xf32, #tpu.memory_space<vmem_shared>>
      tpu.wait_indirect_dma semaphore(%arg18 : memref<!tpu.dma_semaphore, #tpu.memory_space<semaphore_mem>>) src(%dma_wait3A_1433 : memref<10112x64xf32, #tpu.memory_space<vmem_shared>>) dst(%dma_wait3A_1427 : memref<64x64xf32, #tpu.memory_space<vmem>>)
      %dma_start3A_1434 = arith.constant 2 : i32
      %dma_start3A_1435 = arith.constant 1 : i32
      %dma_start3A_1436 = arith.constant 6 : i32
      %dma_start3A_1437 = arith.constant 0 : i32
      %dma_start3A_1438 = arith.constant 0 : i32
      %dma_start3A_1439 = tpu.memref_slice %arg11[%dma_start3A_1434, %dma_start3A_1437, %dma_start3A_1438] : memref<4x64x64xf32, #tpu.memory_space<vmem>> -> memref<1x64x64xf32, #tpu.memory_space<vmem>>
      %dma_start3A_1440 = tpu.memref_squeeze %dma_start3A_1439 : memref<1x64x64xf32, #tpu.memory_space<vmem>> -> memref<64x64xf32, #tpu.memory_space<vmem>>
      %dma_start3A_1441 = arith.constant 0 : i32
      %dma_start3A_1442 = tpu.memref_slice %arg10[%dma_start3A_1435, %dma_start3A_1436, %dma_start3A_1441] : memref<2x8x64xi32, #tpu.memory_space<vmem>> -> memref<1x1x64xi32, #tpu.memory_space<vmem>>
      %dma_start3A_1443 = tpu.memref_squeeze %dma_start3A_1442 : memref<1x1x64xi32, #tpu.memory_space<vmem>> -> memref<64xi32, #tpu.memory_space<vmem>>
      %dma_start3A_1444 = arith.constant 0 : i32
      %dma_start3A_1445 = arith.constant 0 : i32
      %dma_start3A_1446 = tpu.memref_slice %arg13[%dma_start3A_1444, %dma_start3A_1445] : memref<10112x64xf32, #tpu.memory_space<vmem_shared>> -> memref<10112x64xf32, #tpu.memory_space<vmem_shared>>
      tpu.enqueue_indirect_dma source(%dma_start3A_1440 : memref<64x64xf32, #tpu.memory_space<vmem>>) target(%dma_start3A_1446 : memref<10112x64xf32, #tpu.memory_space<vmem_shared>>) offsets(%dma_start3A_1443 : memref<64xi32, #tpu.memory_space<vmem>>) semaphore(%arg22 : memref<!tpu.dma_semaphore, #tpu.memory_space<semaphore_mem>>) {add = true}
      %dma_wait3A_1447 = arith.constant 2 : i32
      %dma_wait3A_1448 = arith.constant 1 : i32
      %dma_wait3A_1449 = arith.constant 6 : i32
      %dma_wait3A_1450 = arith.constant 0 : i32
      %dma_wait3A_1451 = arith.constant 0 : i32
      %dma_wait3A_1452 = tpu.memref_slice %arg11[%dma_wait3A_1447, %dma_wait3A_1450, %dma_wait3A_1451] : memref<4x64x64xf32, #tpu.memory_space<vmem>> -> memref<1x64x64xf32, #tpu.memory_space<vmem>>
      %dma_wait3A_1453 = tpu.memref_squeeze %dma_wait3A_1452 : memref<1x64x64xf32, #tpu.memory_space<vmem>> -> memref<64x64xf32, #tpu.memory_space<vmem>>
      %dma_wait3A_1454 = arith.constant 0 : i32
      %dma_wait3A_1455 = tpu.memref_slice %arg10[%dma_wait3A_1448, %dma_wait3A_1449, %dma_wait3A_1454] : memref<2x8x64xi32, #tpu.memory_space<vmem>> -> memref<1x1x64xi32, #tpu.memory_space<vmem>>
      %dma_wait3A_1456 = tpu.memref_squeeze %dma_wait3A_1455 : memref<1x1x64xi32, #tpu.memory_space<vmem>> -> memref<64xi32, #tpu.memory_space<vmem>>
      %dma_wait3A_1457 = arith.constant 0 : i32
      %dma_wait3A_1458 = arith.constant 0 : i32
      %dma_wait3A_1459 = tpu.memref_slice %arg13[%dma_wait3A_1457, %dma_wait3A_1458] : memref<10112x64xf32, #tpu.memory_space<vmem_shared>> -> memref<10112x64xf32, #tpu.memory_space<vmem_shared>>
      tpu.wait_indirect_dma semaphore(%arg22 : memref<!tpu.dma_semaphore, #tpu.memory_space<semaphore_mem>>) src(%dma_wait3A_1453 : memref<64x64xf32, #tpu.memory_space<vmem>>) dst(%dma_wait3A_1459 : memref<10112x64xf32, #tpu.memory_space<vmem_shared>>)
      %dma_start3A_1460 = arith.constant 0 : i32
      %dma_start3A_1461 = arith.constant 2 : i32
      %dma_start3A_1462 = arith.constant 2 : i32
      %dma_start3A_1463 = arith.constant 0 : i32
      %dma_start3A_1464 = arith.constant 0 : i32
      %dma_start3A_1465 = tpu.memref_slice %arg11[%dma_start3A_1462, %dma_start3A_1463, %dma_start3A_1464] : memref<4x64x64xf32, #tpu.memory_space<vmem>> -> memref<1x64x64xf32, #tpu.memory_space<vmem>>
      %dma_start3A_1466 = tpu.memref_squeeze %dma_start3A_1465 : memref<1x64x64xf32, #tpu.memory_space<vmem>> -> memref<64x64xf32, #tpu.memory_space<vmem>>
      %dma_start3A_1467 = arith.constant 0 : i32
      %dma_start3A_1468 = tpu.memref_slice %arg9[%dma_start3A_1460, %dma_start3A_1461, %dma_start3A_1467] : memref<2x8x64xi32, #tpu.memory_space<vmem>> -> memref<1x1x64xi32, #tpu.memory_space<vmem>>
      %dma_start3A_1469 = tpu.memref_squeeze %dma_start3A_1468 : memref<1x1x64xi32, #tpu.memory_space<vmem>> -> memref<64xi32, #tpu.memory_space<vmem>>
      %dma_start3A_1470 = arith.constant 0 : i32
      %dma_start3A_1471 = arith.constant 0 : i32
      %dma_start3A_1472 = tpu.memref_slice %arg12[%dma_start3A_1470, %dma_start3A_1471] : memref<10112x64xf32, #tpu.memory_space<vmem_shared>> -> memref<10112x64xf32, #tpu.memory_space<vmem_shared>>
      tpu.enqueue_indirect_dma source(%dma_start3A_1472 : memref<10112x64xf32, #tpu.memory_space<vmem_shared>>) target(%dma_start3A_1466 : memref<64x64xf32, #tpu.memory_space<vmem>>) offsets(%dma_start3A_1469 : memref<64xi32, #tpu.memory_space<vmem>>) semaphore(%arg18 : memref<!tpu.dma_semaphore, #tpu.memory_space<semaphore_mem>>)
      %dma_wait3A_1473 = arith.constant 1 : i32
      %dma_wait3A_1474 = arith.constant 7 : i32
      %dma_wait3A_1475 = arith.constant 3 : i32
      %dma_wait3A_1476 = arith.constant 0 : i32
      %dma_wait3A_1477 = arith.constant 0 : i32
      %dma_wait3A_1478 = tpu.memref_slice %arg11[%dma_wait3A_1475, %dma_wait3A_1476, %dma_wait3A_1477] : memref<4x64x64xf32, #tpu.memory_space<vmem>> -> memref<1x64x64xf32, #tpu.memory_space<vmem>>
      %dma_wait3A_1479 = tpu.memref_squeeze %dma_wait3A_1478 : memref<1x64x64xf32, #tpu.memory_space<vmem>> -> memref<64x64xf32, #tpu.memory_space<vmem>>
      %dma_wait3A_1480 = arith.constant 0 : i32
      %dma_wait3A_1481 = tpu.memref_slice %arg9[%dma_wait3A_1473, %dma_wait3A_1474, %dma_wait3A_1480] : memref<2x8x64xi32, #tpu.memory_space<vmem>> -> memref<1x1x64xi32, #tpu.memory_space<vmem>>
      %dma_wait3A_1482 = tpu.memref_squeeze %dma_wait3A_1481 : memref<1x1x64xi32, #tpu.memory_space<vmem>> -> memref<64xi32, #tpu.memory_space<vmem>>
      %dma_wait3A_1483 = arith.constant 0 : i32
      %dma_wait3A_1484 = arith.constant 0 : i32
      %dma_wait3A_1485 = tpu.memref_slice %arg12[%dma_wait3A_1483, %dma_wait3A_1484] : memref<10112x64xf32, #tpu.memory_space<vmem_shared>> -> memref<10112x64xf32, #tpu.memory_space<vmem_shared>>
      tpu.wait_indirect_dma semaphore(%arg19 : memref<!tpu.dma_semaphore, #tpu.memory_space<semaphore_mem>>) src(%dma_wait3A_1485 : memref<10112x64xf32, #tpu.memory_space<vmem_shared>>) dst(%dma_wait3A_1479 : memref<64x64xf32, #tpu.memory_space<vmem>>)
      %dma_start3A_1486 = arith.constant 3 : i32
      %dma_start3A_1487 = arith.constant 1 : i32
      %dma_start3A_1488 = arith.constant 7 : i32
      %dma_start3A_1489 = arith.constant 0 : i32
      %dma_start3A_1490 = arith.constant 0 : i32
      %dma_start3A_1491 = tpu.memref_slice %arg11[%dma_start3A_1486, %dma_start3A_1489, %dma_start3A_1490] : memref<4x64x64xf32, #tpu.memory_space<vmem>> -> memref<1x64x64xf32, #tpu.memory_space<vmem>>
      %dma_start3A_1492 = tpu.memref_squeeze %dma_start3A_1491 : memref<1x64x64xf32, #tpu.memory_space<vmem>> -> memref<64x64xf32, #tpu.memory_space<vmem>>
      %dma_start3A_1493 = arith.constant 0 : i32
      %dma_start3A_1494 = tpu.memref_slice %arg10[%dma_start3A_1487, %dma_start3A_1488, %dma_start3A_1493] : memref<2x8x64xi32, #tpu.memory_space<vmem>> -> memref<1x1x64xi32, #tpu.memory_space<vmem>>
      %dma_start3A_1495 = tpu.memref_squeeze %dma_start3A_1494 : memref<1x1x64xi32, #tpu.memory_space<vmem>> -> memref<64xi32, #tpu.memory_space<vmem>>
      %dma_start3A_1496 = arith.constant 0 : i32
      %dma_start3A_1497 = arith.constant 0 : i32
      %dma_start3A_1498 = tpu.memref_slice %arg13[%dma_start3A_1496, %dma_start3A_1497] : memref<10112x64xf32, #tpu.memory_space<vmem_shared>> -> memref<10112x64xf32, #tpu.memory_space<vmem_shared>>
      tpu.enqueue_indirect_dma source(%dma_start3A_1492 : memref<64x64xf32, #tpu.memory_space<vmem>>) target(%dma_start3A_1498 : memref<10112x64xf32, #tpu.memory_space<vmem_shared>>) offsets(%dma_start3A_1495 : memref<64xi32, #tpu.memory_space<vmem>>) semaphore(%arg23 : memref<!tpu.dma_semaphore, #tpu.memory_space<semaphore_mem>>) {add = true}
      %mul3A_1499 = arith.constant 2 : i32
      %mul3A_1500 = arith.muli %scan3A_1007, %mul3A_1499 : i32
      %add3A_1501 = arith.constant 2 : i32
      %add3A_1502 = arith.addi %mul3A_1500, %add3A_1501 : i32
      %dma_wait3A_1503 = arith.constant 3 : i32
      %dma_wait3A_1504 = arith.constant 1 : i32
      %dma_wait3A_1505 = arith.constant 7 : i32
      %dma_wait3A_1506 = arith.constant 0 : i32
      %dma_wait3A_1507 = arith.constant 0 : i32
      %dma_wait3A_1508 = tpu.memref_slice %arg11[%dma_wait3A_1503, %dma_wait3A_1506, %dma_wait3A_1507] : memref<4x64x64xf32, #tpu.memory_space<vmem>> -> memref<1x64x64xf32, #tpu.memory_space<vmem>>
      %dma_wait3A_1509 = tpu.memref_squeeze %dma_wait3A_1508 : memref<1x64x64xf32, #tpu.memory_space<vmem>> -> memref<64x64xf32, #tpu.memory_space<vmem>>
      %dma_wait3A_1510 = arith.constant 0 : i32
      %dma_wait3A_1511 = tpu.memref_slice %arg10[%dma_wait3A_1504, %dma_wait3A_1505, %dma_wait3A_1510] : memref<2x8x64xi32, #tpu.memory_space<vmem>> -> memref<1x1x64xi32, #tpu.memory_space<vmem>>
      %dma_wait3A_1512 = tpu.memref_squeeze %dma_wait3A_1511 : memref<1x1x64xi32, #tpu.memory_space<vmem>> -> memref<64xi32, #tpu.memory_space<vmem>>
      %dma_wait3A_1513 = arith.constant 0 : i32
      %dma_wait3A_1514 = arith.constant 0 : i32
      %dma_wait3A_1515 = tpu.memref_slice %arg13[%dma_wait3A_1513, %dma_wait3A_1514] : memref<10112x64xf32, #tpu.memory_space<vmem_shared>> -> memref<10112x64xf32, #tpu.memory_space<vmem_shared>>
      tpu.wait_indirect_dma semaphore(%arg23 : memref<!tpu.dma_semaphore, #tpu.memory_space<semaphore_mem>>) src(%dma_wait3A_1509 : memref<64x64xf32, #tpu.memory_space<vmem>>) dst(%dma_wait3A_1515 : memref<10112x64xf32, #tpu.memory_space<vmem_shared>>)
      %dma_start3A_1516 = arith.constant 0 : i32
      %dma_start3A_1517 = arith.constant 3 : i32
      %dma_start3A_1518 = arith.constant 3 : i32
      %dma_start3A_1519 = arith.constant 0 : i32
      %dma_start3A_1520 = arith.constant 0 : i32
      %dma_start3A_1521 = tpu.memref_slice %arg11[%dma_start3A_1518, %dma_start3A_1519, %dma_start3A_1520] : memref<4x64x64xf32, #tpu.memory_space<vmem>> -> memref<1x64x64xf32, #tpu.memory_space<vmem>>
      %dma_start3A_1522 = tpu.memref_squeeze %dma_start3A_1521 : memref<1x64x64xf32, #tpu.memory_space<vmem>> -> memref<64x64xf32, #tpu.memory_space<vmem>>
      %dma_start3A_1523 = arith.constant 0 : i32
      %dma_start3A_1524 = tpu.memref_slice %arg9[%dma_start3A_1516, %dma_start3A_1517, %dma_start3A_1523] : memref<2x8x64xi32, #tpu.memory_space<vmem>> -> memref<1x1x64xi32, #tpu.memory_space<vmem>>
      %dma_start3A_1525 = tpu.memref_squeeze %dma_start3A_1524 : memref<1x1x64xi32, #tpu.memory_space<vmem>> -> memref<64xi32, #tpu.memory_space<vmem>>
      %dma_start3A_1526 = arith.constant 0 : i32
      %dma_start3A_1527 = arith.constant 0 : i32
      %dma_start3A_1528 = tpu.memref_slice %arg12[%dma_start3A_1526, %dma_start3A_1527] : memref<10112x64xf32, #tpu.memory_space<vmem_shared>> -> memref<10112x64xf32, #tpu.memory_space<vmem_shared>>
      tpu.enqueue_indirect_dma source(%dma_start3A_1528 : memref<10112x64xf32, #tpu.memory_space<vmem_shared>>) target(%dma_start3A_1522 : memref<64x64xf32, #tpu.memory_space<vmem>>) offsets(%dma_start3A_1525 : memref<64xi32, #tpu.memory_space<vmem>>) semaphore(%arg19 : memref<!tpu.dma_semaphore, #tpu.memory_space<semaphore_mem>>)
      %dma_wait3A_1529 = arith.constant 0 : i32
      %dma_wait3A_1530 = arith.constant 0 : i32
      %dma_wait3A_1531 = arith.constant 0 : i32
      %dma_wait3A_1532 = arith.constant 0 : i32
      %dma_wait3A_1533 = arith.constant 0 : i32
      %dma_wait3A_1534 = tpu.memref_slice %arg11[%dma_wait3A_1531, %dma_wait3A_1532, %dma_wait3A_1533] : memref<4x64x64xf32, #tpu.memory_space<vmem>> -> memref<1x64x64xf32, #tpu.memory_space<vmem>>
      %dma_wait3A_1535 = tpu.memref_squeeze %dma_wait3A_1534 : memref<1x64x64xf32, #tpu.memory_space<vmem>> -> memref<64x64xf32, #tpu.memory_space<vmem>>
      %dma_wait3A_1536 = arith.constant 0 : i32
      %dma_wait3A_1537 = tpu.memref_slice %arg9[%dma_wait3A_1529, %dma_wait3A_1530, %dma_wait3A_1536] : memref<2x8x64xi32, #tpu.memory_space<vmem>> -> memref<1x1x64xi32, #tpu.memory_space<vmem>>
      %dma_wait3A_1538 = tpu.memref_squeeze %dma_wait3A_1537 : memref<1x1x64xi32, #tpu.memory_space<vmem>> -> memref<64xi32, #tpu.memory_space<vmem>>
      %dma_wait3A_1539 = arith.constant 0 : i32
      %dma_wait3A_1540 = arith.constant 0 : i32
      %dma_wait3A_1541 = tpu.memref_slice %arg12[%dma_wait3A_1539, %dma_wait3A_1540] : memref<10112x64xf32, #tpu.memory_space<vmem_shared>> -> memref<10112x64xf32, #tpu.memory_space<vmem_shared>>
      tpu.wait_indirect_dma semaphore(%arg16 : memref<!tpu.dma_semaphore, #tpu.memory_space<semaphore_mem>>) src(%dma_wait3A_1541 : memref<10112x64xf32, #tpu.memory_space<vmem_shared>>) dst(%dma_wait3A_1535 : memref<64x64xf32, #tpu.memory_space<vmem>>)
      %dma_start3A_1542 = arith.constant 0 : i32
      %dma_start3A_1543 = arith.constant 0 : i32
      %dma_start3A_1544 = arith.constant 0 : i32
      %dma_start3A_1545 = arith.constant 0 : i32
      %dma_start3A_1546 = arith.constant 0 : i32
      %dma_start3A_1547 = tpu.memref_slice %arg11[%dma_start3A_1542, %dma_start3A_1545, %dma_start3A_1546] : memref<4x64x64xf32, #tpu.memory_space<vmem>> -> memref<1x64x64xf32, #tpu.memory_space<vmem>>
      %dma_start3A_1548 = tpu.memref_squeeze %dma_start3A_1547 : memref<1x64x64xf32, #tpu.memory_space<vmem>> -> memref<64x64xf32, #tpu.memory_space<vmem>>
      %dma_start3A_1549 = arith.constant 0 : i32
      %dma_start3A_1550 = tpu.memref_slice %arg10[%dma_start3A_1543, %dma_start3A_1544, %dma_start3A_1549] : memref<2x8x64xi32, #tpu.memory_space<vmem>> -> memref<1x1x64xi32, #tpu.memory_space<vmem>>
      %dma_start3A_1551 = tpu.memref_squeeze %dma_start3A_1550 : memref<1x1x64xi32, #tpu.memory_space<vmem>> -> memref<64xi32, #tpu.memory_space<vmem>>
      %dma_start3A_1552 = arith.constant 0 : i32
      %dma_start3A_1553 = arith.constant 0 : i32
      %dma_start3A_1554 = tpu.memref_slice %arg13[%dma_start3A_1552, %dma_start3A_1553] : memref<10112x64xf32, #tpu.memory_space<vmem_shared>> -> memref<10112x64xf32, #tpu.memory_space<vmem_shared>>
      tpu.enqueue_indirect_dma source(%dma_start3A_1548 : memref<64x64xf32, #tpu.memory_space<vmem>>) target(%dma_start3A_1554 : memref<10112x64xf32, #tpu.memory_space<vmem_shared>>) offsets(%dma_start3A_1551 : memref<64xi32, #tpu.memory_space<vmem>>) semaphore(%arg20 : memref<!tpu.dma_semaphore, #tpu.memory_space<semaphore_mem>>) {add = true}
      %dma_wait3A_1555 = arith.constant 0 : i32
      %dma_wait3A_1556 = arith.constant 0 : i32
      %dma_wait3A_1557 = arith.constant 0 : i32
      %dma_wait3A_1558 = arith.constant 0 : i32
      %dma_wait3A_1559 = arith.constant 0 : i32
      %dma_wait3A_1560 = tpu.memref_slice %arg11[%dma_wait3A_1555, %dma_wait3A_1558, %dma_wait3A_1559] : memref<4x64x64xf32, #tpu.memory_space<vmem>> -> memref<1x64x64xf32, #tpu.memory_space<vmem>>
      %dma_wait3A_1561 = tpu.memref_squeeze %dma_wait3A_1560 : memref<1x64x64xf32, #tpu.memory_space<vmem>> -> memref<64x64xf32, #tpu.memory_space<vmem>>
      %dma_wait3A_1562 = arith.constant 0 : i32
      %dma_wait3A_1563 = tpu.memref_slice %arg10[%dma_wait3A_1556, %dma_wait3A_1557, %dma_wait3A_1562] : memref<2x8x64xi32, #tpu.memory_space<vmem>> -> memref<1x1x64xi32, #tpu.memory_space<vmem>>
      %dma_wait3A_1564 = tpu.memref_squeeze %dma_wait3A_1563 : memref<1x1x64xi32, #tpu.memory_space<vmem>> -> memref<64xi32, #tpu.memory_space<vmem>>
      %dma_wait3A_1565 = arith.constant 0 : i32
      %dma_wait3A_1566 = arith.constant 0 : i32
      %dma_wait3A_1567 = tpu.memref_slice %arg13[%dma_wait3A_1565, %dma_wait3A_1566] : memref<10112x64xf32, #tpu.memory_space<vmem_shared>> -> memref<10112x64xf32, #tpu.memory_space<vmem_shared>>
      tpu.wait_indirect_dma semaphore(%arg20 : memref<!tpu.dma_semaphore, #tpu.memory_space<semaphore_mem>>) src(%dma_wait3A_1561 : memref<64x64xf32, #tpu.memory_space<vmem>>) dst(%dma_wait3A_1567 : memref<10112x64xf32, #tpu.memory_space<vmem_shared>>)
      %dma_start3A_1568 = arith.constant 0 : i32
      %dma_start3A_1569 = arith.constant 4 : i32
      %dma_start3A_1570 = arith.constant 0 : i32
      %dma_start3A_1571 = arith.constant 0 : i32
      %dma_start3A_1572 = arith.constant 0 : i32
      %dma_start3A_1573 = tpu.memref_slice %arg11[%dma_start3A_1570, %dma_start3A_1571, %dma_start3A_1572] : memref<4x64x64xf32, #tpu.memory_space<vmem>> -> memref<1x64x64xf32, #tpu.memory_space<vmem>>
      %dma_start3A_1574 = tpu.memref_squeeze %dma_start3A_1573 : memref<1x64x64xf32, #tpu.memory_space<vmem>> -> memref<64x64xf32, #tpu.memory_space<vmem>>
      %dma_start3A_1575 = arith.constant 0 : i32
      %dma_start3A_1576 = tpu.memref_slice %arg9[%dma_start3A_1568, %dma_start3A_1569, %dma_start3A_1575] : memref<2x8x64xi32, #tpu.memory_space<vmem>> -> memref<1x1x64xi32, #tpu.memory_space<vmem>>
      %dma_start3A_1577 = tpu.memref_squeeze %dma_start3A_1576 : memref<1x1x64xi32, #tpu.memory_space<vmem>> -> memref<64xi32, #tpu.memory_space<vmem>>
      %dma_start3A_1578 = arith.constant 0 : i32
      %dma_start3A_1579 = arith.constant 0 : i32
      %dma_start3A_1580 = tpu.memref_slice %arg12[%dma_start3A_1578, %dma_start3A_1579] : memref<10112x64xf32, #tpu.memory_space<vmem_shared>> -> memref<10112x64xf32, #tpu.memory_space<vmem_shared>>
      tpu.enqueue_indirect_dma source(%dma_start3A_1580 : memref<10112x64xf32, #tpu.memory_space<vmem_shared>>) target(%dma_start3A_1574 : memref<64x64xf32, #tpu.memory_space<vmem>>) offsets(%dma_start3A_1577 : memref<64xi32, #tpu.memory_space<vmem>>) semaphore(%arg16 : memref<!tpu.dma_semaphore, #tpu.memory_space<semaphore_mem>>)
      %dma_wait3A_1581 = arith.constant 0 : i32
      %dma_wait3A_1582 = arith.constant 1 : i32
      %dma_wait3A_1583 = arith.constant 1 : i32
      %dma_wait3A_1584 = arith.constant 0 : i32
      %dma_wait3A_1585 = arith.constant 0 : i32
      %dma_wait3A_1586 = tpu.memref_slice %arg11[%dma_wait3A_1583, %dma_wait3A_1584, %dma_wait3A_1585] : memref<4x64x64xf32, #tpu.memory_space<vmem>> -> memref<1x64x64xf32, #tpu.memory_space<vmem>>
      %dma_wait3A_1587 = tpu.memref_squeeze %dma_wait3A_1586 : memref<1x64x64xf32, #tpu.memory_space<vmem>> -> memref<64x64xf32, #tpu.memory_space<vmem>>
      %dma_wait3A_1588 = arith.constant 0 : i32
      %dma_wait3A_1589 = tpu.memref_slice %arg9[%dma_wait3A_1581, %dma_wait3A_1582, %dma_wait3A_1588] : memref<2x8x64xi32, #tpu.memory_space<vmem>> -> memref<1x1x64xi32, #tpu.memory_space<vmem>>
      %dma_wait3A_1590 = tpu.memref_squeeze %dma_wait3A_1589 : memref<1x1x64xi32, #tpu.memory_space<vmem>> -> memref<64xi32, #tpu.memory_space<vmem>>
      %dma_wait3A_1591 = arith.constant 0 : i32
      %dma_wait3A_1592 = arith.constant 0 : i32
      %dma_wait3A_1593 = tpu.memref_slice %arg12[%dma_wait3A_1591, %dma_wait3A_1592] : memref<10112x64xf32, #tpu.memory_space<vmem_shared>> -> memref<10112x64xf32, #tpu.memory_space<vmem_shared>>
      tpu.wait_indirect_dma semaphore(%arg17 : memref<!tpu.dma_semaphore, #tpu.memory_space<semaphore_mem>>) src(%dma_wait3A_1593 : memref<10112x64xf32, #tpu.memory_space<vmem_shared>>) dst(%dma_wait3A_1587 : memref<64x64xf32, #tpu.memory_space<vmem>>)
      %dma_start3A_1594 = arith.constant 1 : i32
      %dma_start3A_1595 = arith.constant 0 : i32
      %dma_start3A_1596 = arith.constant 1 : i32
      %dma_start3A_1597 = arith.constant 0 : i32
      %dma_start3A_1598 = arith.constant 0 : i32
      %dma_start3A_1599 = tpu.memref_slice %arg11[%dma_start3A_1594, %dma_start3A_1597, %dma_start3A_1598] : memref<4x64x64xf32, #tpu.memory_space<vmem>> -> memref<1x64x64xf32, #tpu.memory_space<vmem>>
      %dma_start3A_1600 = tpu.memref_squeeze %dma_start3A_1599 : memref<1x64x64xf32, #tpu.memory_space<vmem>> -> memref<64x64xf32, #tpu.memory_space<vmem>>
      %dma_start3A_1601 = arith.constant 0 : i32
      %dma_start3A_1602 = tpu.memref_slice %arg10[%dma_start3A_1595, %dma_start3A_1596, %dma_start3A_1601] : memref<2x8x64xi32, #tpu.memory_space<vmem>> -> memref<1x1x64xi32, #tpu.memory_space<vmem>>
      %dma_start3A_1603 = tpu.memref_squeeze %dma_start3A_1602 : memref<1x1x64xi32, #tpu.memory_space<vmem>> -> memref<64xi32, #tpu.memory_space<vmem>>
      %dma_start3A_1604 = arith.constant 0 : i32
      %dma_start3A_1605 = arith.constant 0 : i32
      %dma_start3A_1606 = tpu.memref_slice %arg13[%dma_start3A_1604, %dma_start3A_1605] : memref<10112x64xf32, #tpu.memory_space<vmem_shared>> -> memref<10112x64xf32, #tpu.memory_space<vmem_shared>>
      tpu.enqueue_indirect_dma source(%dma_start3A_1600 : memref<64x64xf32, #tpu.memory_space<vmem>>) target(%dma_start3A_1606 : memref<10112x64xf32, #tpu.memory_space<vmem_shared>>) offsets(%dma_start3A_1603 : memref<64xi32, #tpu.memory_space<vmem>>) semaphore(%arg21 : memref<!tpu.dma_semaphore, #tpu.memory_space<semaphore_mem>>) {add = true}
      %dma_wait3A_1607 = arith.constant 1 : i32
      %dma_wait3A_1608 = arith.constant 0 : i32
      %dma_wait3A_1609 = arith.constant 1 : i32
      %dma_wait3A_1610 = arith.constant 0 : i32
      %dma_wait3A_1611 = arith.constant 0 : i32
      %dma_wait3A_1612 = tpu.memref_slice %arg11[%dma_wait3A_1607, %dma_wait3A_1610, %dma_wait3A_1611] : memref<4x64x64xf32, #tpu.memory_space<vmem>> -> memref<1x64x64xf32, #tpu.memory_space<vmem>>
      %dma_wait3A_1613 = tpu.memref_squeeze %dma_wait3A_1612 : memref<1x64x64xf32, #tpu.memory_space<vmem>> -> memref<64x64xf32, #tpu.memory_space<vmem>>
      %dma_wait3A_1614 = arith.constant 0 : i32
      %dma_wait3A_1615 = tpu.memref_slice %arg10[%dma_wait3A_1608, %dma_wait3A_1609, %dma_wait3A_1614] : memref<2x8x64xi32, #tpu.memory_space<vmem>> -> memref<1x1x64xi32, #tpu.memory_space<vmem>>
      %dma_wait3A_1616 = tpu.memref_squeeze %dma_wait3A_1615 : memref<1x1x64xi32, #tpu.memory_space<vmem>> -> memref<64xi32, #tpu.memory_space<vmem>>
      %dma_wait3A_1617 = arith.constant 0 : i32
      %dma_wait3A_1618 = arith.constant 0 : i32
      %dma_wait3A_1619 = tpu.memref_slice %arg13[%dma_wait3A_1617, %dma_wait3A_1618] : memref<10112x64xf32, #tpu.memory_space<vmem_shared>> -> memref<10112x64xf32, #tpu.memory_space<vmem_shared>>
      tpu.wait_indirect_dma semaphore(%arg21 : memref<!tpu.dma_semaphore, #tpu.memory_space<semaphore_mem>>) src(%dma_wait3A_1613 : memref<64x64xf32, #tpu.memory_space<vmem>>) dst(%dma_wait3A_1619 : memref<10112x64xf32, #tpu.memory_space<vmem_shared>>)
      %dma_start3A_1620 = arith.constant 0 : i32
      %dma_start3A_1621 = arith.constant 5 : i32
      %dma_start3A_1622 = arith.constant 1 : i32
      %dma_start3A_1623 = arith.constant 0 : i32
      %dma_start3A_1624 = arith.constant 0 : i32
      %dma_start3A_1625 = tpu.memref_slice %arg11[%dma_start3A_1622, %dma_start3A_1623, %dma_start3A_1624] : memref<4x64x64xf32, #tpu.memory_space<vmem>> -> memref<1x64x64xf32, #tpu.memory_space<vmem>>
      %dma_start3A_1626 = tpu.memref_squeeze %dma_start3A_1625 : memref<1x64x64xf32, #tpu.memory_space<vmem>> -> memref<64x64xf32, #tpu.memory_space<vmem>>
      %dma_start3A_1627 = arith.constant 0 : i32
      %dma_start3A_1628 = tpu.memref_slice %arg9[%dma_start3A_1620, %dma_start3A_1621, %dma_start3A_1627] : memref<2x8x64xi32, #tpu.memory_space<vmem>> -> memref<1x1x64xi32, #tpu.memory_space<vmem>>
      %dma_start3A_1629 = tpu.memref_squeeze %dma_start3A_1628 : memref<1x1x64xi32, #tpu.memory_space<vmem>> -> memref<64xi32, #tpu.memory_space<vmem>>
      %dma_start3A_1630 = arith.constant 0 : i32
      %dma_start3A_1631 = arith.constant 0 : i32
      %dma_start3A_1632 = tpu.memref_slice %arg12[%dma_start3A_1630, %dma_start3A_1631] : memref<10112x64xf32, #tpu.memory_space<vmem_shared>> -> memref<10112x64xf32, #tpu.memory_space<vmem_shared>>
      tpu.enqueue_indirect_dma source(%dma_start3A_1632 : memref<10112x64xf32, #tpu.memory_space<vmem_shared>>) target(%dma_start3A_1626 : memref<64x64xf32, #tpu.memory_space<vmem>>) offsets(%dma_start3A_1629 : memref<64xi32, #tpu.memory_space<vmem>>) semaphore(%arg17 : memref<!tpu.dma_semaphore, #tpu.memory_space<semaphore_mem>>)
      %dma_wait3A_1633 = arith.constant 0 : i32
      %dma_wait3A_1634 = arith.constant 2 : i32
      %dma_wait3A_1635 = arith.constant 2 : i32
      %dma_wait3A_1636 = arith.constant 0 : i32
      %dma_wait3A_1637 = arith.constant 0 : i32
      %dma_wait3A_1638 = tpu.memref_slice %arg11[%dma_wait3A_1635, %dma_wait3A_1636, %dma_wait3A_1637] : memref<4x64x64xf32, #tpu.memory_space<vmem>> -> memref<1x64x64xf32, #tpu.memory_space<vmem>>
      %dma_wait3A_1639 = tpu.memref_squeeze %dma_wait3A_1638 : memref<1x64x64xf32, #tpu.memory_space<vmem>> -> memref<64x64xf32, #tpu.memory_space<vmem>>
      %dma_wait3A_1640 = arith.constant 0 : i32
      %dma_wait3A_1641 = tpu.memref_slice %arg9[%dma_wait3A_1633, %dma_wait3A_1634, %dma_wait3A_1640] : memref<2x8x64xi32, #tpu.memory_space<vmem>> -> memref<1x1x64xi32, #tpu.memory_space<vmem>>
      %dma_wait3A_1642 = tpu.memref_squeeze %dma_wait3A_1641 : memref<1x1x64xi32, #tpu.memory_space<vmem>> -> memref<64xi32, #tpu.memory_space<vmem>>
      %dma_wait3A_1643 = arith.constant 0 : i32
      %dma_wait3A_1644 = arith.constant 0 : i32
      %dma_wait3A_1645 = tpu.memref_slice %arg12[%dma_wait3A_1643, %dma_wait3A_1644] : memref<10112x64xf32, #tpu.memory_space<vmem_shared>> -> memref<10112x64xf32, #tpu.memory_space<vmem_shared>>
      tpu.wait_indirect_dma semaphore(%arg18 : memref<!tpu.dma_semaphore, #tpu.memory_space<semaphore_mem>>) src(%dma_wait3A_1645 : memref<10112x64xf32, #tpu.memory_space<vmem_shared>>) dst(%dma_wait3A_1639 : memref<64x64xf32, #tpu.memory_space<vmem>>)
      %dma_start3A_1646 = arith.constant 2 : i32
      %dma_start3A_1647 = arith.constant 0 : i32
      %dma_start3A_1648 = arith.constant 2 : i32
      %dma_start3A_1649 = arith.constant 0 : i32
      %dma_start3A_1650 = arith.constant 0 : i32
      %dma_start3A_1651 = tpu.memref_slice %arg11[%dma_start3A_1646, %dma_start3A_1649, %dma_start3A_1650] : memref<4x64x64xf32, #tpu.memory_space<vmem>> -> memref<1x64x64xf32, #tpu.memory_space<vmem>>
      %dma_start3A_1652 = tpu.memref_squeeze %dma_start3A_1651 : memref<1x64x64xf32, #tpu.memory_space<vmem>> -> memref<64x64xf32, #tpu.memory_space<vmem>>
      %dma_start3A_1653 = arith.constant 0 : i32
      %dma_start3A_1654 = tpu.memref_slice %arg10[%dma_start3A_1647, %dma_start3A_1648, %dma_start3A_1653] : memref<2x8x64xi32, #tpu.memory_space<vmem>> -> memref<1x1x64xi32, #tpu.memory_space<vmem>>
      %dma_start3A_1655 = tpu.memref_squeeze %dma_start3A_1654 : memref<1x1x64xi32, #tpu.memory_space<vmem>> -> memref<64xi32, #tpu.memory_space<vmem>>
      %dma_start3A_1656 = arith.constant 0 : i32
      %dma_start3A_1657 = arith.constant 0 : i32
      %dma_start3A_1658 = tpu.memref_slice %arg13[%dma_start3A_1656, %dma_start3A_1657] : memref<10112x64xf32, #tpu.memory_space<vmem_shared>> -> memref<10112x64xf32, #tpu.memory_space<vmem_shared>>
      tpu.enqueue_indirect_dma source(%dma_start3A_1652 : memref<64x64xf32, #tpu.memory_space<vmem>>) target(%dma_start3A_1658 : memref<10112x64xf32, #tpu.memory_space<vmem_shared>>) offsets(%dma_start3A_1655 : memref<64xi32, #tpu.memory_space<vmem>>) semaphore(%arg22 : memref<!tpu.dma_semaphore, #tpu.memory_space<semaphore_mem>>) {add = true}
      %dma_wait3A_1659 = arith.constant 2 : i32
      %dma_wait3A_1660 = arith.constant 0 : i32
      %dma_wait3A_1661 = arith.constant 2 : i32
      %dma_wait3A_1662 = arith.constant 0 : i32
      %dma_wait3A_1663 = arith.constant 0 : i32
      %dma_wait3A_1664 = tpu.memref_slice %arg11[%dma_wait3A_1659, %dma_wait3A_1662, %dma_wait3A_1663] : memref<4x64x64xf32, #tpu.memory_space<vmem>> -> memref<1x64x64xf32, #tpu.memory_space<vmem>>
      %dma_wait3A_1665 = tpu.memref_squeeze %dma_wait3A_1664 : memref<1x64x64xf32, #tpu.memory_space<vmem>> -> memref<64x64xf32, #tpu.memory_space<vmem>>
      %dma_wait3A_1666 = arith.constant 0 : i32
      %dma_wait3A_1667 = tpu.memref_slice %arg10[%dma_wait3A_1660, %dma_wait3A_1661, %dma_wait3A_1666] : memref<2x8x64xi32, #tpu.memory_space<vmem>> -> memref<1x1x64xi32, #tpu.memory_space<vmem>>
      %dma_wait3A_1668 = tpu.memref_squeeze %dma_wait3A_1667 : memref<1x1x64xi32, #tpu.memory_space<vmem>> -> memref<64xi32, #tpu.memory_space<vmem>>
      %dma_wait3A_1669 = arith.constant 0 : i32
      %dma_wait3A_1670 = arith.constant 0 : i32
      %dma_wait3A_1671 = tpu.memref_slice %arg13[%dma_wait3A_1669, %dma_wait3A_1670] : memref<10112x64xf32, #tpu.memory_space<vmem_shared>> -> memref<10112x64xf32, #tpu.memory_space<vmem_shared>>
      tpu.wait_indirect_dma semaphore(%arg22 : memref<!tpu.dma_semaphore, #tpu.memory_space<semaphore_mem>>) src(%dma_wait3A_1665 : memref<64x64xf32, #tpu.memory_space<vmem>>) dst(%dma_wait3A_1671 : memref<10112x64xf32, #tpu.memory_space<vmem_shared>>)
      %dma_start3A_1672 = arith.constant 0 : i32
      %dma_start3A_1673 = arith.constant 6 : i32
      %dma_start3A_1674 = arith.constant 2 : i32
      %dma_start3A_1675 = arith.constant 0 : i32
      %dma_start3A_1676 = arith.constant 0 : i32
      %dma_start3A_1677 = tpu.memref_slice %arg11[%dma_start3A_1674, %dma_start3A_1675, %dma_start3A_1676] : memref<4x64x64xf32, #tpu.memory_space<vmem>> -> memref<1x64x64xf32, #tpu.memory_space<vmem>>
      %dma_start3A_1678 = tpu.memref_squeeze %dma_start3A_1677 : memref<1x64x64xf32, #tpu.memory_space<vmem>> -> memref<64x64xf32, #tpu.memory_space<vmem>>
      %dma_start3A_1679 = arith.constant 0 : i32
      %dma_start3A_1680 = tpu.memref_slice %arg9[%dma_start3A_1672, %dma_start3A_1673, %dma_start3A_1679] : memref<2x8x64xi32, #tpu.memory_space<vmem>> -> memref<1x1x64xi32, #tpu.memory_space<vmem>>
      %dma_start3A_1681 = tpu.memref_squeeze %dma_start3A_1680 : memref<1x1x64xi32, #tpu.memory_space<vmem>> -> memref<64xi32, #tpu.memory_space<vmem>>
      %dma_start3A_1682 = arith.constant 0 : i32
      %dma_start3A_1683 = arith.constant 0 : i32
      %dma_start3A_1684 = tpu.memref_slice %arg12[%dma_start3A_1682, %dma_start3A_1683] : memref<10112x64xf32, #tpu.memory_space<vmem_shared>> -> memref<10112x64xf32, #tpu.memory_space<vmem_shared>>
      tpu.enqueue_indirect_dma source(%dma_start3A_1684 : memref<10112x64xf32, #tpu.memory_space<vmem_shared>>) target(%dma_start3A_1678 : memref<64x64xf32, #tpu.memory_space<vmem>>) offsets(%dma_start3A_1681 : memref<64xi32, #tpu.memory_space<vmem>>) semaphore(%arg18 : memref<!tpu.dma_semaphore, #tpu.memory_space<semaphore_mem>>)
      %dma_wait3A_1685 = arith.constant 0 : i32
      %dma_wait3A_1686 = arith.constant 3 : i32
      %dma_wait3A_1687 = arith.constant 3 : i32
      %dma_wait3A_1688 = arith.constant 0 : i32
      %dma_wait3A_1689 = arith.constant 0 : i32
      %dma_wait3A_1690 = tpu.memref_slice %arg11[%dma_wait3A_1687, %dma_wait3A_1688, %dma_wait3A_1689] : memref<4x64x64xf32, #tpu.memory_space<vmem>> -> memref<1x64x64xf32, #tpu.memory_space<vmem>>
      %dma_wait3A_1691 = tpu.memref_squeeze %dma_wait3A_1690 : memref<1x64x64xf32, #tpu.memory_space<vmem>> -> memref<64x64xf32, #tpu.memory_space<vmem>>
      %dma_wait3A_1692 = arith.constant 0 : i32
      %dma_wait3A_1693 = tpu.memref_slice %arg9[%dma_wait3A_1685, %dma_wait3A_1686, %dma_wait3A_1692] : memref<2x8x64xi32, #tpu.memory_space<vmem>> -> memref<1x1x64xi32, #tpu.memory_space<vmem>>
      %dma_wait3A_1694 = tpu.memref_squeeze %dma_wait3A_1693 : memref<1x1x64xi32, #tpu.memory_space<vmem>> -> memref<64xi32, #tpu.memory_space<vmem>>
      %dma_wait3A_1695 = arith.constant 0 : i32
      %dma_wait3A_1696 = arith.constant 0 : i32
      %dma_wait3A_1697 = tpu.memref_slice %arg12[%dma_wait3A_1695, %dma_wait3A_1696] : memref<10112x64xf32, #tpu.memory_space<vmem_shared>> -> memref<10112x64xf32, #tpu.memory_space<vmem_shared>>
      tpu.wait_indirect_dma semaphore(%arg19 : memref<!tpu.dma_semaphore, #tpu.memory_space<semaphore_mem>>) src(%dma_wait3A_1697 : memref<10112x64xf32, #tpu.memory_space<vmem_shared>>) dst(%dma_wait3A_1691 : memref<64x64xf32, #tpu.memory_space<vmem>>)
      %dma_start3A_1698 = arith.constant 3 : i32
      %dma_start3A_1699 = arith.constant 0 : i32
      %dma_start3A_1700 = arith.constant 3 : i32
      %dma_start3A_1701 = arith.constant 0 : i32
      %dma_start3A_1702 = arith.constant 0 : i32
      %dma_start3A_1703 = tpu.memref_slice %arg11[%dma_start3A_1698, %dma_start3A_1701, %dma_start3A_1702] : memref<4x64x64xf32, #tpu.memory_space<vmem>> -> memref<1x64x64xf32, #tpu.memory_space<vmem>>
      %dma_start3A_1704 = tpu.memref_squeeze %dma_start3A_1703 : memref<1x64x64xf32, #tpu.memory_space<vmem>> -> memref<64x64xf32, #tpu.memory_space<vmem>>
      %dma_start3A_1705 = arith.constant 0 : i32
      %dma_start3A_1706 = tpu.memref_slice %arg10[%dma_start3A_1699, %dma_start3A_1700, %dma_start3A_1705] : memref<2x8x64xi32, #tpu.memory_space<vmem>> -> memref<1x1x64xi32, #tpu.memory_space<vmem>>
      %dma_start3A_1707 = tpu.memref_squeeze %dma_start3A_1706 : memref<1x1x64xi32, #tpu.memory_space<vmem>> -> memref<64xi32, #tpu.memory_space<vmem>>
      %dma_start3A_1708 = arith.constant 0 : i32
      %dma_start3A_1709 = arith.constant 0 : i32
      %dma_start3A_1710 = tpu.memref_slice %arg13[%dma_start3A_1708, %dma_start3A_1709] : memref<10112x64xf32, #tpu.memory_space<vmem_shared>> -> memref<10112x64xf32, #tpu.memory_space<vmem_shared>>
      tpu.enqueue_indirect_dma source(%dma_start3A_1704 : memref<64x64xf32, #tpu.memory_space<vmem>>) target(%dma_start3A_1710 : memref<10112x64xf32, #tpu.memory_space<vmem_shared>>) offsets(%dma_start3A_1707 : memref<64xi32, #tpu.memory_space<vmem>>) semaphore(%arg23 : memref<!tpu.dma_semaphore, #tpu.memory_space<semaphore_mem>>) {add = true}
      %add3A_1711 = arith.constant 1 : i32
      %add3A_1712 = arith.addi %add3A_1502, %add3A_1711 : i32
      %dma_start3A_1713 = arith.constant 1 : i32
      %dma_start3A_1714 = arith.constant 0 : i32
      %dma_start3A_1715 = arith.constant 0 : i32
      %dma_start3A_1716 = tpu.memref_slice %arg9[%dma_start3A_1713, %dma_start3A_1714, %dma_start3A_1715] : memref<2x8x64xi32, #tpu.memory_space<vmem>> -> memref<1x8x64xi32, #tpu.memory_space<vmem>>
      %dma_start3A_1717 = tpu.memref_squeeze %dma_start3A_1716 : memref<1x8x64xi32, #tpu.memory_space<vmem>> -> memref<8x64xi32, #tpu.memory_space<vmem>>
      %dma_start3A_1718 = arith.constant 0 : i32
      %dma_start3A_1719 = arith.constant 0 : i32
      %dma_start3A_1720 = tpu.memref_slice %arg4[%arg1, %add3A_1712, %dma_start3A_1718, %dma_start3A_1719] : memref<16x40x8x64xi32, #tpu.memory_space<hbm>> -> memref<1x1x8x64xi32, #tpu.memory_space<hbm>>
      %dma_start3A_1721 = tpu.memref_squeeze %dma_start3A_1720 : memref<1x1x8x64xi32, #tpu.memory_space<hbm>> -> memref<8x64xi32, #tpu.memory_space<hbm>>
      %dma_start3A_1722 = arith.constant 0 : i32
      %dma_start3A_1723 = arith.constant 0 : i32
      %dma_start3A_1724 = tpu.memref_slice %arg9[%dma_start3A_1713, %dma_start3A_1722, %dma_start3A_1723] : memref<2x8x64xi32, #tpu.memory_space<vmem>> -> memref<1x8x64xi32, #tpu.memory_space<vmem>>
      %dma_start3A_1725 = tpu.memref_squeeze %dma_start3A_1724 : memref<1x8x64xi32, #tpu.memory_space<vmem>> -> memref<8x64xi32, #tpu.memory_space<vmem>>
      %dma_start3A_1726 = arith.constant 0 : i32
      %dma_start3A_1727 = arith.constant 0 : i32
      %dma_start3A_1728 = tpu.memref_slice %arg4[%arg1, %add3A_1712, %dma_start3A_1726, %dma_start3A_1727] : memref<16x40x8x64xi32, #tpu.memory_space<hbm>> -> memref<1x1x8x64xi32, #tpu.memory_space<hbm>>
      %dma_start3A_1729 = tpu.memref_squeeze %dma_start3A_1728 : memref<1x1x8x64xi32, #tpu.memory_space<hbm>> -> memref<8x64xi32, #tpu.memory_space<hbm>>
      tpu.enqueue_dma source(%dma_start3A_1729 : memref<8x64xi32, #tpu.memory_space<hbm>>) target(%dma_start3A_1725 : memref<8x64xi32, #tpu.memory_space<vmem>>) target_semaphore(%arg15 : memref<!tpu.dma_semaphore, #tpu.memory_space<semaphore_mem>>)
      %dma_start3A_1730 = arith.constant 1 : i32
      %dma_start3A_1731 = arith.constant 0 : i32
      %dma_start3A_1732 = arith.constant 0 : i32
      %dma_start3A_1733 = tpu.memref_slice %arg10[%dma_start3A_1730, %dma_start3A_1731, %dma_start3A_1732] : memref<2x8x64xi32, #tpu.memory_space<vmem>> -> memref<1x8x64xi32, #tpu.memory_space<vmem>>
      %dma_start3A_1734 = tpu.memref_squeeze %dma_start3A_1733 : memref<1x8x64xi32, #tpu.memory_space<vmem>> -> memref<8x64xi32, #tpu.memory_space<vmem>>
      %dma_start3A_1735 = arith.constant 0 : i32
      %dma_start3A_1736 = arith.constant 0 : i32
      %dma_start3A_1737 = tpu.memref_slice %arg5[%arg1, %add3A_1712, %dma_start3A_1735, %dma_start3A_1736] : memref<16x40x8x64xi32, #tpu.memory_space<hbm>> -> memref<1x1x8x64xi32, #tpu.memory_space<hbm>>
      %dma_start3A_1738 = tpu.memref_squeeze %dma_start3A_1737 : memref<1x1x8x64xi32, #tpu.memory_space<hbm>> -> memref<8x64xi32, #tpu.memory_space<hbm>>
      %dma_start3A_1739 = arith.constant 0 : i32
      %dma_start3A_1740 = arith.constant 0 : i32
      %dma_start3A_1741 = tpu.memref_slice %arg10[%dma_start3A_1730, %dma_start3A_1739, %dma_start3A_1740] : memref<2x8x64xi32, #tpu.memory_space<vmem>> -> memref<1x8x64xi32, #tpu.memory_space<vmem>>
      %dma_start3A_1742 = tpu.memref_squeeze %dma_start3A_1741 : memref<1x8x64xi32, #tpu.memory_space<vmem>> -> memref<8x64xi32, #tpu.memory_space<vmem>>
      %dma_start3A_1743 = arith.constant 0 : i32
      %dma_start3A_1744 = arith.constant 0 : i32
      %dma_start3A_1745 = tpu.memref_slice %arg5[%arg1, %add3A_1712, %dma_start3A_1743, %dma_start3A_1744] : memref<16x40x8x64xi32, #tpu.memory_space<hbm>> -> memref<1x1x8x64xi32, #tpu.memory_space<hbm>>
      %dma_start3A_1746 = tpu.memref_squeeze %dma_start3A_1745 : memref<1x1x8x64xi32, #tpu.memory_space<hbm>> -> memref<8x64xi32, #tpu.memory_space<hbm>>
      tpu.enqueue_dma source(%dma_start3A_1746 : memref<8x64xi32, #tpu.memory_space<hbm>>) target(%dma_start3A_1742 : memref<8x64xi32, #tpu.memory_space<vmem>>) target_semaphore(%arg15 : memref<!tpu.dma_semaphore, #tpu.memory_space<semaphore_mem>>)
      %dma_wait3A_1747 = arith.constant 3 : i32
      %dma_wait3A_1748 = arith.constant 0 : i32
      %dma_wait3A_1749 = arith.constant 3 : i32
      %dma_wait3A_1750 = arith.constant 0 : i32
      %dma_wait3A_1751 = arith.constant 0 : i32
      %dma_wait3A_1752 = tpu.memref_slice %arg11[%dma_wait3A_1747, %dma_wait3A_1750, %dma_wait3A_1751] : memref<4x64x64xf32, #tpu.memory_space<vmem>> -> memref<1x64x64xf32, #tpu.memory_space<vmem>>
      %dma_wait3A_1753 = tpu.memref_squeeze %dma_wait3A_1752 : memref<1x64x64xf32, #tpu.memory_space<vmem>> -> memref<64x64xf32, #tpu.memory_space<vmem>>
      %dma_wait3A_1754 = arith.constant 0 : i32
      %dma_wait3A_1755 = tpu.memref_slice %arg10[%dma_wait3A_1748, %dma_wait3A_1749, %dma_wait3A_1754] : memref<2x8x64xi32, #tpu.memory_space<vmem>> -> memref<1x1x64xi32, #tpu.memory_space<vmem>>
      %dma_wait3A_1756 = tpu.memref_squeeze %dma_wait3A_1755 : memref<1x1x64xi32, #tpu.memory_space<vmem>> -> memref<64xi32, #tpu.memory_space<vmem>>
      %dma_wait3A_1757 = arith.constant 0 : i32
      %dma_wait3A_1758 = arith.constant 0 : i32
      %dma_wait3A_1759 = tpu.memref_slice %arg13[%dma_wait3A_1757, %dma_wait3A_1758] : memref<10112x64xf32, #tpu.memory_space<vmem_shared>> -> memref<10112x64xf32, #tpu.memory_space<vmem_shared>>
      tpu.wait_indirect_dma semaphore(%arg23 : memref<!tpu.dma_semaphore, #tpu.memory_space<semaphore_mem>>) src(%dma_wait3A_1753 : memref<64x64xf32, #tpu.memory_space<vmem>>) dst(%dma_wait3A_1759 : memref<10112x64xf32, #tpu.memory_space<vmem_shared>>)
      %dma_start3A_1760 = arith.constant 0 : i32
      %dma_start3A_1761 = arith.constant 7 : i32
      %dma_start3A_1762 = arith.constant 3 : i32
      %dma_start3A_1763 = arith.constant 0 : i32
      %dma_start3A_1764 = arith.constant 0 : i32
      %dma_start3A_1765 = tpu.memref_slice %arg11[%dma_start3A_1762, %dma_start3A_1763, %dma_start3A_1764] : memref<4x64x64xf32, #tpu.memory_space<vmem>> -> memref<1x64x64xf32, #tpu.memory_space<vmem>>
      %dma_start3A_1766 = tpu.memref_squeeze %dma_start3A_1765 : memref<1x64x64xf32, #tpu.memory_space<vmem>> -> memref<64x64xf32, #tpu.memory_space<vmem>>
      %dma_start3A_1767 = arith.constant 0 : i32
      %dma_start3A_1768 = tpu.memref_slice %arg9[%dma_start3A_1760, %dma_start3A_1761, %dma_start3A_1767] : memref<2x8x64xi32, #tpu.memory_space<vmem>> -> memref<1x1x64xi32, #tpu.memory_space<vmem>>
      %dma_start3A_1769 = tpu.memref_squeeze %dma_start3A_1768 : memref<1x1x64xi32, #tpu.memory_space<vmem>> -> memref<64xi32, #tpu.memory_space<vmem>>
      %dma_start3A_1770 = arith.constant 0 : i32
      %dma_start3A_1771 = arith.constant 0 : i32
      %dma_start3A_1772 = tpu.memref_slice %arg12[%dma_start3A_1770, %dma_start3A_1771] : memref<10112x64xf32, #tpu.memory_space<vmem_shared>> -> memref<10112x64xf32, #tpu.memory_space<vmem_shared>>
      tpu.enqueue_indirect_dma source(%dma_start3A_1772 : memref<10112x64xf32, #tpu.memory_space<vmem_shared>>) target(%dma_start3A_1766 : memref<64x64xf32, #tpu.memory_space<vmem>>) offsets(%dma_start3A_1769 : memref<64xi32, #tpu.memory_space<vmem>>) semaphore(%arg19 : memref<!tpu.dma_semaphore, #tpu.memory_space<semaphore_mem>>)
      %dma_wait3A_1773 = arith.constant 0 : i32
      %dma_wait3A_1774 = arith.constant 4 : i32
      %dma_wait3A_1775 = arith.constant 0 : i32
      %dma_wait3A_1776 = arith.constant 0 : i32
      %dma_wait3A_1777 = arith.constant 0 : i32
      %dma_wait3A_1778 = tpu.memref_slice %arg11[%dma_wait3A_1775, %dma_wait3A_1776, %dma_wait3A_1777] : memref<4x64x64xf32, #tpu.memory_space<vmem>> -> memref<1x64x64xf32, #tpu.memory_space<vmem>>
      %dma_wait3A_1779 = tpu.memref_squeeze %dma_wait3A_1778 : memref<1x64x64xf32, #tpu.memory_space<vmem>> -> memref<64x64xf32, #tpu.memory_space<vmem>>
      %dma_wait3A_1780 = arith.constant 0 : i32
      %dma_wait3A_1781 = tpu.memref_slice %arg9[%dma_wait3A_1773, %dma_wait3A_1774, %dma_wait3A_1780] : memref<2x8x64xi32, #tpu.memory_space<vmem>> -> memref<1x1x64xi32, #tpu.memory_space<vmem>>
      %dma_wait3A_1782 = tpu.memref_squeeze %dma_wait3A_1781 : memref<1x1x64xi32, #tpu.memory_space<vmem>> -> memref<64xi32, #tpu.memory_space<vmem>>
      %dma_wait3A_1783 = arith.constant 0 : i32
      %dma_wait3A_1784 = arith.constant 0 : i32
      %dma_wait3A_1785 = tpu.memref_slice %arg12[%dma_wait3A_1783, %dma_wait3A_1784] : memref<10112x64xf32, #tpu.memory_space<vmem_shared>> -> memref<10112x64xf32, #tpu.memory_space<vmem_shared>>
      tpu.wait_indirect_dma semaphore(%arg16 : memref<!tpu.dma_semaphore, #tpu.memory_space<semaphore_mem>>) src(%dma_wait3A_1785 : memref<10112x64xf32, #tpu.memory_space<vmem_shared>>) dst(%dma_wait3A_1779 : memref<64x64xf32, #tpu.memory_space<vmem>>)
      %dma_start3A_1786 = arith.constant 0 : i32
      %dma_start3A_1787 = arith.constant 0 : i32
      %dma_start3A_1788 = arith.constant 4 : i32
      %dma_start3A_1789 = arith.constant 0 : i32
      %dma_start3A_1790 = arith.constant 0 : i32
      %dma_start3A_1791 = tpu.memref_slice %arg11[%dma_start3A_1786, %dma_start3A_1789, %dma_start3A_1790] : memref<4x64x64xf32, #tpu.memory_space<vmem>> -> memref<1x64x64xf32, #tpu.memory_space<vmem>>
      %dma_start3A_1792 = tpu.memref_squeeze %dma_start3A_1791 : memref<1x64x64xf32, #tpu.memory_space<vmem>> -> memref<64x64xf32, #tpu.memory_space<vmem>>
      %dma_start3A_1793 = arith.constant 0 : i32
      %dma_start3A_1794 = tpu.memref_slice %arg10[%dma_start3A_1787, %dma_start3A_1788, %dma_start3A_1793] : memref<2x8x64xi32, #tpu.memory_space<vmem>> -> memref<1x1x64xi32, #tpu.memory_space<vmem>>
      %dma_start3A_1795 = tpu.memref_squeeze %dma_start3A_1794 : memref<1x1x64xi32, #tpu.memory_space<vmem>> -> memref<64xi32, #tpu.memory_space<vmem>>
      %dma_start3A_1796 = arith.constant 0 : i32
      %dma_start3A_1797 = arith.constant 0 : i32
      %dma_start3A_1798 = tpu.memref_slice %arg13[%dma_start3A_1796, %dma_start3A_1797] : memref<10112x64xf32, #tpu.memory_space<vmem_shared>> -> memref<10112x64xf32, #tpu.memory_space<vmem_shared>>
      tpu.enqueue_indirect_dma source(%dma_start3A_1792 : memref<64x64xf32, #tpu.memory_space<vmem>>) target(%dma_start3A_1798 : memref<10112x64xf32, #tpu.memory_space<vmem_shared>>) offsets(%dma_start3A_1795 : memref<64xi32, #tpu.memory_space<vmem>>) semaphore(%arg20 : memref<!tpu.dma_semaphore, #tpu.memory_space<semaphore_mem>>) {add = true}
      %dma_wait3A_1799 = arith.constant 0 : i32
      %dma_wait3A_1800 = arith.constant 0 : i32
      %dma_wait3A_1801 = arith.constant 4 : i32
      %dma_wait3A_1802 = arith.constant 0 : i32
      %dma_wait3A_1803 = arith.constant 0 : i32
      %dma_wait3A_1804 = tpu.memref_slice %arg11[%dma_wait3A_1799, %dma_wait3A_1802, %dma_wait3A_1803] : memref<4x64x64xf32, #tpu.memory_space<vmem>> -> memref<1x64x64xf32, #tpu.memory_space<vmem>>
      %dma_wait3A_1805 = tpu.memref_squeeze %dma_wait3A_1804 : memref<1x64x64xf32, #tpu.memory_space<vmem>> -> memref<64x64xf32, #tpu.memory_space<vmem>>
      %dma_wait3A_1806 = arith.constant 0 : i32
      %dma_wait3A_1807 = tpu.memref_slice %arg10[%dma_wait3A_1800, %dma_wait3A_1801, %dma_wait3A_1806] : memref<2x8x64xi32, #tpu.memory_space<vmem>> -> memref<1x1x64xi32, #tpu.memory_space<vmem>>
      %dma_wait3A_1808 = tpu.memref_squeeze %dma_wait3A_1807 : memref<1x1x64xi32, #tpu.memory_space<vmem>> -> memref<64xi32, #tpu.memory_space<vmem>>
      %dma_wait3A_1809 = arith.constant 0 : i32
      %dma_wait3A_1810 = arith.constant 0 : i32
      %dma_wait3A_1811 = tpu.memref_slice %arg13[%dma_wait3A_1809, %dma_wait3A_1810] : memref<10112x64xf32, #tpu.memory_space<vmem_shared>> -> memref<10112x64xf32, #tpu.memory_space<vmem_shared>>
      tpu.wait_indirect_dma semaphore(%arg20 : memref<!tpu.dma_semaphore, #tpu.memory_space<semaphore_mem>>) src(%dma_wait3A_1805 : memref<64x64xf32, #tpu.memory_space<vmem>>) dst(%dma_wait3A_1811 : memref<10112x64xf32, #tpu.memory_space<vmem_shared>>)
      %add3A_1812 = arith.constant 1 : i32
      %add3A_1813 = arith.addi %add3A_1502, %add3A_1812 : i32
      %dma_wait3A_1814 = arith.constant 1 : i32
      %dma_wait3A_1815 = arith.constant 0 : i32
      %dma_wait3A_1816 = arith.constant 0 : i32
      %dma_wait3A_1817 = tpu.memref_slice %arg9[%dma_wait3A_1814, %dma_wait3A_1815, %dma_wait3A_1816] : memref<2x8x64xi32, #tpu.memory_space<vmem>> -> memref<1x8x64xi32, #tpu.memory_space<vmem>>
      %dma_wait3A_1818 = tpu.memref_squeeze %dma_wait3A_1817 : memref<1x8x64xi32, #tpu.memory_space<vmem>> -> memref<8x64xi32, #tpu.memory_space<vmem>>
      %dma_wait3A_1819 = arith.constant 0 : i32
      %dma_wait3A_1820 = arith.constant 0 : i32
      %dma_wait3A_1821 = tpu.memref_slice %arg4[%arg1, %add3A_1813, %dma_wait3A_1819, %dma_wait3A_1820] : memref<16x40x8x64xi32, #tpu.memory_space<hbm>> -> memref<1x1x8x64xi32, #tpu.memory_space<hbm>>
      %dma_wait3A_1822 = tpu.memref_squeeze %dma_wait3A_1821 : memref<1x1x8x64xi32, #tpu.memory_space<hbm>> -> memref<8x64xi32, #tpu.memory_space<hbm>>
      %dma_wait3A_1823 = arith.constant 0 : i32
      %dma_wait3A_1824 = arith.constant 0 : i32
      %dma_wait3A_1825 = tpu.memref_slice %arg9[%dma_wait3A_1814, %dma_wait3A_1823, %dma_wait3A_1824] : memref<2x8x64xi32, #tpu.memory_space<vmem>> -> memref<1x8x64xi32, #tpu.memory_space<vmem>>
      %dma_wait3A_1826 = tpu.memref_squeeze %dma_wait3A_1825 : memref<1x8x64xi32, #tpu.memory_space<vmem>> -> memref<8x64xi32, #tpu.memory_space<vmem>>
      %dma_wait3A_1827 = arith.constant 0 : i32
      %dma_wait3A_1828 = arith.constant 0 : i32
      %dma_wait3A_1829 = tpu.memref_slice %arg4[%arg1, %add3A_1813, %dma_wait3A_1827, %dma_wait3A_1828] : memref<16x40x8x64xi32, #tpu.memory_space<hbm>> -> memref<1x1x8x64xi32, #tpu.memory_space<hbm>>
      %dma_wait3A_1830 = tpu.memref_squeeze %dma_wait3A_1829 : memref<1x1x8x64xi32, #tpu.memory_space<hbm>> -> memref<8x64xi32, #tpu.memory_space<hbm>>
      tpu.wait_dma2 semaphore(%arg15 : memref<!tpu.dma_semaphore, #tpu.memory_space<semaphore_mem>>) src(%dma_wait3A_1830 : memref<8x64xi32, #tpu.memory_space<hbm>>) dst(%dma_wait3A_1826 : memref<8x64xi32, #tpu.memory_space<vmem>>)
      %dma_wait3A_1831 = arith.constant 1 : i32
      %dma_wait3A_1832 = arith.constant 0 : i32
      %dma_wait3A_1833 = arith.constant 0 : i32
      %dma_wait3A_1834 = tpu.memref_slice %arg10[%dma_wait3A_1831, %dma_wait3A_1832, %dma_wait3A_1833] : memref<2x8x64xi32, #tpu.memory_space<vmem>> -> memref<1x8x64xi32, #tpu.memory_space<vmem>>
      %dma_wait3A_1835 = tpu.memref_squeeze %dma_wait3A_1834 : memref<1x8x64xi32, #tpu.memory_space<vmem>> -> memref<8x64xi32, #tpu.memory_space<vmem>>
      %dma_wait3A_1836 = arith.constant 0 : i32
      %dma_wait3A_1837 = arith.constant 0 : i32
      %dma_wait3A_1838 = tpu.memref_slice %arg5[%arg1, %add3A_1813, %dma_wait3A_1836, %dma_wait3A_1837] : memref<16x40x8x64xi32, #tpu.memory_space<hbm>> -> memref<1x1x8x64xi32, #tpu.memory_space<hbm>>
      %dma_wait3A_1839 = tpu.memref_squeeze %dma_wait3A_1838 : memref<1x1x8x64xi32, #tpu.memory_space<hbm>> -> memref<8x64xi32, #tpu.memory_space<hbm>>
      %dma_wait3A_1840 = arith.constant 0 : i32
      %dma_wait3A_1841 = arith.constant 0 : i32
      %dma_wait3A_1842 = tpu.memref_slice %arg10[%dma_wait3A_1831, %dma_wait3A_1840, %dma_wait3A_1841] : memref<2x8x64xi32, #tpu.memory_space<vmem>> -> memref<1x8x64xi32, #tpu.memory_space<vmem>>
      %dma_wait3A_1843 = tpu.memref_squeeze %dma_wait3A_1842 : memref<1x8x64xi32, #tpu.memory_space<vmem>> -> memref<8x64xi32, #tpu.memory_space<vmem>>
      %dma_wait3A_1844 = arith.constant 0 : i32
      %dma_wait3A_1845 = arith.constant 0 : i32
      %dma_wait3A_1846 = tpu.memref_slice %arg5[%arg1, %add3A_1813, %dma_wait3A_1844, %dma_wait3A_1845] : memref<16x40x8x64xi32, #tpu.memory_space<hbm>> -> memref<1x1x8x64xi32, #tpu.memory_space<hbm>>
      %dma_wait3A_1847 = tpu.memref_squeeze %dma_wait3A_1846 : memref<1x1x8x64xi32, #tpu.memory_space<hbm>> -> memref<8x64xi32, #tpu.memory_space<hbm>>
      tpu.wait_dma2 semaphore(%arg15 : memref<!tpu.dma_semaphore, #tpu.memory_space<semaphore_mem>>) src(%dma_wait3A_1847 : memref<8x64xi32, #tpu.memory_space<hbm>>) dst(%dma_wait3A_1843 : memref<8x64xi32, #tpu.memory_space<vmem>>)
      %dma_start3A_1848 = arith.constant 1 : i32
      %dma_start3A_1849 = arith.constant 0 : i32
      %dma_start3A_1850 = arith.constant 0 : i32
      %dma_start3A_1851 = arith.constant 0 : i32
      %dma_start3A_1852 = arith.constant 0 : i32
      %dma_start3A_1853 = tpu.memref_slice %arg11[%dma_start3A_1850, %dma_start3A_1851, %dma_start3A_1852] : memref<4x64x64xf32, #tpu.memory_space<vmem>> -> memref<1x64x64xf32, #tpu.memory_space<vmem>>
      %dma_start3A_1854 = tpu.memref_squeeze %dma_start3A_1853 : memref<1x64x64xf32, #tpu.memory_space<vmem>> -> memref<64x64xf32, #tpu.memory_space<vmem>>
      %dma_start3A_1855 = arith.constant 0 : i32
      %dma_start3A_1856 = tpu.memref_slice %arg9[%dma_start3A_1848, %dma_start3A_1849, %dma_start3A_1855] : memref<2x8x64xi32, #tpu.memory_space<vmem>> -> memref<1x1x64xi32, #tpu.memory_space<vmem>>
      %dma_start3A_1857 = tpu.memref_squeeze %dma_start3A_1856 : memref<1x1x64xi32, #tpu.memory_space<vmem>> -> memref<64xi32, #tpu.memory_space<vmem>>
      %dma_start3A_1858 = arith.constant 0 : i32
      %dma_start3A_1859 = arith.constant 0 : i32
      %dma_start3A_1860 = tpu.memref_slice %arg12[%dma_start3A_1858, %dma_start3A_1859] : memref<10112x64xf32, #tpu.memory_space<vmem_shared>> -> memref<10112x64xf32, #tpu.memory_space<vmem_shared>>
      tpu.enqueue_indirect_dma source(%dma_start3A_1860 : memref<10112x64xf32, #tpu.memory_space<vmem_shared>>) target(%dma_start3A_1854 : memref<64x64xf32, #tpu.memory_space<vmem>>) offsets(%dma_start3A_1857 : memref<64xi32, #tpu.memory_space<vmem>>) semaphore(%arg16 : memref<!tpu.dma_semaphore, #tpu.memory_space<semaphore_mem>>)
      %dma_wait3A_1861 = arith.constant 0 : i32
      %dma_wait3A_1862 = arith.constant 5 : i32
      %dma_wait3A_1863 = arith.constant 1 : i32
      %dma_wait3A_1864 = arith.constant 0 : i32
      %dma_wait3A_1865 = arith.constant 0 : i32
      %dma_wait3A_1866 = tpu.memref_slice %arg11[%dma_wait3A_1863, %dma_wait3A_1864, %dma_wait3A_1865] : memref<4x64x64xf32, #tpu.memory_space<vmem>> -> memref<1x64x64xf32, #tpu.memory_space<vmem>>
      %dma_wait3A_1867 = tpu.memref_squeeze %dma_wait3A_1866 : memref<1x64x64xf32, #tpu.memory_space<vmem>> -> memref<64x64xf32, #tpu.memory_space<vmem>>
      %dma_wait3A_1868 = arith.constant 0 : i32
      %dma_wait3A_1869 = tpu.memref_slice %arg9[%dma_wait3A_1861, %dma_wait3A_1862, %dma_wait3A_1868] : memref<2x8x64xi32, #tpu.memory_space<vmem>> -> memref<1x1x64xi32, #tpu.memory_space<vmem>>
      %dma_wait3A_1870 = tpu.memref_squeeze %dma_wait3A_1869 : memref<1x1x64xi32, #tpu.memory_space<vmem>> -> memref<64xi32, #tpu.memory_space<vmem>>
      %dma_wait3A_1871 = arith.constant 0 : i32
      %dma_wait3A_1872 = arith.constant 0 : i32
      %dma_wait3A_1873 = tpu.memref_slice %arg12[%dma_wait3A_1871, %dma_wait3A_1872] : memref<10112x64xf32, #tpu.memory_space<vmem_shared>> -> memref<10112x64xf32, #tpu.memory_space<vmem_shared>>
      tpu.wait_indirect_dma semaphore(%arg17 : memref<!tpu.dma_semaphore, #tpu.memory_space<semaphore_mem>>) src(%dma_wait3A_1873 : memref<10112x64xf32, #tpu.memory_space<vmem_shared>>) dst(%dma_wait3A_1867 : memref<64x64xf32, #tpu.memory_space<vmem>>)
      %dma_start3A_1874 = arith.constant 1 : i32
      %dma_start3A_1875 = arith.constant 0 : i32
      %dma_start3A_1876 = arith.constant 5 : i32
      %dma_start3A_1877 = arith.constant 0 : i32
      %dma_start3A_1878 = arith.constant 0 : i32
      %dma_start3A_1879 = tpu.memref_slice %arg11[%dma_start3A_1874, %dma_start3A_1877, %dma_start3A_1878] : memref<4x64x64xf32, #tpu.memory_space<vmem>> -> memref<1x64x64xf32, #tpu.memory_space<vmem>>
      %dma_start3A_1880 = tpu.memref_squeeze %dma_start3A_1879 : memref<1x64x64xf32, #tpu.memory_space<vmem>> -> memref<64x64xf32, #tpu.memory_space<vmem>>
      %dma_start3A_1881 = arith.constant 0 : i32
      %dma_start3A_1882 = tpu.memref_slice %arg10[%dma_start3A_1875, %dma_start3A_1876, %dma_start3A_1881] : memref<2x8x64xi32, #tpu.memory_space<vmem>> -> memref<1x1x64xi32, #tpu.memory_space<vmem>>
      %dma_start3A_1883 = tpu.memref_squeeze %dma_start3A_1882 : memref<1x1x64xi32, #tpu.memory_space<vmem>> -> memref<64xi32, #tpu.memory_space<vmem>>
      %dma_start3A_1884 = arith.constant 0 : i32
      %dma_start3A_1885 = arith.constant 0 : i32
      %dma_start3A_1886 = tpu.memref_slice %arg13[%dma_start3A_1884, %dma_start3A_1885] : memref<10112x64xf32, #tpu.memory_space<vmem_shared>> -> memref<10112x64xf32, #tpu.memory_space<vmem_shared>>
      tpu.enqueue_indirect_dma source(%dma_start3A_1880 : memref<64x64xf32, #tpu.memory_space<vmem>>) target(%dma_start3A_1886 : memref<10112x64xf32, #tpu.memory_space<vmem_shared>>) offsets(%dma_start3A_1883 : memref<64xi32, #tpu.memory_space<vmem>>) semaphore(%arg21 : memref<!tpu.dma_semaphore, #tpu.memory_space<semaphore_mem>>) {add = true}
      %dma_wait3A_1887 = arith.constant 1 : i32
      %dma_wait3A_1888 = arith.constant 0 : i32
      %dma_wait3A_1889 = arith.constant 5 : i32
      %dma_wait3A_1890 = arith.constant 0 : i32
      %dma_wait3A_1891 = arith.constant 0 : i32
      %dma_wait3A_1892 = tpu.memref_slice %arg11[%dma_wait3A_1887, %dma_wait3A_1890, %dma_wait3A_1891] : memref<4x64x64xf32, #tpu.memory_space<vmem>> -> memref<1x64x64xf32, #tpu.memory_space<vmem>>
      %dma_wait3A_1893 = tpu.memref_squeeze %dma_wait3A_1892 : memref<1x64x64xf32, #tpu.memory_space<vmem>> -> memref<64x64xf32, #tpu.memory_space<vmem>>
      %dma_wait3A_1894 = arith.constant 0 : i32
      %dma_wait3A_1895 = tpu.memref_slice %arg10[%dma_wait3A_1888, %dma_wait3A_1889, %dma_wait3A_1894] : memref<2x8x64xi32, #tpu.memory_space<vmem>> -> memref<1x1x64xi32, #tpu.memory_space<vmem>>
      %dma_wait3A_1896 = tpu.memref_squeeze %dma_wait3A_1895 : memref<1x1x64xi32, #tpu.memory_space<vmem>> -> memref<64xi32, #tpu.memory_space<vmem>>
      %dma_wait3A_1897 = arith.constant 0 : i32
      %dma_wait3A_1898 = arith.constant 0 : i32
      %dma_wait3A_1899 = tpu.memref_slice %arg13[%dma_wait3A_1897, %dma_wait3A_1898] : memref<10112x64xf32, #tpu.memory_space<vmem_shared>> -> memref<10112x64xf32, #tpu.memory_space<vmem_shared>>
      tpu.wait_indirect_dma semaphore(%arg21 : memref<!tpu.dma_semaphore, #tpu.memory_space<semaphore_mem>>) src(%dma_wait3A_1893 : memref<64x64xf32, #tpu.memory_space<vmem>>) dst(%dma_wait3A_1899 : memref<10112x64xf32, #tpu.memory_space<vmem_shared>>)
      %dma_start3A_1900 = arith.constant 1 : i32
      %dma_start3A_1901 = arith.constant 1 : i32
      %dma_start3A_1902 = arith.constant 1 : i32
      %dma_start3A_1903 = arith.constant 0 : i32
      %dma_start3A_1904 = arith.constant 0 : i32
      %dma_start3A_1905 = tpu.memref_slice %arg11[%dma_start3A_1902, %dma_start3A_1903, %dma_start3A_1904] : memref<4x64x64xf32, #tpu.memory_space<vmem>> -> memref<1x64x64xf32, #tpu.memory_space<vmem>>
      %dma_start3A_1906 = tpu.memref_squeeze %dma_start3A_1905 : memref<1x64x64xf32, #tpu.memory_space<vmem>> -> memref<64x64xf32, #tpu.memory_space<vmem>>
      %dma_start3A_1907 = arith.constant 0 : i32
      %dma_start3A_1908 = tpu.memref_slice %arg9[%dma_start3A_1900, %dma_start3A_1901, %dma_start3A_1907] : memref<2x8x64xi32, #tpu.memory_space<vmem>> -> memref<1x1x64xi32, #tpu.memory_space<vmem>>
      %dma_start3A_1909 = tpu.memref_squeeze %dma_start3A_1908 : memref<1x1x64xi32, #tpu.memory_space<vmem>> -> memref<64xi32, #tpu.memory_space<vmem>>
      %dma_start3A_1910 = arith.constant 0 : i32
      %dma_start3A_1911 = arith.constant 0 : i32
      %dma_start3A_1912 = tpu.memref_slice %arg12[%dma_start3A_1910, %dma_start3A_1911] : memref<10112x64xf32, #tpu.memory_space<vmem_shared>> -> memref<10112x64xf32, #tpu.memory_space<vmem_shared>>
      tpu.enqueue_indirect_dma source(%dma_start3A_1912 : memref<10112x64xf32, #tpu.memory_space<vmem_shared>>) target(%dma_start3A_1906 : memref<64x64xf32, #tpu.memory_space<vmem>>) offsets(%dma_start3A_1909 : memref<64xi32, #tpu.memory_space<vmem>>) semaphore(%arg17 : memref<!tpu.dma_semaphore, #tpu.memory_space<semaphore_mem>>)
      %dma_wait3A_1913 = arith.constant 0 : i32
      %dma_wait3A_1914 = arith.constant 6 : i32
      %dma_wait3A_1915 = arith.constant 2 : i32
      %dma_wait3A_1916 = arith.constant 0 : i32
      %dma_wait3A_1917 = arith.constant 0 : i32
      %dma_wait3A_1918 = tpu.memref_slice %arg11[%dma_wait3A_1915, %dma_wait3A_1916, %dma_wait3A_1917] : memref<4x64x64xf32, #tpu.memory_space<vmem>> -> memref<1x64x64xf32, #tpu.memory_space<vmem>>
      %dma_wait3A_1919 = tpu.memref_squeeze %dma_wait3A_1918 : memref<1x64x64xf32, #tpu.memory_space<vmem>> -> memref<64x64xf32, #tpu.memory_space<vmem>>
      %dma_wait3A_1920 = arith.constant 0 : i32
      %dma_wait3A_1921 = tpu.memref_slice %arg9[%dma_wait3A_1913, %dma_wait3A_1914, %dma_wait3A_1920] : memref<2x8x64xi32, #tpu.memory_space<vmem>> -> memref<1x1x64xi32, #tpu.memory_space<vmem>>
      %dma_wait3A_1922 = tpu.memref_squeeze %dma_wait3A_1921 : memref<1x1x64xi32, #tpu.memory_space<vmem>> -> memref<64xi32, #tpu.memory_space<vmem>>
      %dma_wait3A_1923 = arith.constant 0 : i32
      %dma_wait3A_1924 = arith.constant 0 : i32
      %dma_wait3A_1925 = tpu.memref_slice %arg12[%dma_wait3A_1923, %dma_wait3A_1924] : memref<10112x64xf32, #tpu.memory_space<vmem_shared>> -> memref<10112x64xf32, #tpu.memory_space<vmem_shared>>
      tpu.wait_indirect_dma semaphore(%arg18 : memref<!tpu.dma_semaphore, #tpu.memory_space<semaphore_mem>>) src(%dma_wait3A_1925 : memref<10112x64xf32, #tpu.memory_space<vmem_shared>>) dst(%dma_wait3A_1919 : memref<64x64xf32, #tpu.memory_space<vmem>>)
      %dma_start3A_1926 = arith.constant 2 : i32
      %dma_start3A_1927 = arith.constant 0 : i32
      %dma_start3A_1928 = arith.constant 6 : i32
      %dma_start3A_1929 = arith.constant 0 : i32
      %dma_start3A_1930 = arith.constant 0 : i32
      %dma_start3A_1931 = tpu.memref_slice %arg11[%dma_start3A_1926, %dma_start3A_1929, %dma_start3A_1930] : memref<4x64x64xf32, #tpu.memory_space<vmem>> -> memref<1x64x64xf32, #tpu.memory_space<vmem>>
      %dma_start3A_1932 = tpu.memref_squeeze %dma_start3A_1931 : memref<1x64x64xf32, #tpu.memory_space<vmem>> -> memref<64x64xf32, #tpu.memory_space<vmem>>
      %dma_start3A_1933 = arith.constant 0 : i32
      %dma_start3A_1934 = tpu.memref_slice %arg10[%dma_start3A_1927, %dma_start3A_1928, %dma_start3A_1933] : memref<2x8x64xi32, #tpu.memory_space<vmem>> -> memref<1x1x64xi32, #tpu.memory_space<vmem>>
      %dma_start3A_1935 = tpu.memref_squeeze %dma_start3A_1934 : memref<1x1x64xi32, #tpu.memory_space<vmem>> -> memref<64xi32, #tpu.memory_space<vmem>>
      %dma_start3A_1936 = arith.constant 0 : i32
      %dma_start3A_1937 = arith.constant 0 : i32
      %dma_start3A_1938 = tpu.memref_slice %arg13[%dma_start3A_1936, %dma_start3A_1937] : memref<10112x64xf32, #tpu.memory_space<vmem_shared>> -> memref<10112x64xf32, #tpu.memory_space<vmem_shared>>
      tpu.enqueue_indirect_dma source(%dma_start3A_1932 : memref<64x64xf32, #tpu.memory_space<vmem>>) target(%dma_start3A_1938 : memref<10112x64xf32, #tpu.memory_space<vmem_shared>>) offsets(%dma_start3A_1935 : memref<64xi32, #tpu.memory_space<vmem>>) semaphore(%arg22 : memref<!tpu.dma_semaphore, #tpu.memory_space<semaphore_mem>>) {add = true}
      %dma_wait3A_1939 = arith.constant 2 : i32
      %dma_wait3A_1940 = arith.constant 0 : i32
      %dma_wait3A_1941 = arith.constant 6 : i32
      %dma_wait3A_1942 = arith.constant 0 : i32
      %dma_wait3A_1943 = arith.constant 0 : i32
      %dma_wait3A_1944 = tpu.memref_slice %arg11[%dma_wait3A_1939, %dma_wait3A_1942, %dma_wait3A_1943] : memref<4x64x64xf32, #tpu.memory_space<vmem>> -> memref<1x64x64xf32, #tpu.memory_space<vmem>>
      %dma_wait3A_1945 = tpu.memref_squeeze %dma_wait3A_1944 : memref<1x64x64xf32, #tpu.memory_space<vmem>> -> memref<64x64xf32, #tpu.memory_space<vmem>>
      %dma_wait3A_1946 = arith.constant 0 : i32
      %dma_wait3A_1947 = tpu.memref_slice %arg10[%dma_wait3A_1940, %dma_wait3A_1941, %dma_wait3A_1946] : memref<2x8x64xi32, #tpu.memory_space<vmem>> -> memref<1x1x64xi32, #tpu.memory_space<vmem>>
      %dma_wait3A_1948 = tpu.memref_squeeze %dma_wait3A_1947 : memref<1x1x64xi32, #tpu.memory_space<vmem>> -> memref<64xi32, #tpu.memory_space<vmem>>
      %dma_wait3A_1949 = arith.constant 0 : i32
      %dma_wait3A_1950 = arith.constant 0 : i32
      %dma_wait3A_1951 = tpu.memref_slice %arg13[%dma_wait3A_1949, %dma_wait3A_1950] : memref<10112x64xf32, #tpu.memory_space<vmem_shared>> -> memref<10112x64xf32, #tpu.memory_space<vmem_shared>>
      tpu.wait_indirect_dma semaphore(%arg22 : memref<!tpu.dma_semaphore, #tpu.memory_space<semaphore_mem>>) src(%dma_wait3A_1945 : memref<64x64xf32, #tpu.memory_space<vmem>>) dst(%dma_wait3A_1951 : memref<10112x64xf32, #tpu.memory_space<vmem_shared>>)
      %dma_start3A_1952 = arith.constant 1 : i32
      %dma_start3A_1953 = arith.constant 2 : i32
      %dma_start3A_1954 = arith.constant 2 : i32
      %dma_start3A_1955 = arith.constant 0 : i32
      %dma_start3A_1956 = arith.constant 0 : i32
      %dma_start3A_1957 = tpu.memref_slice %arg11[%dma_start3A_1954, %dma_start3A_1955, %dma_start3A_1956] : memref<4x64x64xf32, #tpu.memory_space<vmem>> -> memref<1x64x64xf32, #tpu.memory_space<vmem>>
      %dma_start3A_1958 = tpu.memref_squeeze %dma_start3A_1957 : memref<1x64x64xf32, #tpu.memory_space<vmem>> -> memref<64x64xf32, #tpu.memory_space<vmem>>
      %dma_start3A_1959 = arith.constant 0 : i32
      %dma_start3A_1960 = tpu.memref_slice %arg9[%dma_start3A_1952, %dma_start3A_1953, %dma_start3A_1959] : memref<2x8x64xi32, #tpu.memory_space<vmem>> -> memref<1x1x64xi32, #tpu.memory_space<vmem>>
      %dma_start3A_1961 = tpu.memref_squeeze %dma_start3A_1960 : memref<1x1x64xi32, #tpu.memory_space<vmem>> -> memref<64xi32, #tpu.memory_space<vmem>>
      %dma_start3A_1962 = arith.constant 0 : i32
      %dma_start3A_1963 = arith.constant 0 : i32
      %dma_start3A_1964 = tpu.memref_slice %arg12[%dma_start3A_1962, %dma_start3A_1963] : memref<10112x64xf32, #tpu.memory_space<vmem_shared>> -> memref<10112x64xf32, #tpu.memory_space<vmem_shared>>
      tpu.enqueue_indirect_dma source(%dma_start3A_1964 : memref<10112x64xf32, #tpu.memory_space<vmem_shared>>) target(%dma_start3A_1958 : memref<64x64xf32, #tpu.memory_space<vmem>>) offsets(%dma_start3A_1961 : memref<64xi32, #tpu.memory_space<vmem>>) semaphore(%arg18 : memref<!tpu.dma_semaphore, #tpu.memory_space<semaphore_mem>>)
      %dma_wait3A_1965 = arith.constant 0 : i32
      %dma_wait3A_1966 = arith.constant 7 : i32
      %dma_wait3A_1967 = arith.constant 3 : i32
      %dma_wait3A_1968 = arith.constant 0 : i32
      %dma_wait3A_1969 = arith.constant 0 : i32
      %dma_wait3A_1970 = tpu.memref_slice %arg11[%dma_wait3A_1967, %dma_wait3A_1968, %dma_wait3A_1969] : memref<4x64x64xf32, #tpu.memory_space<vmem>> -> memref<1x64x64xf32, #tpu.memory_space<vmem>>
      %dma_wait3A_1971 = tpu.memref_squeeze %dma_wait3A_1970 : memref<1x64x64xf32, #tpu.memory_space<vmem>> -> memref<64x64xf32, #tpu.memory_space<vmem>>
      %dma_wait3A_1972 = arith.constant 0 : i32
      %dma_wait3A_1973 = tpu.memref_slice %arg9[%dma_wait3A_1965, %dma_wait3A_1966, %dma_wait3A_1972] : memref<2x8x64xi32, #tpu.memory_space<vmem>> -> memref<1x1x64xi32, #tpu.memory_space<vmem>>
      %dma_wait3A_1974 = tpu.memref_squeeze %dma_wait3A_1973 : memref<1x1x64xi32, #tpu.memory_space<vmem>> -> memref<64xi32, #tpu.memory_space<vmem>>
      %dma_wait3A_1975 = arith.constant 0 : i32
      %dma_wait3A_1976 = arith.constant 0 : i32
      %dma_wait3A_1977 = tpu.memref_slice %arg12[%dma_wait3A_1975, %dma_wait3A_1976] : memref<10112x64xf32, #tpu.memory_space<vmem_shared>> -> memref<10112x64xf32, #tpu.memory_space<vmem_shared>>
      tpu.wait_indirect_dma semaphore(%arg19 : memref<!tpu.dma_semaphore, #tpu.memory_space<semaphore_mem>>) src(%dma_wait3A_1977 : memref<10112x64xf32, #tpu.memory_space<vmem_shared>>) dst(%dma_wait3A_1971 : memref<64x64xf32, #tpu.memory_space<vmem>>)
      %dma_start3A_1978 = arith.constant 3 : i32
      %dma_start3A_1979 = arith.constant 0 : i32
      %dma_start3A_1980 = arith.constant 7 : i32
      %dma_start3A_1981 = arith.constant 0 : i32
      %dma_start3A_1982 = arith.constant 0 : i32
      %dma_start3A_1983 = tpu.memref_slice %arg11[%dma_start3A_1978, %dma_start3A_1981, %dma_start3A_1982] : memref<4x64x64xf32, #tpu.memory_space<vmem>> -> memref<1x64x64xf32, #tpu.memory_space<vmem>>
      %dma_start3A_1984 = tpu.memref_squeeze %dma_start3A_1983 : memref<1x64x64xf32, #tpu.memory_space<vmem>> -> memref<64x64xf32, #tpu.memory_space<vmem>>
      %dma_start3A_1985 = arith.constant 0 : i32
      %dma_start3A_1986 = tpu.memref_slice %arg10[%dma_start3A_1979, %dma_start3A_1980, %dma_start3A_1985] : memref<2x8x64xi32, #tpu.memory_space<vmem>> -> memref<1x1x64xi32, #tpu.memory_space<vmem>>
      %dma_start3A_1987 = tpu.memref_squeeze %dma_start3A_1986 : memref<1x1x64xi32, #tpu.memory_space<vmem>> -> memref<64xi32, #tpu.memory_space<vmem>>
      %dma_start3A_1988 = arith.constant 0 : i32
      %dma_start3A_1989 = arith.constant 0 : i32
      %dma_start3A_1990 = tpu.memref_slice %arg13[%dma_start3A_1988, %dma_start3A_1989] : memref<10112x64xf32, #tpu.memory_space<vmem_shared>> -> memref<10112x64xf32, #tpu.memory_space<vmem_shared>>
      tpu.enqueue_indirect_dma source(%dma_start3A_1984 : memref<64x64xf32, #tpu.memory_space<vmem>>) target(%dma_start3A_1990 : memref<10112x64xf32, #tpu.memory_space<vmem_shared>>) offsets(%dma_start3A_1987 : memref<64xi32, #tpu.memory_space<vmem>>) semaphore(%arg23 : memref<!tpu.dma_semaphore, #tpu.memory_space<semaphore_mem>>) {add = true}
    }
    %scan3A_605 = arith.constant 19 : i32
    %dma_wait3A_606 = arith.constant 3 : i32
    %dma_wait3A_607 = arith.constant 0 : i32
    %dma_wait3A_608 = arith.constant 7 : i32
    %dma_wait3A_609 = arith.constant 0 : i32
    %dma_wait3A_610 = arith.constant 0 : i32
    %dma_wait3A_611 = tpu.memref_slice %arg11[%dma_wait3A_606, %dma_wait3A_609, %dma_wait3A_610] : memref<4x64x64xf32, #tpu.memory_space<vmem>> -> memref<1x64x64xf32, #tpu.memory_space<vmem>>
    %dma_wait3A_612 = tpu.memref_squeeze %dma_wait3A_611 : memref<1x64x64xf32, #tpu.memory_space<vmem>> -> memref<64x64xf32, #tpu.memory_space<vmem>>
    %dma_wait3A_613 = arith.constant 0 : i32
    %dma_wait3A_614 = tpu.memref_slice %arg10[%dma_wait3A_607, %dma_wait3A_608, %dma_wait3A_613] : memref<2x8x64xi32, #tpu.memory_space<vmem>> -> memref<1x1x64xi32, #tpu.memory_space<vmem>>
    %dma_wait3A_615 = tpu.memref_squeeze %dma_wait3A_614 : memref<1x1x64xi32, #tpu.memory_space<vmem>> -> memref<64xi32, #tpu.memory_space<vmem>>
    %dma_wait3A_616 = arith.constant 0 : i32
    %dma_wait3A_617 = arith.constant 0 : i32
    %dma_wait3A_618 = tpu.memref_slice %arg13[%dma_wait3A_616, %dma_wait3A_617] : memref<10112x64xf32, #tpu.memory_space<vmem_shared>> -> memref<10112x64xf32, #tpu.memory_space<vmem_shared>>
    tpu.wait_indirect_dma semaphore(%arg23 : memref<!tpu.dma_semaphore, #tpu.memory_space<semaphore_mem>>) src(%dma_wait3A_612 : memref<64x64xf32, #tpu.memory_space<vmem>>) dst(%dma_wait3A_618 : memref<10112x64xf32, #tpu.memory_space<vmem_shared>>)
    %dma_start3A_619 = arith.constant 1 : i32
    %dma_start3A_620 = arith.constant 3 : i32
    %dma_start3A_621 = arith.constant 3 : i32
    %dma_start3A_622 = arith.constant 0 : i32
    %dma_start3A_623 = arith.constant 0 : i32
    %dma_start3A_624 = tpu.memref_slice %arg11[%dma_start3A_621, %dma_start3A_622, %dma_start3A_623] : memref<4x64x64xf32, #tpu.memory_space<vmem>> -> memref<1x64x64xf32, #tpu.memory_space<vmem>>
    %dma_start3A_625 = tpu.memref_squeeze %dma_start3A_624 : memref<1x64x64xf32, #tpu.memory_space<vmem>> -> memref<64x64xf32, #tpu.memory_space<vmem>>
    %dma_start3A_626 = arith.constant 0 : i32
    %dma_start3A_627 = tpu.memref_slice %arg9[%dma_start3A_619, %dma_start3A_620, %dma_start3A_626] : memref<2x8x64xi32, #tpu.memory_space<vmem>> -> memref<1x1x64xi32, #tpu.memory_space<vmem>>
    %dma_start3A_628 = tpu.memref_squeeze %dma_start3A_627 : memref<1x1x64xi32, #tpu.memory_space<vmem>> -> memref<64xi32, #tpu.memory_space<vmem>>
    %dma_start3A_629 = arith.constant 0 : i32
    %dma_start3A_630 = arith.constant 0 : i32
    %dma_start3A_631 = tpu.memref_slice %arg12[%dma_start3A_629, %dma_start3A_630] : memref<10112x64xf32, #tpu.memory_space<vmem_shared>> -> memref<10112x64xf32, #tpu.memory_space<vmem_shared>>
    tpu.enqueue_indirect_dma source(%dma_start3A_631 : memref<10112x64xf32, #tpu.memory_space<vmem_shared>>) target(%dma_start3A_625 : memref<64x64xf32, #tpu.memory_space<vmem>>) offsets(%dma_start3A_628 : memref<64xi32, #tpu.memory_space<vmem>>) semaphore(%arg19 : memref<!tpu.dma_semaphore, #tpu.memory_space<semaphore_mem>>)
    %dma_wait3A_632 = arith.constant 1 : i32
    %dma_wait3A_633 = arith.constant 0 : i32
    %dma_wait3A_634 = arith.constant 0 : i32
    %dma_wait3A_635 = arith.constant 0 : i32
    %dma_wait3A_636 = arith.constant 0 : i32
    %dma_wait3A_637 = tpu.memref_slice %arg11[%dma_wait3A_634, %dma_wait3A_635, %dma_wait3A_636] : memref<4x64x64xf32, #tpu.memory_space<vmem>> -> memref<1x64x64xf32, #tpu.memory_space<vmem>>
    %dma_wait3A_638 = tpu.memref_squeeze %dma_wait3A_637 : memref<1x64x64xf32, #tpu.memory_space<vmem>> -> memref<64x64xf32, #tpu.memory_space<vmem>>
    %dma_wait3A_639 = arith.constant 0 : i32
    %dma_wait3A_640 = tpu.memref_slice %arg9[%dma_wait3A_632, %dma_wait3A_633, %dma_wait3A_639] : memref<2x8x64xi32, #tpu.memory_space<vmem>> -> memref<1x1x64xi32, #tpu.memory_space<vmem>>
    %dma_wait3A_641 = tpu.memref_squeeze %dma_wait3A_640 : memref<1x1x64xi32, #tpu.memory_space<vmem>> -> memref<64xi32, #tpu.memory_space<vmem>>
    %dma_wait3A_642 = arith.constant 0 : i32
    %dma_wait3A_643 = arith.constant 0 : i32
    %dma_wait3A_644 = tpu.memref_slice %arg12[%dma_wait3A_642, %dma_wait3A_643] : memref<10112x64xf32, #tpu.memory_space<vmem_shared>> -> memref<10112x64xf32, #tpu.memory_space<vmem_shared>>
    tpu.wait_indirect_dma semaphore(%arg16 : memref<!tpu.dma_semaphore, #tpu.memory_space<semaphore_mem>>) src(%dma_wait3A_644 : memref<10112x64xf32, #tpu.memory_space<vmem_shared>>) dst(%dma_wait3A_638 : memref<64x64xf32, #tpu.memory_space<vmem>>)
    %dma_start3A_645 = arith.constant 0 : i32
    %dma_start3A_646 = arith.constant 1 : i32
    %dma_start3A_647 = arith.constant 0 : i32
    %dma_start3A_648 = arith.constant 0 : i32
    %dma_start3A_649 = arith.constant 0 : i32
    %dma_start3A_650 = tpu.memref_slice %arg11[%dma_start3A_645, %dma_start3A_648, %dma_start3A_649] : memref<4x64x64xf32, #tpu.memory_space<vmem>> -> memref<1x64x64xf32, #tpu.memory_space<vmem>>
    %dma_start3A_651 = tpu.memref_squeeze %dma_start3A_650 : memref<1x64x64xf32, #tpu.memory_space<vmem>> -> memref<64x64xf32, #tpu.memory_space<vmem>>
    %dma_start3A_652 = arith.constant 0 : i32
    %dma_start3A_653 = tpu.memref_slice %arg10[%dma_start3A_646, %dma_start3A_647, %dma_start3A_652] : memref<2x8x64xi32, #tpu.memory_space<vmem>> -> memref<1x1x64xi32, #tpu.memory_space<vmem>>
    %dma_start3A_654 = tpu.memref_squeeze %dma_start3A_653 : memref<1x1x64xi32, #tpu.memory_space<vmem>> -> memref<64xi32, #tpu.memory_space<vmem>>
    %dma_start3A_655 = arith.constant 0 : i32
    %dma_start3A_656 = arith.constant 0 : i32
    %dma_start3A_657 = tpu.memref_slice %arg13[%dma_start3A_655, %dma_start3A_656] : memref<10112x64xf32, #tpu.memory_space<vmem_shared>> -> memref<10112x64xf32, #tpu.memory_space<vmem_shared>>
    tpu.enqueue_indirect_dma source(%dma_start3A_651 : memref<64x64xf32, #tpu.memory_space<vmem>>) target(%dma_start3A_657 : memref<10112x64xf32, #tpu.memory_space<vmem_shared>>) offsets(%dma_start3A_654 : memref<64xi32, #tpu.memory_space<vmem>>) semaphore(%arg20 : memref<!tpu.dma_semaphore, #tpu.memory_space<semaphore_mem>>) {add = true}
    %dma_wait3A_658 = arith.constant 0 : i32
    %dma_wait3A_659 = arith.constant 1 : i32
    %dma_wait3A_660 = arith.constant 0 : i32
    %dma_wait3A_661 = arith.constant 0 : i32
    %dma_wait3A_662 = arith.constant 0 : i32
    %dma_wait3A_663 = tpu.memref_slice %arg11[%dma_wait3A_658, %dma_wait3A_661, %dma_wait3A_662] : memref<4x64x64xf32, #tpu.memory_space<vmem>> -> memref<1x64x64xf32, #tpu.memory_space<vmem>>
    %dma_wait3A_664 = tpu.memref_squeeze %dma_wait3A_663 : memref<1x64x64xf32, #tpu.memory_space<vmem>> -> memref<64x64xf32, #tpu.memory_space<vmem>>
    %dma_wait3A_665 = arith.constant 0 : i32
    %dma_wait3A_666 = tpu.memref_slice %arg10[%dma_wait3A_659, %dma_wait3A_660, %dma_wait3A_665] : memref<2x8x64xi32, #tpu.memory_space<vmem>> -> memref<1x1x64xi32, #tpu.memory_space<vmem>>
    %dma_wait3A_667 = tpu.memref_squeeze %dma_wait3A_666 : memref<1x1x64xi32, #tpu.memory_space<vmem>> -> memref<64xi32, #tpu.memory_space<vmem>>
    %dma_wait3A_668 = arith.constant 0 : i32
    %dma_wait3A_669 = arith.constant 0 : i32
    %dma_wait3A_670 = tpu.memref_slice %arg13[%dma_wait3A_668, %dma_wait3A_669] : memref<10112x64xf32, #tpu.memory_space<vmem_shared>> -> memref<10112x64xf32, #tpu.memory_space<vmem_shared>>
    tpu.wait_indirect_dma semaphore(%arg20 : memref<!tpu.dma_semaphore, #tpu.memory_space<semaphore_mem>>) src(%dma_wait3A_664 : memref<64x64xf32, #tpu.memory_space<vmem>>) dst(%dma_wait3A_670 : memref<10112x64xf32, #tpu.memory_space<vmem_shared>>)
    %dma_start3A_671 = arith.constant 1 : i32
    %dma_start3A_672 = arith.constant 4 : i32
    %dma_start3A_673 = arith.constant 0 : i32
    %dma_start3A_674 = arith.constant 0 : i32
    %dma_start3A_675 = arith.constant 0 : i32
    %dma_start3A_676 = tpu.memref_slice %arg11[%dma_start3A_673, %dma_start3A_674, %dma_start3A_675] : memref<4x64x64xf32, #tpu.memory_space<vmem>> -> memref<1x64x64xf32, #tpu.memory_space<vmem>>
    %dma_start3A_677 = tpu.memref_squeeze %dma_start3A_676 : memref<1x64x64xf32, #tpu.memory_space<vmem>> -> memref<64x64xf32, #tpu.memory_space<vmem>>
    %dma_start3A_678 = arith.constant 0 : i32
    %dma_start3A_679 = tpu.memref_slice %arg9[%dma_start3A_671, %dma_start3A_672, %dma_start3A_678] : memref<2x8x64xi32, #tpu.memory_space<vmem>> -> memref<1x1x64xi32, #tpu.memory_space<vmem>>
    %dma_start3A_680 = tpu.memref_squeeze %dma_start3A_679 : memref<1x1x64xi32, #tpu.memory_space<vmem>> -> memref<64xi32, #tpu.memory_space<vmem>>
    %dma_start3A_681 = arith.constant 0 : i32
    %dma_start3A_682 = arith.constant 0 : i32
    %dma_start3A_683 = tpu.memref_slice %arg12[%dma_start3A_681, %dma_start3A_682] : memref<10112x64xf32, #tpu.memory_space<vmem_shared>> -> memref<10112x64xf32, #tpu.memory_space<vmem_shared>>
    tpu.enqueue_indirect_dma source(%dma_start3A_683 : memref<10112x64xf32, #tpu.memory_space<vmem_shared>>) target(%dma_start3A_677 : memref<64x64xf32, #tpu.memory_space<vmem>>) offsets(%dma_start3A_680 : memref<64xi32, #tpu.memory_space<vmem>>) semaphore(%arg16 : memref<!tpu.dma_semaphore, #tpu.memory_space<semaphore_mem>>)
    %dma_wait3A_684 = arith.constant 1 : i32
    %dma_wait3A_685 = arith.constant 1 : i32
    %dma_wait3A_686 = arith.constant 1 : i32
    %dma_wait3A_687 = arith.constant 0 : i32
    %dma_wait3A_688 = arith.constant 0 : i32
    %dma_wait3A_689 = tpu.memref_slice %arg11[%dma_wait3A_686, %dma_wait3A_687, %dma_wait3A_688] : memref<4x64x64xf32, #tpu.memory_space<vmem>> -> memref<1x64x64xf32, #tpu.memory_space<vmem>>
    %dma_wait3A_690 = tpu.memref_squeeze %dma_wait3A_689 : memref<1x64x64xf32, #tpu.memory_space<vmem>> -> memref<64x64xf32, #tpu.memory_space<vmem>>
    %dma_wait3A_691 = arith.constant 0 : i32
    %dma_wait3A_692 = tpu.memref_slice %arg9[%dma_wait3A_684, %dma_wait3A_685, %dma_wait3A_691] : memref<2x8x64xi32, #tpu.memory_space<vmem>> -> memref<1x1x64xi32, #tpu.memory_space<vmem>>
    %dma_wait3A_693 = tpu.memref_squeeze %dma_wait3A_692 : memref<1x1x64xi32, #tpu.memory_space<vmem>> -> memref<64xi32, #tpu.memory_space<vmem>>
    %dma_wait3A_694 = arith.constant 0 : i32
    %dma_wait3A_695 = arith.constant 0 : i32
    %dma_wait3A_696 = tpu.memref_slice %arg12[%dma_wait3A_694, %dma_wait3A_695] : memref<10112x64xf32, #tpu.memory_space<vmem_shared>> -> memref<10112x64xf32, #tpu.memory_space<vmem_shared>>
    tpu.wait_indirect_dma semaphore(%arg17 : memref<!tpu.dma_semaphore, #tpu.memory_space<semaphore_mem>>) src(%dma_wait3A_696 : memref<10112x64xf32, #tpu.memory_space<vmem_shared>>) dst(%dma_wait3A_690 : memref<64x64xf32, #tpu.memory_space<vmem>>)
    %dma_start3A_697 = arith.constant 1 : i32
    %dma_start3A_698 = arith.constant 1 : i32
    %dma_start3A_699 = arith.constant 1 : i32
    %dma_start3A_700 = arith.constant 0 : i32
    %dma_start3A_701 = arith.constant 0 : i32
    %dma_start3A_702 = tpu.memref_slice %arg11[%dma_start3A_697, %dma_start3A_700, %dma_start3A_701] : memref<4x64x64xf32, #tpu.memory_space<vmem>> -> memref<1x64x64xf32, #tpu.memory_space<vmem>>
    %dma_start3A_703 = tpu.memref_squeeze %dma_start3A_702 : memref<1x64x64xf32, #tpu.memory_space<vmem>> -> memref<64x64xf32, #tpu.memory_space<vmem>>
    %dma_start3A_704 = arith.constant 0 : i32
    %dma_start3A_705 = tpu.memref_slice %arg10[%dma_start3A_698, %dma_start3A_699, %dma_start3A_704] : memref<2x8x64xi32, #tpu.memory_space<vmem>> -> memref<1x1x64xi32, #tpu.memory_space<vmem>>
    %dma_start3A_706 = tpu.memref_squeeze %dma_start3A_705 : memref<1x1x64xi32, #tpu.memory_space<vmem>> -> memref<64xi32, #tpu.memory_space<vmem>>
    %dma_start3A_707 = arith.constant 0 : i32
    %dma_start3A_708 = arith.constant 0 : i32
    %dma_start3A_709 = tpu.memref_slice %arg13[%dma_start3A_707, %dma_start3A_708] : memref<10112x64xf32, #tpu.memory_space<vmem_shared>> -> memref<10112x64xf32, #tpu.memory_space<vmem_shared>>
    tpu.enqueue_indirect_dma source(%dma_start3A_703 : memref<64x64xf32, #tpu.memory_space<vmem>>) target(%dma_start3A_709 : memref<10112x64xf32, #tpu.memory_space<vmem_shared>>) offsets(%dma_start3A_706 : memref<64xi32, #tpu.memory_space<vmem>>) semaphore(%arg21 : memref<!tpu.dma_semaphore, #tpu.memory_space<semaphore_mem>>) {add = true}
    %dma_wait3A_710 = arith.constant 1 : i32
    %dma_wait3A_711 = arith.constant 1 : i32
    %dma_wait3A_712 = arith.constant 1 : i32
    %dma_wait3A_713 = arith.constant 0 : i32
    %dma_wait3A_714 = arith.constant 0 : i32
    %dma_wait3A_715 = tpu.memref_slice %arg11[%dma_wait3A_710, %dma_wait3A_713, %dma_wait3A_714] : memref<4x64x64xf32, #tpu.memory_space<vmem>> -> memref<1x64x64xf32, #tpu.memory_space<vmem>>
    %dma_wait3A_716 = tpu.memref_squeeze %dma_wait3A_715 : memref<1x64x64xf32, #tpu.memory_space<vmem>> -> memref<64x64xf32, #tpu.memory_space<vmem>>
    %dma_wait3A_717 = arith.constant 0 : i32
    %dma_wait3A_718 = tpu.memref_slice %arg10[%dma_wait3A_711, %dma_wait3A_712, %dma_wait3A_717] : memref<2x8x64xi32, #tpu.memory_space<vmem>> -> memref<1x1x64xi32, #tpu.memory_space<vmem>>
    %dma_wait3A_719 = tpu.memref_squeeze %dma_wait3A_718 : memref<1x1x64xi32, #tpu.memory_space<vmem>> -> memref<64xi32, #tpu.memory_space<vmem>>
    %dma_wait3A_720 = arith.constant 0 : i32
    %dma_wait3A_721 = arith.constant 0 : i32
    %dma_wait3A_722 = tpu.memref_slice %arg13[%dma_wait3A_720, %dma_wait3A_721] : memref<10112x64xf32, #tpu.memory_space<vmem_shared>> -> memref<10112x64xf32, #tpu.memory_space<vmem_shared>>
    tpu.wait_indirect_dma semaphore(%arg21 : memref<!tpu.dma_semaphore, #tpu.memory_space<semaphore_mem>>) src(%dma_wait3A_716 : memref<64x64xf32, #tpu.memory_space<vmem>>) dst(%dma_wait3A_722 : memref<10112x64xf32, #tpu.memory_space<vmem_shared>>)
    %dma_start3A_723 = arith.constant 1 : i32
    %dma_start3A_724 = arith.constant 5 : i32
    %dma_start3A_725 = arith.constant 1 : i32
    %dma_start3A_726 = arith.constant 0 : i32
    %dma_start3A_727 = arith.constant 0 : i32
    %dma_start3A_728 = tpu.memref_slice %arg11[%dma_start3A_725, %dma_start3A_726, %dma_start3A_727] : memref<4x64x64xf32, #tpu.memory_space<vmem>> -> memref<1x64x64xf32, #tpu.memory_space<vmem>>
    %dma_start3A_729 = tpu.memref_squeeze %dma_start3A_728 : memref<1x64x64xf32, #tpu.memory_space<vmem>> -> memref<64x64xf32, #tpu.memory_space<vmem>>
    %dma_start3A_730 = arith.constant 0 : i32
    %dma_start3A_731 = tpu.memref_slice %arg9[%dma_start3A_723, %dma_start3A_724, %dma_start3A_730] : memref<2x8x64xi32, #tpu.memory_space<vmem>> -> memref<1x1x64xi32, #tpu.memory_space<vmem>>
    %dma_start3A_732 = tpu.memref_squeeze %dma_start3A_731 : memref<1x1x64xi32, #tpu.memory_space<vmem>> -> memref<64xi32, #tpu.memory_space<vmem>>
    %dma_start3A_733 = arith.constant 0 : i32
    %dma_start3A_734 = arith.constant 0 : i32
    %dma_start3A_735 = tpu.memref_slice %arg12[%dma_start3A_733, %dma_start3A_734] : memref<10112x64xf32, #tpu.memory_space<vmem_shared>> -> memref<10112x64xf32, #tpu.memory_space<vmem_shared>>
    tpu.enqueue_indirect_dma source(%dma_start3A_735 : memref<10112x64xf32, #tpu.memory_space<vmem_shared>>) target(%dma_start3A_729 : memref<64x64xf32, #tpu.memory_space<vmem>>) offsets(%dma_start3A_732 : memref<64xi32, #tpu.memory_space<vmem>>) semaphore(%arg17 : memref<!tpu.dma_semaphore, #tpu.memory_space<semaphore_mem>>)
    %dma_wait3A_736 = arith.constant 1 : i32
    %dma_wait3A_737 = arith.constant 2 : i32
    %dma_wait3A_738 = arith.constant 2 : i32
    %dma_wait3A_739 = arith.constant 0 : i32
    %dma_wait3A_740 = arith.constant 0 : i32
    %dma_wait3A_741 = tpu.memref_slice %arg11[%dma_wait3A_738, %dma_wait3A_739, %dma_wait3A_740] : memref<4x64x64xf32, #tpu.memory_space<vmem>> -> memref<1x64x64xf32, #tpu.memory_space<vmem>>
    %dma_wait3A_742 = tpu.memref_squeeze %dma_wait3A_741 : memref<1x64x64xf32, #tpu.memory_space<vmem>> -> memref<64x64xf32, #tpu.memory_space<vmem>>
    %dma_wait3A_743 = arith.constant 0 : i32
    %dma_wait3A_744 = tpu.memref_slice %arg9[%dma_wait3A_736, %dma_wait3A_737, %dma_wait3A_743] : memref<2x8x64xi32, #tpu.memory_space<vmem>> -> memref<1x1x64xi32, #tpu.memory_space<vmem>>
    %dma_wait3A_745 = tpu.memref_squeeze %dma_wait3A_744 : memref<1x1x64xi32, #tpu.memory_space<vmem>> -> memref<64xi32, #tpu.memory_space<vmem>>
    %dma_wait3A_746 = arith.constant 0 : i32
    %dma_wait3A_747 = arith.constant 0 : i32
    %dma_wait3A_748 = tpu.memref_slice %arg12[%dma_wait3A_746, %dma_wait3A_747] : memref<10112x64xf32, #tpu.memory_space<vmem_shared>> -> memref<10112x64xf32, #tpu.memory_space<vmem_shared>>
    tpu.wait_indirect_dma semaphore(%arg18 : memref<!tpu.dma_semaphore, #tpu.memory_space<semaphore_mem>>) src(%dma_wait3A_748 : memref<10112x64xf32, #tpu.memory_space<vmem_shared>>) dst(%dma_wait3A_742 : memref<64x64xf32, #tpu.memory_space<vmem>>)
    %dma_start3A_749 = arith.constant 2 : i32
    %dma_start3A_750 = arith.constant 1 : i32
    %dma_start3A_751 = arith.constant 2 : i32
    %dma_start3A_752 = arith.constant 0 : i32
    %dma_start3A_753 = arith.constant 0 : i32
    %dma_start3A_754 = tpu.memref_slice %arg11[%dma_start3A_749, %dma_start3A_752, %dma_start3A_753] : memref<4x64x64xf32, #tpu.memory_space<vmem>> -> memref<1x64x64xf32, #tpu.memory_space<vmem>>
    %dma_start3A_755 = tpu.memref_squeeze %dma_start3A_754 : memref<1x64x64xf32, #tpu.memory_space<vmem>> -> memref<64x64xf32, #tpu.memory_space<vmem>>
    %dma_start3A_756 = arith.constant 0 : i32
    %dma_start3A_757 = tpu.memref_slice %arg10[%dma_start3A_750, %dma_start3A_751, %dma_start3A_756] : memref<2x8x64xi32, #tpu.memory_space<vmem>> -> memref<1x1x64xi32, #tpu.memory_space<vmem>>
    %dma_start3A_758 = tpu.memref_squeeze %dma_start3A_757 : memref<1x1x64xi32, #tpu.memory_space<vmem>> -> memref<64xi32, #tpu.memory_space<vmem>>
    %dma_start3A_759 = arith.constant 0 : i32
    %dma_start3A_760 = arith.constant 0 : i32
    %dma_start3A_761 = tpu.memref_slice %arg13[%dma_start3A_759, %dma_start3A_760] : memref<10112x64xf32, #tpu.memory_space<vmem_shared>> -> memref<10112x64xf32, #tpu.memory_space<vmem_shared>>
    tpu.enqueue_indirect_dma source(%dma_start3A_755 : memref<64x64xf32, #tpu.memory_space<vmem>>) target(%dma_start3A_761 : memref<10112x64xf32, #tpu.memory_space<vmem_shared>>) offsets(%dma_start3A_758 : memref<64xi32, #tpu.memory_space<vmem>>) semaphore(%arg22 : memref<!tpu.dma_semaphore, #tpu.memory_space<semaphore_mem>>) {add = true}
    %dma_wait3A_762 = arith.constant 2 : i32
    %dma_wait3A_763 = arith.constant 1 : i32
    %dma_wait3A_764 = arith.constant 2 : i32
    %dma_wait3A_765 = arith.constant 0 : i32
    %dma_wait3A_766 = arith.constant 0 : i32
    %dma_wait3A_767 = tpu.memref_slice %arg11[%dma_wait3A_762, %dma_wait3A_765, %dma_wait3A_766] : memref<4x64x64xf32, #tpu.memory_space<vmem>> -> memref<1x64x64xf32, #tpu.memory_space<vmem>>
    %dma_wait3A_768 = tpu.memref_squeeze %dma_wait3A_767 : memref<1x64x64xf32, #tpu.memory_space<vmem>> -> memref<64x64xf32, #tpu.memory_space<vmem>>
    %dma_wait3A_769 = arith.constant 0 : i32
    %dma_wait3A_770 = tpu.memref_slice %arg10[%dma_wait3A_763, %dma_wait3A_764, %dma_wait3A_769] : memref<2x8x64xi32, #tpu.memory_space<vmem>> -> memref<1x1x64xi32, #tpu.memory_space<vmem>>
    %dma_wait3A_771 = tpu.memref_squeeze %dma_wait3A_770 : memref<1x1x64xi32, #tpu.memory_space<vmem>> -> memref<64xi32, #tpu.memory_space<vmem>>
    %dma_wait3A_772 = arith.constant 0 : i32
    %dma_wait3A_773 = arith.constant 0 : i32
    %dma_wait3A_774 = tpu.memref_slice %arg13[%dma_wait3A_772, %dma_wait3A_773] : memref<10112x64xf32, #tpu.memory_space<vmem_shared>> -> memref<10112x64xf32, #tpu.memory_space<vmem_shared>>
    tpu.wait_indirect_dma semaphore(%arg22 : memref<!tpu.dma_semaphore, #tpu.memory_space<semaphore_mem>>) src(%dma_wait3A_768 : memref<64x64xf32, #tpu.memory_space<vmem>>) dst(%dma_wait3A_774 : memref<10112x64xf32, #tpu.memory_space<vmem_shared>>)
    %dma_start3A_775 = arith.constant 1 : i32
    %dma_start3A_776 = arith.constant 6 : i32
    %dma_start3A_777 = arith.constant 2 : i32
    %dma_start3A_778 = arith.constant 0 : i32
    %dma_start3A_779 = arith.constant 0 : i32
    %dma_start3A_780 = tpu.memref_slice %arg11[%dma_start3A_777, %dma_start3A_778, %dma_start3A_779] : memref<4x64x64xf32, #tpu.memory_space<vmem>> -> memref<1x64x64xf32, #tpu.memory_space<vmem>>
    %dma_start3A_781 = tpu.memref_squeeze %dma_start3A_780 : memref<1x64x64xf32, #tpu.memory_space<vmem>> -> memref<64x64xf32, #tpu.memory_space<vmem>>
    %dma_start3A_782 = arith.constant 0 : i32
    %dma_start3A_783 = tpu.memref_slice %arg9[%dma_start3A_775, %dma_start3A_776, %dma_start3A_782] : memref<2x8x64xi32, #tpu.memory_space<vmem>> -> memref<1x1x64xi32, #tpu.memory_space<vmem>>
    %dma_start3A_784 = tpu.memref_squeeze %dma_start3A_783 : memref<1x1x64xi32, #tpu.memory_space<vmem>> -> memref<64xi32, #tpu.memory_space<vmem>>
    %dma_start3A_785 = arith.constant 0 : i32
    %dma_start3A_786 = arith.constant 0 : i32
    %dma_start3A_787 = tpu.memref_slice %arg12[%dma_start3A_785, %dma_start3A_786] : memref<10112x64xf32, #tpu.memory_space<vmem_shared>> -> memref<10112x64xf32, #tpu.memory_space<vmem_shared>>
    tpu.enqueue_indirect_dma source(%dma_start3A_787 : memref<10112x64xf32, #tpu.memory_space<vmem_shared>>) target(%dma_start3A_781 : memref<64x64xf32, #tpu.memory_space<vmem>>) offsets(%dma_start3A_784 : memref<64xi32, #tpu.memory_space<vmem>>) semaphore(%arg18 : memref<!tpu.dma_semaphore, #tpu.memory_space<semaphore_mem>>)
    %dma_wait3A_788 = arith.constant 1 : i32
    %dma_wait3A_789 = arith.constant 3 : i32
    %dma_wait3A_790 = arith.constant 3 : i32
    %dma_wait3A_791 = arith.constant 0 : i32
    %dma_wait3A_792 = arith.constant 0 : i32
    %dma_wait3A_793 = tpu.memref_slice %arg11[%dma_wait3A_790, %dma_wait3A_791, %dma_wait3A_792] : memref<4x64x64xf32, #tpu.memory_space<vmem>> -> memref<1x64x64xf32, #tpu.memory_space<vmem>>
    %dma_wait3A_794 = tpu.memref_squeeze %dma_wait3A_793 : memref<1x64x64xf32, #tpu.memory_space<vmem>> -> memref<64x64xf32, #tpu.memory_space<vmem>>
    %dma_wait3A_795 = arith.constant 0 : i32
    %dma_wait3A_796 = tpu.memref_slice %arg9[%dma_wait3A_788, %dma_wait3A_789, %dma_wait3A_795] : memref<2x8x64xi32, #tpu.memory_space<vmem>> -> memref<1x1x64xi32, #tpu.memory_space<vmem>>
    %dma_wait3A_797 = tpu.memref_squeeze %dma_wait3A_796 : memref<1x1x64xi32, #tpu.memory_space<vmem>> -> memref<64xi32, #tpu.memory_space<vmem>>
    %dma_wait3A_798 = arith.constant 0 : i32
    %dma_wait3A_799 = arith.constant 0 : i32
    %dma_wait3A_800 = tpu.memref_slice %arg12[%dma_wait3A_798, %dma_wait3A_799] : memref<10112x64xf32, #tpu.memory_space<vmem_shared>> -> memref<10112x64xf32, #tpu.memory_space<vmem_shared>>
    tpu.wait_indirect_dma semaphore(%arg19 : memref<!tpu.dma_semaphore, #tpu.memory_space<semaphore_mem>>) src(%dma_wait3A_800 : memref<10112x64xf32, #tpu.memory_space<vmem_shared>>) dst(%dma_wait3A_794 : memref<64x64xf32, #tpu.memory_space<vmem>>)
    %dma_start3A_801 = arith.constant 3 : i32
    %dma_start3A_802 = arith.constant 1 : i32
    %dma_start3A_803 = arith.constant 3 : i32
    %dma_start3A_804 = arith.constant 0 : i32
    %dma_start3A_805 = arith.constant 0 : i32
    %dma_start3A_806 = tpu.memref_slice %arg11[%dma_start3A_801, %dma_start3A_804, %dma_start3A_805] : memref<4x64x64xf32, #tpu.memory_space<vmem>> -> memref<1x64x64xf32, #tpu.memory_space<vmem>>
    %dma_start3A_807 = tpu.memref_squeeze %dma_start3A_806 : memref<1x64x64xf32, #tpu.memory_space<vmem>> -> memref<64x64xf32, #tpu.memory_space<vmem>>
    %dma_start3A_808 = arith.constant 0 : i32
    %dma_start3A_809 = tpu.memref_slice %arg10[%dma_start3A_802, %dma_start3A_803, %dma_start3A_808] : memref<2x8x64xi32, #tpu.memory_space<vmem>> -> memref<1x1x64xi32, #tpu.memory_space<vmem>>
    %dma_start3A_810 = tpu.memref_squeeze %dma_start3A_809 : memref<1x1x64xi32, #tpu.memory_space<vmem>> -> memref<64xi32, #tpu.memory_space<vmem>>
    %dma_start3A_811 = arith.constant 0 : i32
    %dma_start3A_812 = arith.constant 0 : i32
    %dma_start3A_813 = tpu.memref_slice %arg13[%dma_start3A_811, %dma_start3A_812] : memref<10112x64xf32, #tpu.memory_space<vmem_shared>> -> memref<10112x64xf32, #tpu.memory_space<vmem_shared>>
    tpu.enqueue_indirect_dma source(%dma_start3A_807 : memref<64x64xf32, #tpu.memory_space<vmem>>) target(%dma_start3A_813 : memref<10112x64xf32, #tpu.memory_space<vmem_shared>>) offsets(%dma_start3A_810 : memref<64xi32, #tpu.memory_space<vmem>>) semaphore(%arg23 : memref<!tpu.dma_semaphore, #tpu.memory_space<semaphore_mem>>) {add = true}
    %dma_wait3A_814 = arith.constant 3 : i32
    %dma_wait3A_815 = arith.constant 1 : i32
    %dma_wait3A_816 = arith.constant 3 : i32
    %dma_wait3A_817 = arith.constant 0 : i32
    %dma_wait3A_818 = arith.constant 0 : i32
    %dma_wait3A_819 = tpu.memref_slice %arg11[%dma_wait3A_814, %dma_wait3A_817, %dma_wait3A_818] : memref<4x64x64xf32, #tpu.memory_space<vmem>> -> memref<1x64x64xf32, #tpu.memory_space<vmem>>
    %dma_wait3A_820 = tpu.memref_squeeze %dma_wait3A_819 : memref<1x64x64xf32, #tpu.memory_space<vmem>> -> memref<64x64xf32, #tpu.memory_space<vmem>>
    %dma_wait3A_821 = arith.constant 0 : i32
    %dma_wait3A_822 = tpu.memref_slice %arg10[%dma_wait3A_815, %dma_wait3A_816, %dma_wait3A_821] : memref<2x8x64xi32, #tpu.memory_space<vmem>> -> memref<1x1x64xi32, #tpu.memory_space<vmem>>
    %dma_wait3A_823 = tpu.memref_squeeze %dma_wait3A_822 : memref<1x1x64xi32, #tpu.memory_space<vmem>> -> memref<64xi32, #tpu.memory_space<vmem>>
    %dma_wait3A_824 = arith.constant 0 : i32
    %dma_wait3A_825 = arith.constant 0 : i32
    %dma_wait3A_826 = tpu.memref_slice %arg13[%dma_wait3A_824, %dma_wait3A_825] : memref<10112x64xf32, #tpu.memory_space<vmem_shared>> -> memref<10112x64xf32, #tpu.memory_space<vmem_shared>>
    tpu.wait_indirect_dma semaphore(%arg23 : memref<!tpu.dma_semaphore, #tpu.memory_space<semaphore_mem>>) src(%dma_wait3A_820 : memref<64x64xf32, #tpu.memory_space<vmem>>) dst(%dma_wait3A_826 : memref<10112x64xf32, #tpu.memory_space<vmem_shared>>)
    %dma_start3A_827 = arith.constant 1 : i32
    %dma_start3A_828 = arith.constant 7 : i32
    %dma_start3A_829 = arith.constant 3 : i32
    %dma_start3A_830 = arith.constant 0 : i32
    %dma_start3A_831 = arith.constant 0 : i32
    %dma_start3A_832 = tpu.memref_slice %arg11[%dma_start3A_829, %dma_start3A_830, %dma_start3A_831] : memref<4x64x64xf32, #tpu.memory_space<vmem>> -> memref<1x64x64xf32, #tpu.memory_space<vmem>>
    %dma_start3A_833 = tpu.memref_squeeze %dma_start3A_832 : memref<1x64x64xf32, #tpu.memory_space<vmem>> -> memref<64x64xf32, #tpu.memory_space<vmem>>
    %dma_start3A_834 = arith.constant 0 : i32
    %dma_start3A_835 = tpu.memref_slice %arg9[%dma_start3A_827, %dma_start3A_828, %dma_start3A_834] : memref<2x8x64xi32, #tpu.memory_space<vmem>> -> memref<1x1x64xi32, #tpu.memory_space<vmem>>
    %dma_start3A_836 = tpu.memref_squeeze %dma_start3A_835 : memref<1x1x64xi32, #tpu.memory_space<vmem>> -> memref<64xi32, #tpu.memory_space<vmem>>
    %dma_start3A_837 = arith.constant 0 : i32
    %dma_start3A_838 = arith.constant 0 : i32
    %dma_start3A_839 = tpu.memref_slice %arg12[%dma_start3A_837, %dma_start3A_838] : memref<10112x64xf32, #tpu.memory_space<vmem_shared>> -> memref<10112x64xf32, #tpu.memory_space<vmem_shared>>
    tpu.enqueue_indirect_dma source(%dma_start3A_839 : memref<10112x64xf32, #tpu.memory_space<vmem_shared>>) target(%dma_start3A_833 : memref<64x64xf32, #tpu.memory_space<vmem>>) offsets(%dma_start3A_836 : memref<64xi32, #tpu.memory_space<vmem>>) semaphore(%arg19 : memref<!tpu.dma_semaphore, #tpu.memory_space<semaphore_mem>>)
    %dma_wait3A_840 = arith.constant 1 : i32
    %dma_wait3A_841 = arith.constant 4 : i32
    %dma_wait3A_842 = arith.constant 0 : i32
    %dma_wait3A_843 = arith.constant 0 : i32
    %dma_wait3A_844 = arith.constant 0 : i32
    %dma_wait3A_845 = tpu.memref_slice %arg11[%dma_wait3A_842, %dma_wait3A_843, %dma_wait3A_844] : memref<4x64x64xf32, #tpu.memory_space<vmem>> -> memref<1x64x64xf32, #tpu.memory_space<vmem>>
    %dma_wait3A_846 = tpu.memref_squeeze %dma_wait3A_845 : memref<1x64x64xf32, #tpu.memory_space<vmem>> -> memref<64x64xf32, #tpu.memory_space<vmem>>
    %dma_wait3A_847 = arith.constant 0 : i32
    %dma_wait3A_848 = tpu.memref_slice %arg9[%dma_wait3A_840, %dma_wait3A_841, %dma_wait3A_847] : memref<2x8x64xi32, #tpu.memory_space<vmem>> -> memref<1x1x64xi32, #tpu.memory_space<vmem>>
    %dma_wait3A_849 = tpu.memref_squeeze %dma_wait3A_848 : memref<1x1x64xi32, #tpu.memory_space<vmem>> -> memref<64xi32, #tpu.memory_space<vmem>>
    %dma_wait3A_850 = arith.constant 0 : i32
    %dma_wait3A_851 = arith.constant 0 : i32
    %dma_wait3A_852 = tpu.memref_slice %arg12[%dma_wait3A_850, %dma_wait3A_851] : memref<10112x64xf32, #tpu.memory_space<vmem_shared>> -> memref<10112x64xf32, #tpu.memory_space<vmem_shared>>
    tpu.wait_indirect_dma semaphore(%arg16 : memref<!tpu.dma_semaphore, #tpu.memory_space<semaphore_mem>>) src(%dma_wait3A_852 : memref<10112x64xf32, #tpu.memory_space<vmem_shared>>) dst(%dma_wait3A_846 : memref<64x64xf32, #tpu.memory_space<vmem>>)
    %dma_start3A_853 = arith.constant 0 : i32
    %dma_start3A_854 = arith.constant 1 : i32
    %dma_start3A_855 = arith.constant 4 : i32
    %dma_start3A_856 = arith.constant 0 : i32
    %dma_start3A_857 = arith.constant 0 : i32
    %dma_start3A_858 = tpu.memref_slice %arg11[%dma_start3A_853, %dma_start3A_856, %dma_start3A_857] : memref<4x64x64xf32, #tpu.memory_space<vmem>> -> memref<1x64x64xf32, #tpu.memory_space<vmem>>
    %dma_start3A_859 = tpu.memref_squeeze %dma_start3A_858 : memref<1x64x64xf32, #tpu.memory_space<vmem>> -> memref<64x64xf32, #tpu.memory_space<vmem>>
    %dma_start3A_860 = arith.constant 0 : i32
    %dma_start3A_861 = tpu.memref_slice %arg10[%dma_start3A_854, %dma_start3A_855, %dma_start3A_860] : memref<2x8x64xi32, #tpu.memory_space<vmem>> -> memref<1x1x64xi32, #tpu.memory_space<vmem>>
    %dma_start3A_862 = tpu.memref_squeeze %dma_start3A_861 : memref<1x1x64xi32, #tpu.memory_space<vmem>> -> memref<64xi32, #tpu.memory_space<vmem>>
    %dma_start3A_863 = arith.constant 0 : i32
    %dma_start3A_864 = arith.constant 0 : i32
    %dma_start3A_865 = tpu.memref_slice %arg13[%dma_start3A_863, %dma_start3A_864] : memref<10112x64xf32, #tpu.memory_space<vmem_shared>> -> memref<10112x64xf32, #tpu.memory_space<vmem_shared>>
    tpu.enqueue_indirect_dma source(%dma_start3A_859 : memref<64x64xf32, #tpu.memory_space<vmem>>) target(%dma_start3A_865 : memref<10112x64xf32, #tpu.memory_space<vmem_shared>>) offsets(%dma_start3A_862 : memref<64xi32, #tpu.memory_space<vmem>>) semaphore(%arg20 : memref<!tpu.dma_semaphore, #tpu.memory_space<semaphore_mem>>) {add = true}
    %dma_wait3A_866 = arith.constant 0 : i32
    %dma_wait3A_867 = arith.constant 1 : i32
    %dma_wait3A_868 = arith.constant 4 : i32
    %dma_wait3A_869 = arith.constant 0 : i32
    %dma_wait3A_870 = arith.constant 0 : i32
    %dma_wait3A_871 = tpu.memref_slice %arg11[%dma_wait3A_866, %dma_wait3A_869, %dma_wait3A_870] : memref<4x64x64xf32, #tpu.memory_space<vmem>> -> memref<1x64x64xf32, #tpu.memory_space<vmem>>
    %dma_wait3A_872 = tpu.memref_squeeze %dma_wait3A_871 : memref<1x64x64xf32, #tpu.memory_space<vmem>> -> memref<64x64xf32, #tpu.memory_space<vmem>>
    %dma_wait3A_873 = arith.constant 0 : i32
    %dma_wait3A_874 = tpu.memref_slice %arg10[%dma_wait3A_867, %dma_wait3A_868, %dma_wait3A_873] : memref<2x8x64xi32, #tpu.memory_space<vmem>> -> memref<1x1x64xi32, #tpu.memory_space<vmem>>
    %dma_wait3A_875 = tpu.memref_squeeze %dma_wait3A_874 : memref<1x1x64xi32, #tpu.memory_space<vmem>> -> memref<64xi32, #tpu.memory_space<vmem>>
    %dma_wait3A_876 = arith.constant 0 : i32
    %dma_wait3A_877 = arith.constant 0 : i32
    %dma_wait3A_878 = tpu.memref_slice %arg13[%dma_wait3A_876, %dma_wait3A_877] : memref<10112x64xf32, #tpu.memory_space<vmem_shared>> -> memref<10112x64xf32, #tpu.memory_space<vmem_shared>>
    tpu.wait_indirect_dma semaphore(%arg20 : memref<!tpu.dma_semaphore, #tpu.memory_space<semaphore_mem>>) src(%dma_wait3A_872 : memref<64x64xf32, #tpu.memory_space<vmem>>) dst(%dma_wait3A_878 : memref<10112x64xf32, #tpu.memory_space<vmem_shared>>)
    %dma_wait3A_879 = arith.constant 1 : i32
    %dma_wait3A_880 = arith.constant 5 : i32
    %dma_wait3A_881 = arith.constant 1 : i32
    %dma_wait3A_882 = arith.constant 0 : i32
    %dma_wait3A_883 = arith.constant 0 : i32
    %dma_wait3A_884 = tpu.memref_slice %arg11[%dma_wait3A_881, %dma_wait3A_882, %dma_wait3A_883] : memref<4x64x64xf32, #tpu.memory_space<vmem>> -> memref<1x64x64xf32, #tpu.memory_space<vmem>>
    %dma_wait3A_885 = tpu.memref_squeeze %dma_wait3A_884 : memref<1x64x64xf32, #tpu.memory_space<vmem>> -> memref<64x64xf32, #tpu.memory_space<vmem>>
    %dma_wait3A_886 = arith.constant 0 : i32
    %dma_wait3A_887 = tpu.memref_slice %arg9[%dma_wait3A_879, %dma_wait3A_880, %dma_wait3A_886] : memref<2x8x64xi32, #tpu.memory_space<vmem>> -> memref<1x1x64xi32, #tpu.memory_space<vmem>>
    %dma_wait3A_888 = tpu.memref_squeeze %dma_wait3A_887 : memref<1x1x64xi32, #tpu.memory_space<vmem>> -> memref<64xi32, #tpu.memory_space<vmem>>
    %dma_wait3A_889 = arith.constant 0 : i32
    %dma_wait3A_890 = arith.constant 0 : i32
    %dma_wait3A_891 = tpu.memref_slice %arg12[%dma_wait3A_889, %dma_wait3A_890] : memref<10112x64xf32, #tpu.memory_space<vmem_shared>> -> memref<10112x64xf32, #tpu.memory_space<vmem_shared>>
    tpu.wait_indirect_dma semaphore(%arg17 : memref<!tpu.dma_semaphore, #tpu.memory_space<semaphore_mem>>) src(%dma_wait3A_891 : memref<10112x64xf32, #tpu.memory_space<vmem_shared>>) dst(%dma_wait3A_885 : memref<64x64xf32, #tpu.memory_space<vmem>>)
    %dma_start3A_892 = arith.constant 1 : i32
    %dma_start3A_893 = arith.constant 1 : i32
    %dma_start3A_894 = arith.constant 5 : i32
    %dma_start3A_895 = arith.constant 0 : i32
    %dma_start3A_896 = arith.constant 0 : i32
    %dma_start3A_897 = tpu.memref_slice %arg11[%dma_start3A_892, %dma_start3A_895, %dma_start3A_896] : memref<4x64x64xf32, #tpu.memory_space<vmem>> -> memref<1x64x64xf32, #tpu.memory_space<vmem>>
    %dma_start3A_898 = tpu.memref_squeeze %dma_start3A_897 : memref<1x64x64xf32, #tpu.memory_space<vmem>> -> memref<64x64xf32, #tpu.memory_space<vmem>>
    %dma_start3A_899 = arith.constant 0 : i32
    %dma_start3A_900 = tpu.memref_slice %arg10[%dma_start3A_893, %dma_start3A_894, %dma_start3A_899] : memref<2x8x64xi32, #tpu.memory_space<vmem>> -> memref<1x1x64xi32, #tpu.memory_space<vmem>>
    %dma_start3A_901 = tpu.memref_squeeze %dma_start3A_900 : memref<1x1x64xi32, #tpu.memory_space<vmem>> -> memref<64xi32, #tpu.memory_space<vmem>>
    %dma_start3A_902 = arith.constant 0 : i32
    %dma_start3A_903 = arith.constant 0 : i32
    %dma_start3A_904 = tpu.memref_slice %arg13[%dma_start3A_902, %dma_start3A_903] : memref<10112x64xf32, #tpu.memory_space<vmem_shared>> -> memref<10112x64xf32, #tpu.memory_space<vmem_shared>>
    tpu.enqueue_indirect_dma source(%dma_start3A_898 : memref<64x64xf32, #tpu.memory_space<vmem>>) target(%dma_start3A_904 : memref<10112x64xf32, #tpu.memory_space<vmem_shared>>) offsets(%dma_start3A_901 : memref<64xi32, #tpu.memory_space<vmem>>) semaphore(%arg21 : memref<!tpu.dma_semaphore, #tpu.memory_space<semaphore_mem>>) {add = true}
    %dma_wait3A_905 = arith.constant 1 : i32
    %dma_wait3A_906 = arith.constant 1 : i32
    %dma_wait3A_907 = arith.constant 5 : i32
    %dma_wait3A_908 = arith.constant 0 : i32
    %dma_wait3A_909 = arith.constant 0 : i32
    %dma_wait3A_910 = tpu.memref_slice %arg11[%dma_wait3A_905, %dma_wait3A_908, %dma_wait3A_909] : memref<4x64x64xf32, #tpu.memory_space<vmem>> -> memref<1x64x64xf32, #tpu.memory_space<vmem>>
    %dma_wait3A_911 = tpu.memref_squeeze %dma_wait3A_910 : memref<1x64x64xf32, #tpu.memory_space<vmem>> -> memref<64x64xf32, #tpu.memory_space<vmem>>
    %dma_wait3A_912 = arith.constant 0 : i32
    %dma_wait3A_913 = tpu.memref_slice %arg10[%dma_wait3A_906, %dma_wait3A_907, %dma_wait3A_912] : memref<2x8x64xi32, #tpu.memory_space<vmem>> -> memref<1x1x64xi32, #tpu.memory_space<vmem>>
    %dma_wait3A_914 = tpu.memref_squeeze %dma_wait3A_913 : memref<1x1x64xi32, #tpu.memory_space<vmem>> -> memref<64xi32, #tpu.memory_space<vmem>>
    %dma_wait3A_915 = arith.constant 0 : i32
    %dma_wait3A_916 = arith.constant 0 : i32
    %dma_wait3A_917 = tpu.memref_slice %arg13[%dma_wait3A_915, %dma_wait3A_916] : memref<10112x64xf32, #tpu.memory_space<vmem_shared>> -> memref<10112x64xf32, #tpu.memory_space<vmem_shared>>
    tpu.wait_indirect_dma semaphore(%arg21 : memref<!tpu.dma_semaphore, #tpu.memory_space<semaphore_mem>>) src(%dma_wait3A_911 : memref<64x64xf32, #tpu.memory_space<vmem>>) dst(%dma_wait3A_917 : memref<10112x64xf32, #tpu.memory_space<vmem_shared>>)
    %dma_wait3A_918 = arith.constant 1 : i32
    %dma_wait3A_919 = arith.constant 6 : i32
    %dma_wait3A_920 = arith.constant 2 : i32
    %dma_wait3A_921 = arith.constant 0 : i32
    %dma_wait3A_922 = arith.constant 0 : i32
    %dma_wait3A_923 = tpu.memref_slice %arg11[%dma_wait3A_920, %dma_wait3A_921, %dma_wait3A_922] : memref<4x64x64xf32, #tpu.memory_space<vmem>> -> memref<1x64x64xf32, #tpu.memory_space<vmem>>
    %dma_wait3A_924 = tpu.memref_squeeze %dma_wait3A_923 : memref<1x64x64xf32, #tpu.memory_space<vmem>> -> memref<64x64xf32, #tpu.memory_space<vmem>>
    %dma_wait3A_925 = arith.constant 0 : i32
    %dma_wait3A_926 = tpu.memref_slice %arg9[%dma_wait3A_918, %dma_wait3A_919, %dma_wait3A_925] : memref<2x8x64xi32, #tpu.memory_space<vmem>> -> memref<1x1x64xi32, #tpu.memory_space<vmem>>
    %dma_wait3A_927 = tpu.memref_squeeze %dma_wait3A_926 : memref<1x1x64xi32, #tpu.memory_space<vmem>> -> memref<64xi32, #tpu.memory_space<vmem>>
    %dma_wait3A_928 = arith.constant 0 : i32
    %dma_wait3A_929 = arith.constant 0 : i32
    %dma_wait3A_930 = tpu.memref_slice %arg12[%dma_wait3A_928, %dma_wait3A_929] : memref<10112x64xf32, #tpu.memory_space<vmem_shared>> -> memref<10112x64xf32, #tpu.memory_space<vmem_shared>>
    tpu.wait_indirect_dma semaphore(%arg18 : memref<!tpu.dma_semaphore, #tpu.memory_space<semaphore_mem>>) src(%dma_wait3A_930 : memref<10112x64xf32, #tpu.memory_space<vmem_shared>>) dst(%dma_wait3A_924 : memref<64x64xf32, #tpu.memory_space<vmem>>)
    %dma_start3A_931 = arith.constant 2 : i32
    %dma_start3A_932 = arith.constant 1 : i32
    %dma_start3A_933 = arith.constant 6 : i32
    %dma_start3A_934 = arith.constant 0 : i32
    %dma_start3A_935 = arith.constant 0 : i32
    %dma_start3A_936 = tpu.memref_slice %arg11[%dma_start3A_931, %dma_start3A_934, %dma_start3A_935] : memref<4x64x64xf32, #tpu.memory_space<vmem>> -> memref<1x64x64xf32, #tpu.memory_space<vmem>>
    %dma_start3A_937 = tpu.memref_squeeze %dma_start3A_936 : memref<1x64x64xf32, #tpu.memory_space<vmem>> -> memref<64x64xf32, #tpu.memory_space<vmem>>
    %dma_start3A_938 = arith.constant 0 : i32
    %dma_start3A_939 = tpu.memref_slice %arg10[%dma_start3A_932, %dma_start3A_933, %dma_start3A_938] : memref<2x8x64xi32, #tpu.memory_space<vmem>> -> memref<1x1x64xi32, #tpu.memory_space<vmem>>
    %dma_start3A_940 = tpu.memref_squeeze %dma_start3A_939 : memref<1x1x64xi32, #tpu.memory_space<vmem>> -> memref<64xi32, #tpu.memory_space<vmem>>
    %dma_start3A_941 = arith.constant 0 : i32
    %dma_start3A_942 = arith.constant 0 : i32
    %dma_start3A_943 = tpu.memref_slice %arg13[%dma_start3A_941, %dma_start3A_942] : memref<10112x64xf32, #tpu.memory_space<vmem_shared>> -> memref<10112x64xf32, #tpu.memory_space<vmem_shared>>
    tpu.enqueue_indirect_dma source(%dma_start3A_937 : memref<64x64xf32, #tpu.memory_space<vmem>>) target(%dma_start3A_943 : memref<10112x64xf32, #tpu.memory_space<vmem_shared>>) offsets(%dma_start3A_940 : memref<64xi32, #tpu.memory_space<vmem>>) semaphore(%arg22 : memref<!tpu.dma_semaphore, #tpu.memory_space<semaphore_mem>>) {add = true}
    %dma_wait3A_944 = arith.constant 2 : i32
    %dma_wait3A_945 = arith.constant 1 : i32
    %dma_wait3A_946 = arith.constant 6 : i32
    %dma_wait3A_947 = arith.constant 0 : i32
    %dma_wait3A_948 = arith.constant 0 : i32
    %dma_wait3A_949 = tpu.memref_slice %arg11[%dma_wait3A_944, %dma_wait3A_947, %dma_wait3A_948] : memref<4x64x64xf32, #tpu.memory_space<vmem>> -> memref<1x64x64xf32, #tpu.memory_space<vmem>>
    %dma_wait3A_950 = tpu.memref_squeeze %dma_wait3A_949 : memref<1x64x64xf32, #tpu.memory_space<vmem>> -> memref<64x64xf32, #tpu.memory_space<vmem>>
    %dma_wait3A_951 = arith.constant 0 : i32
    %dma_wait3A_952 = tpu.memref_slice %arg10[%dma_wait3A_945, %dma_wait3A_946, %dma_wait3A_951] : memref<2x8x64xi32, #tpu.memory_space<vmem>> -> memref<1x1x64xi32, #tpu.memory_space<vmem>>
    %dma_wait3A_953 = tpu.memref_squeeze %dma_wait3A_952 : memref<1x1x64xi32, #tpu.memory_space<vmem>> -> memref<64xi32, #tpu.memory_space<vmem>>
    %dma_wait3A_954 = arith.constant 0 : i32
    %dma_wait3A_955 = arith.constant 0 : i32
    %dma_wait3A_956 = tpu.memref_slice %arg13[%dma_wait3A_954, %dma_wait3A_955] : memref<10112x64xf32, #tpu.memory_space<vmem_shared>> -> memref<10112x64xf32, #tpu.memory_space<vmem_shared>>
    tpu.wait_indirect_dma semaphore(%arg22 : memref<!tpu.dma_semaphore, #tpu.memory_space<semaphore_mem>>) src(%dma_wait3A_950 : memref<64x64xf32, #tpu.memory_space<vmem>>) dst(%dma_wait3A_956 : memref<10112x64xf32, #tpu.memory_space<vmem_shared>>)
    %dma_wait3A_957 = arith.constant 1 : i32
    %dma_wait3A_958 = arith.constant 7 : i32
    %dma_wait3A_959 = arith.constant 3 : i32
    %dma_wait3A_960 = arith.constant 0 : i32
    %dma_wait3A_961 = arith.constant 0 : i32
    %dma_wait3A_962 = tpu.memref_slice %arg11[%dma_wait3A_959, %dma_wait3A_960, %dma_wait3A_961] : memref<4x64x64xf32, #tpu.memory_space<vmem>> -> memref<1x64x64xf32, #tpu.memory_space<vmem>>
    %dma_wait3A_963 = tpu.memref_squeeze %dma_wait3A_962 : memref<1x64x64xf32, #tpu.memory_space<vmem>> -> memref<64x64xf32, #tpu.memory_space<vmem>>
    %dma_wait3A_964 = arith.constant 0 : i32
    %dma_wait3A_965 = tpu.memref_slice %arg9[%dma_wait3A_957, %dma_wait3A_958, %dma_wait3A_964] : memref<2x8x64xi32, #tpu.memory_space<vmem>> -> memref<1x1x64xi32, #tpu.memory_space<vmem>>
    %dma_wait3A_966 = tpu.memref_squeeze %dma_wait3A_965 : memref<1x1x64xi32, #tpu.memory_space<vmem>> -> memref<64xi32, #tpu.memory_space<vmem>>
    %dma_wait3A_967 = arith.constant 0 : i32
    %dma_wait3A_968 = arith.constant 0 : i32
    %dma_wait3A_969 = tpu.memref_slice %arg12[%dma_wait3A_967, %dma_wait3A_968] : memref<10112x64xf32, #tpu.memory_space<vmem_shared>> -> memref<10112x64xf32, #tpu.memory_space<vmem_shared>>
    tpu.wait_indirect_dma semaphore(%arg19 : memref<!tpu.dma_semaphore, #tpu.memory_space<semaphore_mem>>) src(%dma_wait3A_969 : memref<10112x64xf32, #tpu.memory_space<vmem_shared>>) dst(%dma_wait3A_963 : memref<64x64xf32, #tpu.memory_space<vmem>>)
    %dma_start3A_970 = arith.constant 3 : i32
    %dma_start3A_971 = arith.constant 1 : i32
    %dma_start3A_972 = arith.constant 7 : i32
    %dma_start3A_973 = arith.constant 0 : i32
    %dma_start3A_974 = arith.constant 0 : i32
    %dma_start3A_975 = tpu.memref_slice %arg11[%dma_start3A_970, %dma_start3A_973, %dma_start3A_974] : memref<4x64x64xf32, #tpu.memory_space<vmem>> -> memref<1x64x64xf32, #tpu.memory_space<vmem>>
    %dma_start3A_976 = tpu.memref_squeeze %dma_start3A_975 : memref<1x64x64xf32, #tpu.memory_space<vmem>> -> memref<64x64xf32, #tpu.memory_space<vmem>>
    %dma_start3A_977 = arith.constant 0 : i32
    %dma_start3A_978 = tpu.memref_slice %arg10[%dma_start3A_971, %dma_start3A_972, %dma_start3A_977] : memref<2x8x64xi32, #tpu.memory_space<vmem>> -> memref<1x1x64xi32, #tpu.memory_space<vmem>>
    %dma_start3A_979 = tpu.memref_squeeze %dma_start3A_978 : memref<1x1x64xi32, #tpu.memory_space<vmem>> -> memref<64xi32, #tpu.memory_space<vmem>>
    %dma_start3A_980 = arith.constant 0 : i32
    %dma_start3A_981 = arith.constant 0 : i32
    %dma_start3A_982 = tpu.memref_slice %arg13[%dma_start3A_980, %dma_start3A_981] : memref<10112x64xf32, #tpu.memory_space<vmem_shared>> -> memref<10112x64xf32, #tpu.memory_space<vmem_shared>>
    tpu.enqueue_indirect_dma source(%dma_start3A_976 : memref<64x64xf32, #tpu.memory_space<vmem>>) target(%dma_start3A_982 : memref<10112x64xf32, #tpu.memory_space<vmem_shared>>) offsets(%dma_start3A_979 : memref<64xi32, #tpu.memory_space<vmem>>) semaphore(%arg23 : memref<!tpu.dma_semaphore, #tpu.memory_space<semaphore_mem>>) {add = true}
    %dma_wait3A_983 = arith.constant 3 : i32
    %dma_wait3A_984 = arith.constant 1 : i32
    %dma_wait3A_985 = arith.constant 7 : i32
    %dma_wait3A_986 = arith.constant 0 : i32
    %dma_wait3A_987 = arith.constant 0 : i32
    %dma_wait3A_988 = tpu.memref_slice %arg11[%dma_wait3A_983, %dma_wait3A_986, %dma_wait3A_987] : memref<4x64x64xf32, #tpu.memory_space<vmem>> -> memref<1x64x64xf32, #tpu.memory_space<vmem>>
    %dma_wait3A_989 = tpu.memref_squeeze %dma_wait3A_988 : memref<1x64x64xf32, #tpu.memory_space<vmem>> -> memref<64x64xf32, #tpu.memory_space<vmem>>
    %dma_wait3A_990 = arith.constant 0 : i32
    %dma_wait3A_991 = tpu.memref_slice %arg10[%dma_wait3A_984, %dma_wait3A_985, %dma_wait3A_990] : memref<2x8x64xi32, #tpu.memory_space<vmem>> -> memref<1x1x64xi32, #tpu.memory_space<vmem>>
    %dma_wait3A_992 = tpu.memref_squeeze %dma_wait3A_991 : memref<1x1x64xi32, #tpu.memory_space<vmem>> -> memref<64xi32, #tpu.memory_space<vmem>>
    %dma_wait3A_993 = arith.constant 0 : i32
    %dma_wait3A_994 = arith.constant 0 : i32
    %dma_wait3A_995 = tpu.memref_slice %arg13[%dma_wait3A_993, %dma_wait3A_994] : memref<10112x64xf32, #tpu.memory_space<vmem_shared>> -> memref<10112x64xf32, #tpu.memory_space<vmem_shared>>
    tpu.wait_indirect_dma semaphore(%arg23 : memref<!tpu.dma_semaphore, #tpu.memory_space<semaphore_mem>>) src(%dma_wait3A_989 : memref<64x64xf32, #tpu.memory_space<vmem>>) dst(%dma_wait3A_995 : memref<10112x64xf32, #tpu.memory_space<vmem_shared>>)
    %barrier3A_996 = arith.constant 0 : index
    tpu.barrier barrier_id(%barrier3A_996)
    %eq3A_997 = arith.constant 0 : i32
    %eq3A_998 = arith.cmpi eq, %arg0, %eq3A_997 : i32
    %convert_element_type3A_999 = arith.extui %eq3A_998 : i1 to i32
    %cond3A_1000 = arith.constant 0 : i32
    %cond3A_1001 = arith.cmpi ne, %convert_element_type3A_999, %cond3A_1000 : i32
    scf.if %cond3A_1001 {
      %mul3A_1007 = arith.constant 632 : i32
      %mul3A_1008 = arith.muli %arg1, %mul3A_1007 : i32
      %mul3A_1009 = arith.constant 632 : i32
      %mul3A_1010 = arith.muli %arg1, %mul3A_1009 : i32
      "tpu.region"() ({
        %run_scoped3A = tpu.sem_alloc : memref<!tpu.dma_semaphore, #tpu.memory_space<semaphore_mem>>
        %dma_start3A_1011 = arith.constant 0 : i32
        %dma_start3A_1012 = tpu.memref_slice %arg7[%mul3A_1010, %dma_start3A_1011] : memref<10112x64xf32, #tpu.memory_space<hbm>> -> memref<632x64xf32, #tpu.memory_space<hbm>>
        %dma_start3A_1013 = arith.constant 0 : i32
        %dma_start3A_1014 = tpu.memref_slice %arg13[%mul3A_1008, %dma_start3A_1013] : memref<10112x64xf32, #tpu.memory_space<vmem_shared>> -> memref<632x64xf32, #tpu.memory_space<vmem_shared>>
        tpu.enqueue_dma source(%dma_start3A_1014 : memref<632x64xf32, #tpu.memory_space<vmem_shared>>) target(%dma_start3A_1012 : memref<632x64xf32, #tpu.memory_space<hbm>>) target_semaphore(%run_scoped3A : memref<!tpu.dma_semaphore, #tpu.memory_space<semaphore_mem>>)
        %dma_wait3A_1015 = arith.constant 0 : i32
        %dma_wait3A_1016 = tpu.memref_slice %arg7[%mul3A_1010, %dma_wait3A_1015] : memref<10112x64xf32, #tpu.memory_space<hbm>> -> memref<632x64xf32, #tpu.memory_space<hbm>>
        %dma_wait3A_1017 = arith.constant 0 : i32
        %dma_wait3A_1018 = tpu.memref_slice %arg13[%mul3A_1008, %dma_wait3A_1017] : memref<10112x64xf32, #tpu.memory_space<vmem_shared>> -> memref<632x64xf32, #tpu.memory_space<vmem_shared>>
        tpu.wait_dma2 semaphore(%run_scoped3A : memref<!tpu.dma_semaphore, #tpu.memory_space<semaphore_mem>>) src(%dma_wait3A_1018 : memref<632x64xf32, #tpu.memory_space<vmem_shared>>) dst(%dma_wait3A_1016 : memref<632x64xf32, #tpu.memory_space<hbm>>)
        tpu.yield
      }) : () -> ()
    } else {
    }
    %eq3A_1002 = arith.constant 1 : i32
    %eq3A_1003 = arith.cmpi eq, %arg0, %eq3A_1002 : i32
    %convert_element_type3A_1004 = arith.extui %eq3A_1003 : i1 to i32
    %cond3A_1005 = arith.constant 0 : i32
    %cond3A_1006 = arith.cmpi ne, %convert_element_type3A_1004, %cond3A_1005 : i32
    scf.if %cond3A_1006 {
      %mul3A_1007 = arith.constant 632 : i32
      %mul3A_1008 = arith.muli %arg1, %mul3A_1007 : i32
      %mul3A_1009 = arith.constant 632 : i32
      %mul3A_1010 = arith.muli %arg1, %mul3A_1009 : i32
      "tpu.region"() ({
        %run_scoped3A = tpu.sem_alloc : memref<!tpu.dma_semaphore, #tpu.memory_space<semaphore_mem>>
        %dma_start3A_1011 = arith.constant 0 : i32
        %dma_start3A_1012 = tpu.memref_slice %arg8[%mul3A_1010, %dma_start3A_1011] : memref<10112x64xf32, #tpu.memory_space<hbm>> -> memref<632x64xf32, #tpu.memory_space<hbm>>
        %dma_start3A_1013 = arith.constant 0 : i32
        %dma_start3A_1014 = tpu.memref_slice %arg13[%mul3A_1008, %dma_start3A_1013] : memref<10112x64xf32, #tpu.memory_space<vmem_shared>> -> memref<632x64xf32, #tpu.memory_space<vmem_shared>>
        tpu.enqueue_dma source(%dma_start3A_1014 : memref<632x64xf32, #tpu.memory_space<vmem_shared>>) target(%dma_start3A_1012 : memref<632x64xf32, #tpu.memory_space<hbm>>) target_semaphore(%run_scoped3A : memref<!tpu.dma_semaphore, #tpu.memory_space<semaphore_mem>>)
        %dma_wait3A_1015 = arith.constant 0 : i32
        %dma_wait3A_1016 = tpu.memref_slice %arg8[%mul3A_1010, %dma_wait3A_1015] : memref<10112x64xf32, #tpu.memory_space<hbm>> -> memref<632x64xf32, #tpu.memory_space<hbm>>
        %dma_wait3A_1017 = arith.constant 0 : i32
        %dma_wait3A_1018 = tpu.memref_slice %arg13[%mul3A_1008, %dma_wait3A_1017] : memref<10112x64xf32, #tpu.memory_space<vmem_shared>> -> memref<632x64xf32, #tpu.memory_space<vmem_shared>>
        tpu.wait_dma2 semaphore(%run_scoped3A : memref<!tpu.dma_semaphore, #tpu.memory_space<semaphore_mem>>) src(%dma_wait3A_1018 : memref<632x64xf32, #tpu.memory_space<vmem_shared>>) dst(%dma_wait3A_1016 : memref<632x64xf32, #tpu.memory_space<hbm>>)
        tpu.yield
      }) : () -> ()
    } else {
    }
    return
  }
}

module attributes {stable_mosaic.version = 14 : i64} {
  func.func @_mlp_kernel(%arg0: i32, %arg1: memref<1000x128xf32, #tpu.memory_space<vmem>>, %arg2: memref<1000x128xf32, #tpu.memory_space<vmem>>, %arg3: memref<128x128xf32, #tpu.memory_space<vmem>>, %arg4: memref<1x128xf32, #tpu.memory_space<vmem>>, %arg5: memref<128x128xf32, #tpu.memory_space<vmem>>, %arg6: memref<1x128xf32, #tpu.memory_space<vmem>>, %arg7: memref<1000x128xf32, #tpu.memory_space<vmem>>) attributes {dimension_semantics = [#tpu.dimension_semantics<arbitrary>], iteration_bounds = array<i64: 10>, scalar_prefetch = 0 : i64, scratch_operands = 0 : i64, tpu.core_type = #tpu.core_type<tc>, window_params = [{transform_indices = @transform_0, window_bounds = array<i64: 1000, 128>}, {transform_indices = @transform_1, window_bounds = array<i64: 1000, 128>}, {pipeline_mode = #tpu.pipeline_mode<synchronous>, transform_indices = @transform_2, window_bounds = array<i64: 128, 128>}, {pipeline_mode = #tpu.pipeline_mode<synchronous>, transform_indices = @transform_3, window_bounds = array<i64: 1, 128>}, {pipeline_mode = #tpu.pipeline_mode<synchronous>, transform_indices = @transform_4, window_bounds = array<i64: 128, 128>}, {pipeline_mode = #tpu.pipeline_mode<synchronous>, transform_indices = @transform_5, window_bounds = array<i64: 1, 128>}, {transform_indices = @transform_6, window_bounds = array<i64: 1000, 128>}]} {
    %get3A = arith.constant 0 : index
    %get3A_0 = arith.constant 0 : index
    %get3A_1 = vector.load %arg1[%get3A, %get3A_0] : memref<1000x128xf32, #tpu.memory_space<vmem>>, vector<1000x128xf32>
    %get3A_2 = arith.constant 0 : index
    %get3A_3 = arith.constant 0 : index
    %get3A_4 = vector.load %arg2[%get3A_2, %get3A_3] : memref<1000x128xf32, #tpu.memory_space<vmem>>, vector<1000x128xf32>
    %add3A = arith.addf %get3A_1, %get3A_4 : vector<1000x128xf32>
    %get3A_5 = arith.constant 0 : index
    %get3A_6 = arith.constant 0 : index
    %get3A_7 = vector.load %arg3[%get3A_5, %get3A_6] : memref<128x128xf32, #tpu.memory_space<vmem>>, vector<128x128xf32>
    %dot_general3A = arith.constant dense<0.000000e+00> : vector<1000x128xf32>
    %dot_general3A_8 = tpu.matmul %add3A, %get3A_7, %dot_general3A {dimension_numbers = #tpu.dot_dimension_numbers<[1], [1], [0], [0], [0, 0, 1, 0], [], []>, transpose_lhs_hint = false} : vector<1000x128xf32>, vector<128x128xf32>, vector<1000x128xf32> -> vector<1000x128xf32>
    %get3A_9 = arith.constant 0 : index
    %get3A_10 = arith.constant 0 : index
    %get3A_11 = vector.load %arg4[%get3A_9, %get3A_10] : memref<1x128xf32, #tpu.memory_space<vmem>>, vector<1x128xf32>
    %add3A_12 = vector.broadcast %get3A_11 : vector<1x128xf32> to vector<1000x128xf32>
    %add3A_13 = arith.addf %dot_general3A_8, %add3A_12 : vector<1000x128xf32>
    %max3A = arith.constant 0.000000e+00 : f32
    %max3A_14 = vector.broadcast %max3A : f32 to vector<1000x128xf32>
    %max3A_15 = arith.maximumf %add3A_13, %max3A_14 : vector<1000x128xf32>
    %get3A_16 = arith.constant 0 : index
    %get3A_17 = arith.constant 0 : index
    %get3A_18 = vector.load %arg5[%get3A_16, %get3A_17] : memref<128x128xf32, #tpu.memory_space<vmem>>, vector<128x128xf32>
    %dot_general3A_19 = arith.constant dense<0.000000e+00> : vector<1000x128xf32>
    %dot_general3A_20 = tpu.matmul %max3A_15, %get3A_18, %dot_general3A_19 {dimension_numbers = #tpu.dot_dimension_numbers<[1], [1], [0], [0], [0, 0, 1, 0], [], []>, transpose_lhs_hint = false} : vector<1000x128xf32>, vector<128x128xf32>, vector<1000x128xf32> -> vector<1000x128xf32>
    %get3A_21 = arith.constant 0 : index
    %get3A_22 = arith.constant 0 : index
    %get3A_23 = vector.load %arg6[%get3A_21, %get3A_22] : memref<1x128xf32, #tpu.memory_space<vmem>>, vector<1x128xf32>
    %add3A_24 = vector.broadcast %get3A_23 : vector<1x128xf32> to vector<1000x128xf32>
    %add3A_25 = arith.addf %dot_general3A_20, %add3A_24 : vector<1000x128xf32>
    %swap3A = arith.constant 0 : index
    %swap3A_26 = arith.constant 0 : index
    %swap3A_27 = vector.load %arg7[%swap3A, %swap3A_26] : memref<1000x128xf32, #tpu.memory_space<vmem>>, vector<1000x128xf32>
    tpu.vector_store %arg7[%swap3A, %swap3A_26], %add3A_25 {strides = array<i32>} : memref<1000x128xf32, #tpu.memory_space<vmem>>, vector<1000x128xf32>,
    return
  }
  func.func @transform_0(%arg0: i32) -> (i32, i32) {
    %c0_i32 = arith.constant 0 : i32
    %c0_i32_0 = arith.constant 0 : i32
    return %arg0, %c0_i32 : i32, i32
  }
  func.func @transform_1(%arg0: i32) -> (i32, i32) {
    %c0_i32 = arith.constant 0 : i32
    %c0_i32_0 = arith.constant 0 : i32
    return %arg0, %c0_i32 : i32, i32
  }
  func.func @transform_2(%arg0: i32) -> (i32, i32) {
    %c0_i32 = arith.constant 0 : i32
    %c0_i32_0 = arith.constant 0 : i32
    %c0_i32_1 = arith.constant 0 : i32
    return %c0_i32, %c0_i32_0 : i32, i32
  }
  func.func @transform_3(%arg0: i32) -> (i32, i32) {
    %c0_i32 = arith.constant 0 : i32
    %c0_i32_0 = arith.constant 0 : i32
    %c0_i32_1 = arith.constant 0 : i32
    return %c0_i32, %c0_i32_0 : i32, i32
  }
  func.func @transform_4(%arg0: i32) -> (i32, i32) {
    %c0_i32 = arith.constant 0 : i32
    %c0_i32_0 = arith.constant 0 : i32
    %c0_i32_1 = arith.constant 0 : i32
    return %c0_i32, %c0_i32_0 : i32, i32
  }
  func.func @transform_5(%arg0: i32) -> (i32, i32) {
    %c0_i32 = arith.constant 0 : i32
    %c0_i32_0 = arith.constant 0 : i32
    %c0_i32_1 = arith.constant 0 : i32
    return %c0_i32, %c0_i32_0 : i32, i32
  }
  func.func @transform_6(%arg0: i32) -> (i32, i32) {
    %c0_i32 = arith.constant 0 : i32
    %c0_i32_0 = arith.constant 0 : i32
    return %arg0, %c0_i32 : i32, i32
  }
}

</mosaic_0001>

<sc_bundles>
// kernel: kernel.4.cloned.1.call-start
scs
__scs_entry_jumppad:
0x0: {  	(pc) =	sbr.rel $0x88, $3  }
0x1: {  	(tag) =	ssettag $0x0;
	lr =	simm.s32 $0x1  }
0x2: {  	[smem:$0x3F9B] =	sst lr;
	_ =	strace $0xD0000000  }
0x3: {  	_ = 	snop  }
0x4: {  	_ = 	snop  }
0x5: {  	_ = 	snop  }
0x6: {  	_ = 	snop  }
0x7: {  	_ = 	snop  }
__scs_overlays_trampoline_lowered:
0x8: {  	[smem:$0x3FAA] =	sst s0  }
0x9: {  	[smem:$0x3FAB] =	sst s1  }
0xa: {  	[smem:$0x3FAC] =	sst s2  }
0xb: {  	[smem:$0x3FAD] =	sst s3  }
0xc: {  	[smem:$0x3FAE] =	sst s4  }
0xd: {  	[smem:$0x3FAF] =	sst s5  }
0xe: {  	[smem:$0x3FB0] =	sst s6  }
0xf: {  	[smem:$0x3FB1] =	sst s7  }
0x10: {  	[smem:$0x3FB2] =	sst s8  }
0x11: {  	[smem:$0x3FB3] =	sst s9;
	s0 =	simm.s32 @!p0 $0x0  }
0x12: {  	s1 =	sld [smem:$0x3F99];
	s0 =	simm.s32 @p0 $0x1  }
0x13: {  	[smem:$0x3FB4] =	sst s0;
	s0 =	simm.s32 @!p1 $0x0  }
0x14: {  	s2 =	sld [smem:$0x3F98];
	s0 =	simm.s32 @p1 $0x1  }
0x15: {  	[smem:$0x3FB5] =	sst s0;
	s0 =	simm.s32 @!p2 $0x0  }
0x16: {  	s3 =	sld [smem:$0x3FDB];
	s0 =	simm.s32 @p2 $0x1  }
0x17: {  	s4 =	simm.s32 $0x1BF5;
	[smem:$0x3FB7] =	sst s0  }
0x18: {  	s0 =	sld [smem:$0x3F9A];
	_ =	swait.ge [sflag:s4], $0x0  }
0x19: {  	s7 =	sld [smem:$0x3F9B]  }
0x1a: {  	s8 =	sadd.s32 $0xFFFFE003, lr  }
0x1b: {  	s9 =	sadd.s32 $0xFFFFFEF7, lr;
	s5 =	simm.s32 $0xFFFFFFFF;
	p2 =	slt.u32 s8, $0xFFFFF086  }
0x1c: {  	p1 =	slt.u32 s9, $0xF7A;
	s5 =	simm.s32 @!p2 $0x0  }
0x1d: {  	s5 =	simm.s32 @p1 $0x1;
	p0 =	seq.s32 s7, s2  }
0x1e: {  	s7 =	smul.u32 @!p0 $0xF7A, s2;
	p2 =	seq.s32 @!p0 s5, $0x0  }
0x1f: {  	s9 =	smul.u32 $0xF7A, s1;
	s8 =	simm.s32 @!p0 $0x1BF5;
	p2 =	por !p2, p0  }
0x20: {  	[sflag:s8] =	ssyncset.s32 @!p0 $0xFFFFF086;
	s6 =	sadd.s32 @!p0 s3, s7;
	s7 =	simm.s32 @!p0 $0x108  }
0x21: {  	s3 =	sadd.s32 s3, s9;
	s6 =	sadd.s32 @!p0 $0x88, s6;
	s7 =	simm.s32 @p2 $0x1082  }
0x22: {  	[simem:s7], [sflag:s8] =	dma.local @!p0 [hbm:s6], $0xF7A  }
0x23: {  	s9 =	sor.u32 $0xD0000000, s2;
	s6 =	simm.s32 $0x108;
	_ =	swait.ge @!p0 [sflag:s8], $0x0  }
0x24: {  	s3 =	sadd.s32 $0x88, s3;
	s6 =	simm.s32 @!p1 $0x1082;
	[sflag:s4] =	ssyncset.s32 $0xFFFFF086  }
0x25: {  	[simem:s6], [sflag:s4] =	dma.local [hbm:s3], $0xF7A  }
0x26: {  	[smem:$0x3F9B] =	sst s1;
	(tag) =	ssettag s2;
	_ =	strace s9  }
0x27: {  	s1 =	sld [smem:$0x3FAB]  }
0x28: {  	s2 =	sld [smem:$0x3FAC]  }
0x29: {  	s4 =	sld [smem:$0x3FAE]  }
0x2a: {  	p0 =	seq.s32 s5, $0x0;
	s5 =	sld [smem:$0x3FAF]  }
0x2b: {  	s6 =	sld [smem:$0x3FB0]  }
0x2c: {  	s7 =	sld [smem:$0x3FB1]  }
0x2d: {  	s3 =	simm.s32 $0x108;
	s8 =	sld [smem:$0x3FB2]  }
0x2e: {  	s3 =	simm.s32 @!p0 $0x1082;
	s9 =	sld [smem:$0x3FB3]  }
0x2f: {  	lr =	sadd.s32 s0, s3;
	s0 =	sld [smem:$0x3FAA]  }
0x30: {  	s3 =	sld [smem:$0x3FAD]  }
0x31: {  	[smem:$0x3FB6] =	sst s10  }
0x32: {  	s10 =	sld [smem:$0x3FB4];
	_ =	sdelay $0x3  }
0x33: {  	p0 =	seq.s32 s10, $0x1;
	s10 =	sld [smem:$0x3FB6];
	_ =	sdelay $0x3  }
0x34: {  	[smem:$0x3FB6] =	sst s10  }
0x35: {  	s10 =	sld [smem:$0x3FB5];
	_ =	sdelay $0x3  }
0x36: {  	p1 =	seq.s32 s10, $0x1;
	s10 =	sld [smem:$0x3FB6];
	_ =	sdelay $0x3  }
0x37: {  	[smem:$0x3FB6] =	sst s10  }
0x38: {  	s10 =	sld [smem:$0x3FB7]  }
0x39: {  	_ = 	snop;
	(pc) =	sbr.ind lr, $3  }
0x3a: {  	_ = 	snop  }
0x3b: {  	_ = 	snop  }
0x3c: {  	p2 =	seq.s32 s10, $0x1;
	s10 =	sld [smem:$0x3FB6]  }
0x3d: {  	_ =	shalt  }
0x3e: {  	_ =	shalt  }
0x3f: {  	_ =	shalt  }
0x40: {  	_ =	shalt  }
0x41: {  	_ =	shalt  }
0x42: {  	_ =	shalt  }
0x43: {  	_ =	shalt  }
0x44: {  	_ =	shalt  }
0x45: {  	_ =	shalt  }
0x46: {  	_ =	shalt  }
0x47: {  	_ =	shalt  }
0x48: {  	_ =	shalt  }
0x49: {  	_ =	shalt  }
0x4a: {  	_ =	shalt  }
0x4b: {  	_ =	shalt  }
0x4c: {  	_ =	shalt  }
0x4d: {  	_ =	shalt  }
0x4e: {  	_ =	shalt  }
0x4f: {  	_ =	shalt  }
0x50: {  	_ =	shalt  }
0x51: {  	_ =	shalt  }
0x52: {  	_ =	shalt  }
0x53: {  	_ =	shalt  }
0x54: {  	_ =	shalt  }
0x55: {  	_ =	shalt  }
0x56: {  	_ =	shalt  }
0x57: {  	_ =	shalt  }
0x58: {  	_ =	shalt  }
0x59: {  	_ =	shalt  }
0x5a: {  	_ =	shalt  }
0x5b: {  	_ =	shalt  }
0x5c: {  	_ =	shalt  }
0x5d: {  	_ =	shalt  }
0x5e: {  	_ =	shalt  }
0x5f: {  	_ =	shalt  }
0x60: {  	_ =	shalt  }
0x61: {  	_ =	shalt  }
0x62: {  	_ =	shalt  }
0x63: {  	_ =	shalt  }
0x64: {  	_ =	shalt  }
0x65: {  	_ =	shalt  }
0x66: {  	_ =	shalt  }
0x67: {  	_ =	shalt  }
0x68: {  	_ =	shalt  }
0x69: {  	_ =	shalt  }
0x6a: {  	_ =	shalt  }
0x6b: {  	_ =	shalt  }
0x6c: {  	_ =	shalt  }
0x6d: {  	_ =	shalt  }
0x6e: {  	_ =	shalt  }
0x6f: {  	_ =	shalt  }
0x70: {  	_ =	shalt  }
0x71: {  	_ =	shalt  }
0x72: {  	_ =	shalt  }
0x73: {  	_ =	shalt  }
0x74: {  	_ =	shalt  }
0x75: {  	_ =	shalt  }
0x76: {  	_ =	shalt  }
0x77: {  	_ =	shalt  }
0x78: {  	_ =	shalt  }
0x79: {  	_ =	shalt  }
0x7a: {  	_ =	shalt  }
0x7b: {  	_ =	shalt  }
0x7c: {  	_ =	shalt  }
0x7d: {  	_ =	shalt  }
0x7e: {  	_ =	shalt  }
0x7f: {  	_ =	shalt  }
0x80: {  	_ =	shalt  }
0x81: {  	_ =	shalt  }
0x82: {  	_ =	shalt  }
0x83: {  	_ =	shalt  }
0x84: {  	_ =	shalt  }
0x85: {  	_ =	shalt  }
0x86: {  	_ =	shalt  }
0x87: {  	_ =	shalt  }
.Lfunc_end0:
.L_simem_size_0:
called_computation_lowered:
.L_overlay_start_0:
0x88: {  	s2 =	sld [smem:$0x3FD9]  }
0x89: {  	s3 =	sld [smem:$0x3FFE];
	_ =	sdelay $0x1  }
0x8a: {  	s1 =	srdreg.scid  }
0x8b: {  	s0 =	sand.u32 $0x1, s1  }
0x8c: {  	s17 =	sshll.u32 s0, $0xA;
	s2 =	sadd.s32 s3, s2  }
0x8d: {  	s2 =	sadd.s32 s2, s17  }
0x8e: {  	[smem:$0x3FC2] =	sst s2  }
0x8f: {  	_ = 	snop  }
0x90: {  	s2 =	sld [smem:$0x3FD0];
	(tm) =	ssettm $0x1  }
0x91: {  	s18 =	sld [smem:$0x3FFB];
	_ =	sdelay $0x3  }
0x92: {  	_ =	strace s18  }
0x93: {  	s3 =	sld [smem:$0x3FFC];
	_ =	sdelay $0x3  }
0x94: {  	_ =	strace s3  }
0x95: {  	s3 =	sld [smem:$0x3FFD];
	_ =	sdelay $0x3  }
0x96: {  	_ =	strace s3  }
0x97: {  	_ =	strace $0x8FFFFFFF  }
0x98: {  	s19 =	sld [smem:$0x3FDB];
	_ =	sdelay $0x1  }
0x99: {  	s4 =	simm.s32 $_scs_section_size  }
0x9a: {  	s5 =	simm.s32 $_size__tile_overlayer_lowered;
	s6 =	simm.s32 $_tile_overlayer_lowered  }
0x9b: {  	s22 =	simm.s32 $0x1BFF;
	s21 =	sshll.u32 s6, $0x1;
	s3 =	sadd.s32 s4, s19  }
0x9c: {  	s7 =	simm.s32 $0x0;
	s20 =	sshll.u32 s5, $0x1;
	s5 =	sadd.s32 s21, s3  }
0x9d: {  	[timem:s7], [sflag:s22] =	dma.local [hbm:s5], s20  }
0x9e: {  	_ =	swait.ge [sflag:s22], s20  }
0x9f: {  	s4 =	ssub.s32 $0x0, s20;
	[sflag:s22] =	ssyncset.done $0x0  }
0xa0: {  	[sflag:s22] =	ssyncadd.s32 s4;
	_ =	sdelay $0x1  }
0xa1: {  	s23 =	simm.s32 $0x1B8B  }
0xa2: {  	_ =	swait.ge [sflag:s23], $0x1  }
0xa3: {  	[sflag:s23] =	ssyncset.done $0x0  }
0xa4: {  	s25 =	simm.s32 $0x1B8E;
	s24 =	sld [smem:$0x3FFE];
	[sflag:s23] =	ssyncadd.s32 $0xFFFFFFFF  }
0xa5: {  	s26 =	simm.s32 $execute0_lowered;
	[smem:$0x3FD2] =	sst s25  }
0xa6: {  	s5 =	sshll.u32 s26, $0x1;
	_ =	strace $0x80000046;
	[dreg:$0x1] =	wrdreg $0xFFFFFFFF  }
0xa7: {  	s28 =	simm.s32 $_size_execute0_lowered;
	s3 =	sadd.s32 s3, s5;
	[dreg:$0x0] =	wrdreg $0x0  }
0xa8: {  	s5 =	sshll.u32 s28, $0x1;
	[dreg:$0x2] =	wrdreg s3  }
0xa9: {  	[dreg:$0x3] =	wrdreg s5  }
0xaa: {  	[dreg:$0x4] =	wrdreg $0xC0  }
0xab: {  	_ =	task [dreg:s7], $0x5FFFF  }
0xac: {  	[dreg:$0x1] =	wrdreg $0xFFFFFFFF  }
0xad: {  	[dreg:$0x0] =	wrdreg $0x60  }
0xae: {  	[dreg:$0x2] =	wrdreg s2  }
0xaf: {  	[dreg:$0x3] =	wrdreg s24  }
0xb0: {  	[dreg:$0x4] =	wrdreg $0x48000  }
0xb1: {  	[dreg:$0x5] =	wrdreg $0xE6000  }
0xb2: {  	[dreg:$0x6] =	wrdreg $0x9  }
0xb3: {  	_ =	task.clear_ibuf [dreg:s7], $0x7FFFF;
	_ =	strace $0x90000046  }
0xb4: {  	s29 =	simm.s32 $0x9;
	_ =	strace $0x80000048  }
0xb5: {  	_ =	swait.ge [sflag:s29], $0x1  }
0xb6: {  	[sflag:s29] =	ssyncadd.s32 $0xFFFFFFFF  }
0xb7: {  	_ =	strace $0x90000048  }
0xb8: {  	_ =	sfence  }
0xb9: {  	s30 =	sld [smem:$0x0];
	_ =	sdelay $0x2  }
0xba: {  	s31 =	sshll.u32 s1, $0xD;
	s1 =	sshrl.u32 s1, $0x2  }
0xbb: {  	s3 =	sand.u32 $0x4000, s31;
	s1 =	sadd.s32 s1, s30  }
0xbc: {  	s0 =	sor.u32 s3, s0;
	s1 =	sshll.u32 s1, $0x11  }
0xbd: {  	s0 =	sor.u32 s1, s0  }
0xbe: {  	s0 =	sadd.s32 $0x8F2B, s0  }
0xbf: {  	[sflag:s0] =	ssyncadd.remote.s32 $0x1  }
0xc0: {  	_ =	sfence.sel $0xFFFF  }
0xc1: {  	[dreg:$0x0] =	wrdreg $0xFFFFFFFF;
	(pc) =	sbr.abs _section_cstart, $3  }
0xc2: {  	[dreg:$0x1] =	wrdreg $0xFFFFFFFF  }
0xc3: {  	_ =	task.clear_ibuf [dreg:s7], $0x2FFFF;
	_ =	strace $0x9FFFFFFF  }
0xc4: {  	(tm) =	ssettm $0x7FFFFFFF  }
0xc5: {  	_ =	shalt  }
tec
execute0_lowered:
.L_overlay_start_1:
0x0: {  	(tag) =	ssettag $0x1  }
0x1: {  	s0 =	rddreg [dreg:$0x0]  }
0x2: {  	s1 =	rddreg [dreg:$0x1]  }
0x3: {  	s2 =	rddreg [dreg:$0x2]  }
0x4: {  	s3 =	rddreg [dreg:$0x3];
	s4 =	simm.s32 $0x0;
	s16 =	stileid.u32  }
0x5: {  	s7 =	srdreg.scid;
	s28 =	simm.s32 $0x3800;
	s29 =	simm.s32 $0x3  }
0x6: {  	s30 =	simm.s32 $0x7;
	[smem:$0x7FF] =	sst s4;
	s5 =	smul.u32 $0x9E00, s16  }
0x7: {  	s6 =	sadd.s32 $0x1C00, s1;
	s8 =	sadd.s32 $0x1F800, s1;
	s7 =	sand.u32 $0x1, s7  }
0x8: {  	s10 =	sadd.s32 $0x15800, s1;
	s13 =	sadd.s32 $0x3D400, s1;
	s15 =	smul.u32 $0x5000, s16  }
0x9: {  	s21 =	smul.u32 $0xA00, s16;
	s23 =	sshll.u32 s16, $0x6;
	_ =	strace $0x80000047  }
0xa: {  	s12 =	ssub.s32 $0x2, s7;
	p0 =	seq.s32 s7, $0x0;
	s26 =	sor.u32 $0x1C0B, s23  }
0xb: {  	s7 =	simm.s32 $0x5;
	s9 =	sshrl.u32 s5, $0x3;
	s14 =	sshrl.u32 s12, $0x1  }
0xc: {  	s31 =	sadd.s32 s5, s2;
	s5 =	sadd.s32 s5, s3;
	s17 =	sshrl.u32 s15, $0x3  }
0xd: {  	s6 =	smov.u32 @p0 s0;
	s24 =	sadd.s32 s21, s10;
	s25 =	sadd.s32 s21, s8  }
0xe: {  	[dreg:$0xe] =	wrdreg s26;
	s21 =	simm.s32 $0x40;
	s11 =	sadd.s32 s9, s1  }
0xf: {  	s1 =	sadd.s32 $0x51000, s1;
	s12 =	ssub.s32 s12, s14;
	[dreg:$0x5] =	wrdreg s24  }
0x10: {  	s18 =	sadd.s32 s8, s17;
	s19 =	sor.u32 $0x40, s17;
	[dreg:$0x6] =	wrdreg s25  }
0x11: {  	s14 =	sadd.s32 s10, s17;
	s0 =	sadd.s32 s6, s9;
	[dreg:$0x8] =	wrdreg s18  }
0x12: {  	s31 =	sshrl.u32 s31, $0x3;
	s24 =	sor.u32 $0x1C0C, s23;
	[dreg:$0x9] =	wrdreg s14  }
0x13: {  	s26 =	sshrl.u32 s5, $0x3;
	s23 =	simm.s32 $0x1800;
	[dreg:$0xd] =	wrdreg s0  }
0x14: {  	s25 =	simm.s32 $0x2800;
	s5 =	simm.s32 $0x8;
	[dreg:$0x10] =	wrdreg s31  }
0x15: {  	s17 =	simm.s32 $0x2;
	s11 =	sadd.s32 $0x29800, s11;
	[dreg:$0x11] =	wrdreg s24  }
0x16: {  	s20 =	sadd.s32 s8, s19;
	s22 =	smax.u32 s12, $0x1;
	[dreg:$0x12] =	wrdreg s26  }
0x17: {  	s1 =	smov.u32 @p0 s13;
	s0 =	simm.s32 $0x4;
	[dreg:$0x7] =	wrdreg s11  }
0x18: {  	s13 =	simm.s32 $0x200;
	s14 =	simm.s32 $0x600;
	[dreg:$0xa] =	wrdreg s20  }
0x19: {  	s18 =	simm.s32 $0xA;
	s11 =	sadd.s32 s10, s19;
	[dreg:$0xc] =	wrdreg s22  }
0x1a: {  	s1 =	sadd.s32 s1, s9;
	s19 =	simm.s32 $0x400;
	s20 =	simm.s32 $0x1  }
0x1b: {  	s22 =	simm.s32 $0x800;
	s9 =	simm.s32 $0x9;
	[dreg:$0xb] =	wrdreg s11  }
0x1c: {  	[dreg:$0xf] =	wrdreg s1;
	s11 =	simm.s32 $0x6;
	s1 =	simm.s32 $0x0  }
.LBB2_1:
0x1d: {  	[dreg:$0x13] =	wrdreg s1  }
0x1e: {  	s12 =	rddreg [dreg:$0xd]  }
0x1f: {  	s15 =	rddreg [dreg:$0xe]  }
0x20: {  	s16 =	rddreg [dreg:$0x10]  }
0x21: {  	[spmem:s16], [sflag:s15] =	dma.local [hbm:s12], $0x13C0  }
0x22: {  	s10 =	simm.s32 $0xC;
	s12 =	rddreg [dreg:$0x7]  }
0x23: {  	[spmem:s26], [sflag:s24] =	dma.local [hbm:s12], $0x13C0  }
0x24: {  	_ =	swait.ge [sflag:s10], $0x13C0  }
0x25: {  	[sflag:s10] =	ssyncset.done $0x0  }
0x26: {  	s24 =	simm.s32 $0xB;
	[sflag:s10] =	ssyncadd.s32 $0xFFFFEC40  }
0x27: {  	_ =	swait.ge [sflag:s24], $0x13C0  }
0x28: {  	[sflag:s24] =	ssyncset.done $0x0  }
0x29: {  	[sflag:s24] =	ssyncadd.s32 $0xFFFFEC40  }
0x2a: {  	[bflag:$0x0] =	sbarrier.arrive $0xFFFF  }
0x2b: {  	s26 =	rddreg [dreg:$0x8]  }
0x2c: {  	[tilespmem:s4], [sflag:$0x1] =	stream.linear.gather [hbm4b:s26+s4], $0x200, $0x38;
	[tilespmem:$0x18400] =	vst v63  }
0x2d: {  	s1 =	rddreg [dreg:$0x9]  }
0x2e: {  	[tilespmem:s19], [sflag:$0x1] =	stream.linear.gather [hbm4b:s1+s4], $0x200, $0x38;
	[tilespmem:$0x18400] =	vst v63  }
0x2f: {  	_ =	swait.ge [sflag:s20], $0x200  }
0x30: {  	[sflag:s20] =	ssyncset.done $0x0  }
0x31: {  	[sflag:s20] =	ssyncadd.s32 $0xFFFFFE00  }
0x32: {  	_ =	swait.ge [sflag:s20], $0x200  }
0x33: {  	[sflag:s20] =	ssyncset.done $0x0  }
0x34: {  	[sflag:s20] =	ssyncadd.s32 $0xFFFFFE00  }
0x35: {  	[tilespmem:s22], [sflag:$0x3] =	stream.indirect.gather [spmem:s2], $0x40, s4, s21, $0xb8;
	[tilespmem:$0x18400] =	vst v63  }
0x36: {  	_ = 	snop  }
0x37: {  	[tilespmem:s23], [sflag:$0x4] =	stream.indirect.gather [spmem:s2], $0x40, s21, s21, $0xb8;
	[tilespmem:$0x18400] =	vst v63  }
0x38: {  	s24 =	simm.s32 $0x80  }
0x39: {  	[tilespmem:s25], [sflag:$0x5] =	stream.indirect.gather [spmem:s2], $0x40, s24, s21, $0xb8;
	[tilespmem:$0x18400] =	vst v63  }
0x3a: {  	s26 =	simm.s32 $0xC0  }
0x3b: {  	[tilespmem:s28], [sflag:$0x6] =	stream.indirect.gather [spmem:s2], $0x40, s26, s21, $0xb8;
	[tilespmem:$0x18400] =	vst v63  }
0x3c: {  	_ =	swait.ge [sflag:s29], $0x1000  }
0x3d: {  	[sflag:s29] =	ssyncset.done $0x0  }
0x3e: {  	[sflag:s29] =	ssyncadd.s32 $0xFFFFF000  }
0x3f: {  	[spmem:s3] =	stream.indirect.scatter.add.f32 [tilespmem:s22], [sflag:$0x7], $0x40, s19, s21, $0xb8;
	[tilespmem:$0x18400] =	vst v63  }
0x40: {  	_ =	swait.ge [sflag:s30], $0x1000  }
0x41: {  	[sflag:s30] =	ssyncset.done $0x0  }
0x42: {  	s10 =	simm.s32 $0x100;
	[sflag:s30] =	ssyncadd.s32 $0xFFFFF000  }
0x43: {  	[tilespmem:s22], [sflag:$0x3] =	stream.indirect.gather [spmem:s2], $0x40, s10, s21, $0xb8;
	[tilespmem:$0x18400] =	vst v63  }
0x44: {  	_ =	swait.ge [sflag:s0], $0x1000  }
0x45: {  	[sflag:s0] =	ssyncset.done $0x0  }
0x46: {  	s6 =	simm.s32 $0x440;
	[sflag:s0] =	ssyncadd.s32 $0xFFFFF000  }
0x47: {  	[spmem:s3] =	stream.indirect.scatter.add.f32 [tilespmem:s23], [sflag:$0x8], $0x40, s6, s21, $0xb8;
	[tilespmem:$0x18400] =	vst v63  }
0x48: {  	_ =	swait.ge [sflag:s5], $0x1000  }
0x49: {  	[sflag:s5] =	ssyncset.done $0x0  }
0x4a: {  	s8 =	simm.s32 $0x140;
	[sflag:s5] =	ssyncadd.s32 $0xFFFFF000  }
0x4b: {  	[tilespmem:s23], [sflag:$0x4] =	stream.indirect.gather [spmem:s2], $0x40, s8, s21, $0xb8;
	[tilespmem:$0x18400] =	vst v63  }
0x4c: {  	_ =	swait.ge [sflag:s7], $0x1000  }
0x4d: {  	[sflag:s7] =	ssyncset.done $0x0  }
0x4e: {  	s12 =	simm.s32 $0x480;
	[sflag:s7] =	ssyncadd.s32 $0xFFFFF000  }
0x4f: {  	[spmem:s3] =	stream.indirect.scatter.add.f32 [tilespmem:s25], [sflag:$0x9], $0x40, s12, s21, $0xb8;
	[tilespmem:$0x18400] =	vst v63  }
0x50: {  	_ =	swait.ge [sflag:s9], $0x1000  }
0x51: {  	[sflag:s9] =	ssyncset.done $0x0  }
0x52: {  	s15 =	simm.s32 $0x180;
	[sflag:s9] =	ssyncadd.s32 $0xFFFFF000  }
0x53: {  	[tilespmem:s25], [sflag:$0x5] =	stream.indirect.gather [spmem:s2], $0x40, s15, s21, $0xb8;
	[tilespmem:$0x18400] =	vst v63  }
0x54: {  	_ =	swait.ge [sflag:s11], $0x1000  }
0x55: {  	[sflag:s11] =	ssyncset.done $0x0  }
0x56: {  	s16 =	simm.s32 $0x4C0;
	[sflag:s11] =	ssyncadd.s32 $0xFFFFF000  }
0x57: {  	[spmem:s3] =	stream.indirect.scatter.add.f32 [tilespmem:s28], [sflag:$0xA], $0x40, s16, s21, $0xb8;
	[tilespmem:$0x18400] =	vst v63  }
0x58: {  	s6 =	rddreg [dreg:$0xa]  }
0x59: {  	[tilespmem:s13], [sflag:$0x2] =	stream.linear.gather [hbm4b:s6+s4], $0x200, $0x38;
	[tilespmem:$0x18400] =	vst v63  }
0x5a: {  	s8 =	rddreg [dreg:$0xb]  }
0x5b: {  	[tilespmem:s14], [sflag:$0x2] =	stream.linear.gather [hbm4b:s8+s4], $0x200, $0x38;
	[tilespmem:$0x18400] =	vst v63  }
0x5c: {  	_ =	swait.ge [sflag:s18], $0x1000  }
0x5d: {  	[sflag:s18] =	ssyncset.done $0x0  }
0x5e: {  	s1 =	simm.s32 $0x1C0;
	[sflag:s18] =	ssyncadd.s32 $0xFFFFF000  }
0x5f: {  	[tilespmem:s28], [sflag:$0x6] =	stream.indirect.gather [spmem:s2], $0x40, s1, s21, $0xb8;
	[tilespmem:$0x18400] =	vst v63  }
0x60: {  	_ =	swait.ge [sflag:s29], $0x1000  }
0x61: {  	[sflag:s29] =	ssyncset.done $0x0  }
0x62: {  	s6 =	simm.s32 $0x500;
	[sflag:s29] =	ssyncadd.s32 $0xFFFFF000  }
0x63: {  	[spmem:s3] =	stream.indirect.scatter.add.f32 [tilespmem:s22], [sflag:$0x7], $0x40, s6, s21, $0xb8;
	[tilespmem:$0x18400] =	vst v63  }
0x64: {  	_ =	swait.ge [sflag:s30], $0x1000  }
0x65: {  	[sflag:s30] =	ssyncset.done $0x0  }
0x66: {  	[sflag:s30] =	ssyncadd.s32 $0xFFFFF000  }
0x67: {  	_ =	swait.ge [sflag:s17], $0x200  }
0x68: {  	[sflag:s17] =	ssyncset.done $0x0  }
0x69: {  	[sflag:s17] =	ssyncadd.s32 $0xFFFFFE00  }
0x6a: {  	_ =	swait.ge [sflag:s17], $0x200  }
0x6b: {  	[sflag:s17] =	ssyncset.done $0x0  }
0x6c: {  	[sflag:s17] =	ssyncadd.s32 $0xFFFFFE00  }
0x6d: {  	[tilespmem:s22], [sflag:$0x3] =	stream.indirect.gather [spmem:s2], $0x40, s13, s21, $0xb8;
	[tilespmem:$0x18400] =	vst v63  }
0x6e: {  	_ =	swait.ge [sflag:s0], $0x1000  }
0x6f: {  	[sflag:s0] =	ssyncset.done $0x0  }
0x70: {  	s31 =	simm.s32 $0x540;
	[sflag:s0] =	ssyncadd.s32 $0xFFFFF000  }
0x71: {  	[spmem:s3] =	stream.indirect.scatter.add.f32 [tilespmem:s23], [sflag:$0x8], $0x40, s31, s21, $0xb8;
	[tilespmem:$0x18400] =	vst v63  }
0x72: {  	_ =	swait.ge [sflag:s5], $0x1000  }
0x73: {  	[sflag:s5] =	ssyncset.done $0x0  }
0x74: {  	s8 =	simm.s32 $0x240;
	[sflag:s5] =	ssyncadd.s32 $0xFFFFF000  }
0x75: {  	[tilespmem:s23], [sflag:$0x4] =	stream.indirect.gather [spmem:s2], $0x40, s8, s21, $0xb8;
	[tilespmem:$0x18400] =	vst v63  }
0x76: {  	_ =	swait.ge [sflag:s7], $0x1000  }
0x77: {  	[sflag:s7] =	ssyncset.done $0x0  }
0x78: {  	s12 =	simm.s32 $0x580;
	[sflag:s7] =	ssyncadd.s32 $0xFFFFF000  }
0x79: {  	[spmem:s3] =	stream.indirect.scatter.add.f32 [tilespmem:s25], [sflag:$0x9], $0x40, s12, s21, $0xb8;
	[tilespmem:$0x18400] =	vst v63  }
0x7a: {  	_ =	swait.ge [sflag:s9], $0x1000  }
0x7b: {  	[sflag:s9] =	ssyncset.done $0x0  }
0x7c: {  	s15 =	simm.s32 $0x280;
	[sflag:s9] =	ssyncadd.s32 $0xFFFFF000  }
0x7d: {  	[tilespmem:s25], [sflag:$0x5] =	stream.indirect.gather [spmem:s2], $0x40, s15, s21, $0xb8;
	[tilespmem:$0x18400] =	vst v63  }
0x7e: {  	_ =	swait.ge [sflag:s11], $0x1000  }
0x7f: {  	[sflag:s11] =	ssyncset.done $0x0  }
0x80: {  	s16 =	simm.s32 $0x5C0;
	[sflag:s11] =	ssyncadd.s32 $0xFFFFF000  }
0x81: {  	[spmem:s3] =	stream.indirect.scatter.add.f32 [tilespmem:s28], [sflag:$0xA], $0x40, s16, s21, $0xb8;
	[tilespmem:$0x18400] =	vst v63  }
0x82: {  	_ =	swait.ge [sflag:s18], $0x1000  }
0x83: {  	[sflag:s18] =	ssyncset.done $0x0  }
0x84: {  	s8 =	simm.s32 $0x2C0;
	[sflag:s18] =	ssyncadd.s32 $0xFFFFF000  }
0x85: {  	[tilespmem:s28], [sflag:$0x6] =	stream.indirect.gather [spmem:s2], $0x40, s8, s21, $0xb8;
	[tilespmem:$0x18400] =	vst v63  }
0x86: {  	_ =	swait.ge [sflag:s29], $0x1000  }
0x87: {  	[sflag:s29] =	ssyncset.done $0x0  }
0x88: {  	[sflag:s29] =	ssyncadd.s32 $0xFFFFF000  }
0x89: {  	[spmem:s3] =	stream.indirect.scatter.add.f32 [tilespmem:s22], [sflag:$0x7], $0x40, s14, s21, $0xb8;
	[tilespmem:$0x18400] =	vst v63  }
0x8a: {  	_ =	swait.ge [sflag:s30], $0x1000  }
0x8b: {  	[sflag:s30] =	ssyncset.done $0x0  }
0x8c: {  	s15 =	simm.s32 $0x300;
	[sflag:s30] =	ssyncadd.s32 $0xFFFFF000  }
0x8d: {  	[tilespmem:s22], [sflag:$0x3] =	stream.indirect.gather [spmem:s2], $0x40, s15, s21, $0xb8;
	[tilespmem:$0x18400] =	vst v63  }
0x8e: {  	_ =	swait.ge [sflag:s0], $0x1000  }
0x8f: {  	[sflag:s0] =	ssyncset.done $0x0  }
0x90: {  	s16 =	simm.s32 $0x640;
	[sflag:s0] =	ssyncadd.s32 $0xFFFFF000  }
0x91: {  	[spmem:s3] =	stream.indirect.scatter.add.f32 [tilespmem:s23], [sflag:$0x8], $0x40, s16, s21, $0xb8;
	[tilespmem:$0x18400] =	vst v63  }
0x92: {  	_ =	swait.ge [sflag:s5], $0x1000  }
0x93: {  	[sflag:s5] =	ssyncset.done $0x0  }
0x94: {  	s8 =	simm.s32 $0x340;
	[sflag:s5] =	ssyncadd.s32 $0xFFFFF000  }
0x95: {  	[tilespmem:s23], [sflag:$0x4] =	stream.indirect.gather [spmem:s2], $0x40, s8, s21, $0xb8;
	[tilespmem:$0x18400] =	vst v63  }
0x96: {  	_ =	swait.ge [sflag:s7], $0x1000  }
0x97: {  	[sflag:s7] =	ssyncset.done $0x0  }
0x98: {  	s15 =	simm.s32 $0x680;
	[sflag:s7] =	ssyncadd.s32 $0xFFFFF000  }
0x99: {  	[spmem:s3] =	stream.indirect.scatter.add.f32 [tilespmem:s25], [sflag:$0x9], $0x40, s15, s21, $0xb8;
	[tilespmem:$0x18400] =	vst v63  }
0x9a: {  	_ =	swait.ge [sflag:s9], $0x1000  }
0x9b: {  	[sflag:s9] =	ssyncset.done $0x0  }
0x9c: {  	s16 =	simm.s32 $0x380;
	[sflag:s9] =	ssyncadd.s32 $0xFFFFF000  }
0x9d: {  	[tilespmem:s25], [sflag:$0x5] =	stream.indirect.gather [spmem:s2], $0x40, s16, s21, $0xb8;
	[tilespmem:$0x18400] =	vst v63  }
0x9e: {  	_ =	swait.ge [sflag:s11], $0x1000  }
0x9f: {  	s8 =	simm.s32 $0x6C0;
	[sflag:s11] =	ssyncset.done $0x0;
	s12 =	rddreg [dreg:$0x6]  }
0xa0: {  	s15 =	rddreg [dreg:$0x5];
	[sflag:s11] =	ssyncadd.s32 $0xFFFFF000;
	s12 =	sadd.s32 $0xFFFFF680, s12  }
0xa1: {  	[spmem:s3] =	stream.indirect.scatter.add.f32 [tilespmem:s28], [sflag:$0xA], $0x40, s8, s21, $0xb8;
	[tilespmem:$0x18400] =	vst v63  }
0xa2: {  	s15 =	sadd.s32 $0xFFFFF680, s15;
	s8 =	sadd.s32 $0xA00, s12  }
0xa3: {  	[tilespmem:s4], [sflag:$0x1] =	stream.linear.gather [hbm4b:s8+s4], $0x200, $0x38;
	[tilespmem:$0x18400] =	vst v63  }
0xa4: {  	s8 =	sadd.s32 $0xA00, s15  }
0xa5: {  	[tilespmem:s19], [sflag:$0x1] =	stream.linear.gather [hbm4b:s8+s4], $0x200, $0x38;
	[tilespmem:$0x18400] =	vst v63  }
0xa6: {  	_ =	swait.ge [sflag:s18], $0x1000  }
0xa7: {  	[sflag:s18] =	ssyncset.done $0x0  }
0xa8: {  	s8 =	simm.s32 $0x3C0;
	[sflag:s18] =	ssyncadd.s32 $0xFFFFF000  }
0xa9: {  	[tilespmem:s28], [sflag:$0x6] =	stream.indirect.gather [spmem:s2], $0x40, s8, s21, $0xb8;
	[tilespmem:$0x18400] =	vst v63  }
0xaa: {  	_ =	swait.ge [sflag:s29], $0x1000  }
0xab: {  	[sflag:s29] =	ssyncset.done $0x0  }
0xac: {  	s8 =	simm.s32 $0x700;
	[sflag:s29] =	ssyncadd.s32 $0xFFFFF000  }
0xad: {  	[spmem:s3] =	stream.indirect.scatter.add.f32 [tilespmem:s22], [sflag:$0x7], $0x40, s8, s21, $0xb8;
	[tilespmem:$0x18400] =	vst v63  }
0xae: {  	_ =	swait.ge [sflag:s30], $0x1000  }
0xaf: {  	[sflag:s30] =	ssyncset.done $0x0  }
0xb0: {  	[sflag:s30] =	ssyncadd.s32 $0xFFFFF000  }
0xb1: {  	_ =	swait.ge [sflag:s20], $0x200  }
0xb2: {  	[sflag:s20] =	ssyncset.done $0x0  }
0xb3: {  	[sflag:s20] =	ssyncadd.s32 $0xFFFFFE00  }
0xb4: {  	_ =	swait.ge [sflag:s20], $0x200  }
0xb5: {  	[sflag:s20] =	ssyncset.done $0x0  }
0xb6: {  	[sflag:s20] =	ssyncadd.s32 $0xFFFFFE00  }
0xb7: {  	[tilespmem:s22], [sflag:$0x3] =	stream.indirect.gather [spmem:s2], $0x40, s4, s21, $0xb8;
	[tilespmem:$0x18400] =	vst v63  }
0xb8: {  	_ =	swait.ge [sflag:s0], $0x1000  }
0xb9: {  	[sflag:s0] =	ssyncset.done $0x0  }
0xba: {  	s8 =	simm.s32 $0x740;
	[sflag:s0] =	ssyncadd.s32 $0xFFFFF000  }
0xbb: {  	[spmem:s3] =	stream.indirect.scatter.add.f32 [tilespmem:s23], [sflag:$0x8], $0x40, s8, s21, $0xb8;
	[tilespmem:$0x18400] =	vst v63  }
0xbc: {  	_ =	swait.ge [sflag:s5], $0x1000  }
0xbd: {  	[sflag:s5] =	ssyncset.done $0x0  }
0xbe: {  	[sflag:s5] =	ssyncadd.s32 $0xFFFFF000  }
0xbf: {  	[tilespmem:s23], [sflag:$0x4] =	stream.indirect.gather [spmem:s2], $0x40, s21, s21, $0xb8;
	[tilespmem:$0x18400] =	vst v63  }
0xc0: {  	_ =	swait.ge [sflag:s7], $0x1000  }
0xc1: {  	[sflag:s7] =	ssyncset.done $0x0  }
0xc2: {  	s8 =	simm.s32 $0x780;
	[sflag:s7] =	ssyncadd.s32 $0xFFFFF000  }
0xc3: {  	[spmem:s3] =	stream.indirect.scatter.add.f32 [tilespmem:s25], [sflag:$0x9], $0x40, s8, s21, $0xb8;
	[tilespmem:$0x18400] =	vst v63  }
0xc4: {  	_ =	swait.ge [sflag:s9], $0x1000  }
0xc5: {  	[sflag:s9] =	ssyncset.done $0x0  }
0xc6: {  	[sflag:s9] =	ssyncadd.s32 $0xFFFFF000  }
0xc7: {  	[tilespmem:s25], [sflag:$0x5] =	stream.indirect.gather [spmem:s2], $0x40, s24, s21, $0xb8;
	[tilespmem:$0x18400] =	vst v63  }
0xc8: {  	_ =	swait.ge [sflag:s11], $0x1000  }
0xc9: {  	[sflag:s11] =	ssyncset.done $0x0  }
0xca: {  	s8 =	simm.s32 $0x7C0;
	[sflag:s11] =	ssyncadd.s32 $0xFFFFF000  }
0xcb: {  	[spmem:s3] =	stream.indirect.scatter.add.f32 [tilespmem:s28], [sflag:$0xA], $0x40, s8, s21, $0xb8;
	[tilespmem:$0x18400] =	vst v63  }
0xcc: {  	_ =	swait.ge [sflag:s18], $0x1000  }
0xcd: {  	[sflag:s18] =	ssyncset.done $0x0  }
0xce: {  	[sflag:s18] =	ssyncadd.s32 $0xFFFFF000  }
0xcf: {  	[tilespmem:s28], [sflag:$0x6] =	stream.indirect.gather [spmem:s2], $0x40, s26, s21, $0xb8;
	[tilespmem:$0x18400] =	vst v63  }
0xd0: {  	_ =	swait.ge [sflag:s29], $0x1000  }
0xd1: {  	[sflag:s29] =	ssyncset.done $0x0  }
0xd2: {  	[sflag:s29] =	ssyncadd.s32 $0xFFFFF000  }
0xd3: {  	[spmem:s3] =	stream.indirect.scatter.add.f32 [tilespmem:s22], [sflag:$0x7], $0x40, s19, s21, $0xb8;
	[tilespmem:$0x18400] =	vst v63  }
0xd4: {  	_ =	swait.ge [sflag:s30], $0x1000  }
0xd5: {  	[sflag:s30] =	ssyncset.done $0x0  }
0xd6: {  	[sflag:s30] =	ssyncadd.s32 $0xFFFFF000  }
0xd7: {  	[tilespmem:s22], [sflag:$0x3] =	stream.indirect.gather [spmem:s2], $0x40, s10, s21, $0xb8;
	[tilespmem:$0x18400] =	vst v63  }
0xd8: {  	_ =	swait.ge [sflag:s0], $0x1000  }
0xd9: {  	[sflag:s0] =	ssyncset.done $0x0  }
0xda: {  	s10 =	simm.s32 $0x440;
	[sflag:s0] =	ssyncadd.s32 $0xFFFFF000  }
0xdb: {  	[spmem:s3] =	stream.indirect.scatter.add.f32 [tilespmem:s23], [sflag:$0x8], $0x40, s10, s21, $0xb8;
	[tilespmem:$0x18400] =	vst v63  }
0xdc: {  	_ =	swait.ge [sflag:s5], $0x1000  }
0xdd: {  	[sflag:s5] =	ssyncset.done $0x0  }
0xde: {  	s16 =	simm.s32 $0x140;
	[sflag:s5] =	ssyncadd.s32 $0xFFFFF000  }
0xdf: {  	[tilespmem:s23], [sflag:$0x4] =	stream.indirect.gather [spmem:s2], $0x40, s16, s21, $0xb8;
	[tilespmem:$0x18400] =	vst v63  }
0xe0: {  	_ =	swait.ge [sflag:s7], $0x1000  }
0xe1: {  	[sflag:s7] =	ssyncset.done $0x0  }
0xe2: {  	s24 =	simm.s32 $0x480;
	[sflag:s7] =	ssyncadd.s32 $0xFFFFF000  }
0xe3: {  	[spmem:s3] =	stream.indirect.scatter.add.f32 [tilespmem:s25], [sflag:$0x9], $0x40, s24, s21, $0xb8;
	[tilespmem:$0x18400] =	vst v63  }
0xe4: {  	_ =	swait.ge [sflag:s9], $0x1000  }
0xe5: {  	[sflag:s9] =	ssyncset.done $0x0  }
0xe6: {  	s26 =	simm.s32 $0x180;
	[sflag:s9] =	ssyncadd.s32 $0xFFFFF000  }
0xe7: {  	[tilespmem:s25], [sflag:$0x5] =	stream.indirect.gather [spmem:s2], $0x40, s26, s21, $0xb8;
	[tilespmem:$0x18400] =	vst v63  }
0xe8: {  	_ =	swait.ge [sflag:s11], $0x1000  }
0xe9: {  	[sflag:s11] =	ssyncset.done $0x0  }
0xea: {  	s10 =	simm.s32 $0x4C0;
	[sflag:s11] =	ssyncadd.s32 $0xFFFFF000  }
0xeb: {  	[spmem:s3] =	stream.indirect.scatter.add.f32 [tilespmem:s28], [sflag:$0xA], $0x40, s10, s21, $0xb8;
	[tilespmem:$0x18400] =	vst v63  }
0xec: {  	s12 =	sadd.s32 $0xA40, s12  }
0xed: {  	[tilespmem:s13], [sflag:$0x2] =	stream.linear.gather [hbm4b:s12+s4], $0x200, $0x38;
	[tilespmem:$0x18400] =	vst v63  }
0xee: {  	s15 =	sadd.s32 $0xA40, s15  }
0xef: {  	[tilespmem:s14], [sflag:$0x2] =	stream.linear.gather [hbm4b:s15+s4], $0x200, $0x38;
	[tilespmem:$0x18400] =	vst v63  }
0xf0: {  	_ =	swait.ge [sflag:s18], $0x1000  }
0xf1: {  	[sflag:s18] =	ssyncset.done $0x0  }
0xf2: {  	[sflag:s18] =	ssyncadd.s32 $0xFFFFF000  }
0xf3: {  	[tilespmem:s28], [sflag:$0x6] =	stream.indirect.gather [spmem:s2], $0x40, s1, s21, $0xb8;
	[tilespmem:$0x18400] =	vst v63  }
0xf4: {  	_ =	swait.ge [sflag:s29], $0x1000  }
0xf5: {  	[sflag:s29] =	ssyncset.done $0x0  }
0xf6: {  	[sflag:s29] =	ssyncadd.s32 $0xFFFFF000  }
0xf7: {  	[spmem:s3] =	stream.indirect.scatter.add.f32 [tilespmem:s22], [sflag:$0x7], $0x40, s6, s21, $0xb8;
	[tilespmem:$0x18400] =	vst v63  }
0xf8: {  	_ =	swait.ge [sflag:s30], $0x1000  }
0xf9: {  	[sflag:s30] =	ssyncset.done $0x0  }
0xfa: {  	[sflag:s30] =	ssyncadd.s32 $0xFFFFF000  }
0xfb: {  	_ =	swait.ge [sflag:s17], $0x200  }
0xfc: {  	[sflag:s17] =	ssyncset.done $0x0  }
0xfd: {  	[sflag:s17] =	ssyncadd.s32 $0xFFFFFE00  }
0xfe: {  	_ =	swait.ge [sflag:s17], $0x200  }
0xff: {  	[sflag:s17] =	ssyncset.done $0x0  }
0x100: {  	[sflag:s17] =	ssyncadd.s32 $0xFFFFFE00  }
0x101: {  	[tilespmem:s22], [sflag:$0x3] =	stream.indirect.gather [spmem:s2], $0x40, s13, s21, $0xb8;
	[tilespmem:$0x18400] =	vst v63  }
0x102: {  	_ =	swait.ge [sflag:s0], $0x1000  }
0x103: {  	[sflag:s0] =	ssyncset.done $0x0  }
0x104: {  	[sflag:s0] =	ssyncadd.s32 $0xFFFFF000  }
0x105: {  	[spmem:s3] =	stream.indirect.scatter.add.f32 [tilespmem:s23], [sflag:$0x8], $0x40, s31, s21, $0xb8;
	[tilespmem:$0x18400] =	vst v63  }
0x106: {  	_ =	swait.ge [sflag:s5], $0x1000  }
0x107: {  	[sflag:s5] =	ssyncset.done $0x0  }
0x108: {  	s16 =	simm.s32 $0x240;
	[sflag:s5] =	ssyncadd.s32 $0xFFFFF000  }
0x109: {  	[tilespmem:s23], [sflag:$0x4] =	stream.indirect.gather [spmem:s2], $0x40, s16, s21, $0xb8;
	[tilespmem:$0x18400] =	vst v63  }
0x10a: {  	_ =	swait.ge [sflag:s7], $0x1000  }
0x10b: {  	[sflag:s7] =	ssyncset.done $0x0  }
0x10c: {  	s24 =	simm.s32 $0x580;
	[sflag:s7] =	ssyncadd.s32 $0xFFFFF000  }
0x10d: {  	[spmem:s3] =	stream.indirect.scatter.add.f32 [tilespmem:s25], [sflag:$0x9], $0x40, s24, s21, $0xb8;
	[tilespmem:$0x18400] =	vst v63  }
0x10e: {  	_ =	swait.ge [sflag:s9], $0x1000  }
0x10f: {  	[sflag:s9] =	ssyncset.done $0x0  }
0x110: {  	s26 =	simm.s32 $0x280;
	[sflag:s9] =	ssyncadd.s32 $0xFFFFF000  }
0x111: {  	[tilespmem:s25], [sflag:$0x5] =	stream.indirect.gather [spmem:s2], $0x40, s26, s21, $0xb8;
	[tilespmem:$0x18400] =	vst v63  }
0x112: {  	s8 =	simm.s32 $0x500;
	s10 =	simm.s32 $0x540;
	_ =	swait.ge [sflag:s11], $0x1000  }
0x113: {  	s12 =	simm.s32 $0xFFFFF700;
	s1 =	simm.s32 $0x580;
	[sflag:s11] =	ssyncset.done $0x0  }
0x114: {  	s6 =	simm.s32 $0x280;
	s31 =	simm.s32 $0x240;
	[sflag:s11] =	ssyncadd.s32 $0xFFFFF000  }
.LBB2_2:
0x115: {  	s15 =	simm.s32 $0x5C0  }
0x116: {  	[spmem:s3] =	stream.indirect.scatter.add.f32 [tilespmem:s28], [sflag:$0xA], $0x40, s15, s21, $0xb8;
	[tilespmem:$0x18400] =	vst v63  }
0x117: {  	_ =	swait.ge [sflag:s18], $0x1000  }
0x118: {  	[sflag:s18] =	ssyncset.done $0x0  }
0x119: {  	s16 =	simm.s32 $0x2C0;
	[sflag:s18] =	ssyncadd.s32 $0xFFFFF000  }
0x11a: {  	[tilespmem:s28], [sflag:$0x6] =	stream.indirect.gather [spmem:s2], $0x40, s16, s21, $0xb8;
	[tilespmem:$0x18400] =	vst v63  }
0x11b: {  	_ =	swait.ge [sflag:s29], $0x1000  }
0x11c: {  	[sflag:s29] =	ssyncset.done $0x0  }
0x11d: {  	[sflag:s29] =	ssyncadd.s32 $0xFFFFF000  }
0x11e: {  	[spmem:s3] =	stream.indirect.scatter.add.f32 [tilespmem:s22], [sflag:$0x7], $0x40, s14, s21, $0xb8;
	[tilespmem:$0x18400] =	vst v63  }
0x11f: {  	_ =	swait.ge [sflag:s30], $0x1000  }
0x120: {  	[sflag:s30] =	ssyncset.done $0x0  }
0x121: {  	s24 =	simm.s32 $0x300;
	[sflag:s30] =	ssyncadd.s32 $0xFFFFF000  }
0x122: {  	[tilespmem:s22], [sflag:$0x3] =	stream.indirect.gather [spmem:s2], $0x40, s24, s21, $0xb8;
	[tilespmem:$0x18400] =	vst v63  }
0x123: {  	_ =	swait.ge [sflag:s0], $0x1000  }
0x124: {  	[sflag:s0] =	ssyncset.done $0x0  }
0x125: {  	s26 =	simm.s32 $0x640;
	[sflag:s0] =	ssyncadd.s32 $0xFFFFF000  }
0x126: {  	[spmem:s3] =	stream.indirect.scatter.add.f32 [tilespmem:s23], [sflag:$0x8], $0x40, s26, s21, $0xb8;
	[tilespmem:$0x18400] =	vst v63  }
0x127: {  	_ =	swait.ge [sflag:s5], $0x1000  }
0x128: {  	[sflag:s5] =	ssyncset.done $0x0  }
0x129: {  	s24 =	simm.s32 $0x340;
	[sflag:s5] =	ssyncadd.s32 $0xFFFFF000  }
0x12a: {  	[tilespmem:s23], [sflag:$0x4] =	stream.indirect.gather [spmem:s2], $0x40, s24, s21, $0xb8;
	[tilespmem:$0x18400] =	vst v63  }
0x12b: {  	_ =	swait.ge [sflag:s7], $0x1000  }
0x12c: {  	[sflag:s7] =	ssyncset.done $0x0  }
0x12d: {  	s26 =	simm.s32 $0x680;
	[sflag:s7] =	ssyncadd.s32 $0xFFFFF000  }
0x12e: {  	[spmem:s3] =	stream.indirect.scatter.add.f32 [tilespmem:s25], [sflag:$0x9], $0x40, s26, s21, $0xb8;
	[tilespmem:$0x18400] =	vst v63  }
0x12f: {  	_ =	swait.ge [sflag:s9], $0x1000  }
0x130: {  	[sflag:s9] =	ssyncset.done $0x0  }
0x131: {  	s24 =	simm.s32 $0x380;
	[sflag:s9] =	ssyncadd.s32 $0xFFFFF000  }
0x132: {  	[tilespmem:s25], [sflag:$0x5] =	stream.indirect.gather [spmem:s2], $0x40, s24, s21, $0xb8;
	[tilespmem:$0x18400] =	vst v63  }
0x133: {  	s15 =	smov.u32 s12;
	_ =	swait.ge [sflag:s11], $0x1000  }
0x134: {  	s26 =	simm.s32 $0x6C0;
	[sflag:s11] =	ssyncset.done $0x0;
	s16 =	rddreg [dreg:$0x6]  }
0x135: {  	s24 =	rddreg [dreg:$0x5];
	[sflag:s11] =	ssyncadd.s32 $0xFFFFF000;
	s16 =	sadd.s32 s15, s16  }
0x136: {  	[spmem:s3] =	stream.indirect.scatter.add.f32 [tilespmem:s28], [sflag:$0xA], $0x40, s26, s21, $0xb8;
	[tilespmem:$0x18400] =	vst v63  }
0x137: {  	s15 =	sadd.s32 s15, s24;
	s26 =	sadd.s32 $0xA00, s16  }
0x138: {  	[tilespmem:s4], [sflag:$0x1] =	stream.linear.gather [hbm4b:s26+s4], $0x200, $0x38;
	[tilespmem:$0x18400] =	vst v63  }
0x139: {  	s24 =	sadd.s32 $0xA00, s15  }
0x13a: {  	[tilespmem:s19], [sflag:$0x1] =	stream.linear.gather [hbm4b:s24+s4], $0x200, $0x38;
	[tilespmem:$0x18400] =	vst v63  }
0x13b: {  	_ =	swait.ge [sflag:s18], $0x1000  }
0x13c: {  	[sflag:s18] =	ssyncset.done $0x0  }
0x13d: {  	s26 =	simm.s32 $0x3C0;
	[sflag:s18] =	ssyncadd.s32 $0xFFFFF000  }
0x13e: {  	[tilespmem:s28], [sflag:$0x6] =	stream.indirect.gather [spmem:s2], $0x40, s26, s21, $0xb8;
	[tilespmem:$0x18400] =	vst v63  }
0x13f: {  	_ =	swait.ge [sflag:s29], $0x1000  }
0x140: {  	[sflag:s29] =	ssyncset.done $0x0  }
0x141: {  	s26 =	simm.s32 $0x700;
	[sflag:s29] =	ssyncadd.s32 $0xFFFFF000  }
0x142: {  	[spmem:s3] =	stream.indirect.scatter.add.f32 [tilespmem:s22], [sflag:$0x7], $0x40, s26, s21, $0xb8;
	[tilespmem:$0x18400] =	vst v63  }
0x143: {  	_ =	swait.ge [sflag:s30], $0x1000  }
0x144: {  	[sflag:s30] =	ssyncset.done $0x0  }
0x145: {  	[sflag:s30] =	ssyncadd.s32 $0xFFFFF000  }
0x146: {  	_ =	swait.ge [sflag:s20], $0x200  }
0x147: {  	[sflag:s20] =	ssyncset.done $0x0  }
0x148: {  	[sflag:s20] =	ssyncadd.s32 $0xFFFFFE00  }
0x149: {  	_ =	swait.ge [sflag:s20], $0x200  }
0x14a: {  	[sflag:s20] =	ssyncset.done $0x0  }
0x14b: {  	[sflag:s20] =	ssyncadd.s32 $0xFFFFFE00  }
0x14c: {  	[tilespmem:s22], [sflag:$0x3] =	stream.indirect.gather [spmem:s2], $0x40, s4, s21, $0xb8;
	[tilespmem:$0x18400] =	vst v63  }
0x14d: {  	_ =	swait.ge [sflag:s0], $0x1000  }
0x14e: {  	[sflag:s0] =	ssyncset.done $0x0  }
0x14f: {  	s26 =	simm.s32 $0x740;
	[sflag:s0] =	ssyncadd.s32 $0xFFFFF000  }
0x150: {  	[spmem:s3] =	stream.indirect.scatter.add.f32 [tilespmem:s23], [sflag:$0x8], $0x40, s26, s21, $0xb8;
	[tilespmem:$0x18400] =	vst v63  }
0x151: {  	_ =	swait.ge [sflag:s5], $0x1000  }
0x152: {  	[sflag:s5] =	ssyncset.done $0x0  }
0x153: {  	[sflag:s5] =	ssyncadd.s32 $0xFFFFF000  }
0x154: {  	[tilespmem:s23], [sflag:$0x4] =	stream.indirect.gather [spmem:s2], $0x40, s21, s21, $0xb8;
	[tilespmem:$0x18400] =	vst v63  }
0x155: {  	_ =	swait.ge [sflag:s7], $0x1000  }
0x156: {  	[sflag:s7] =	ssyncset.done $0x0  }
0x157: {  	s26 =	simm.s32 $0x780;
	[sflag:s7] =	ssyncadd.s32 $0xFFFFF000  }
0x158: {  	[spmem:s3] =	stream.indirect.scatter.add.f32 [tilespmem:s25], [sflag:$0x9], $0x40, s26, s21, $0xb8;
	[tilespmem:$0x18400] =	vst v63  }
0x159: {  	_ =	swait.ge [sflag:s9], $0x1000  }
0x15a: {  	[sflag:s9] =	ssyncset.done $0x0  }
0x15b: {  	s26 =	simm.s32 $0x80;
	[sflag:s9] =	ssyncadd.s32 $0xFFFFF000  }
0x15c: {  	[tilespmem:s25], [sflag:$0x5] =	stream.indirect.gather [spmem:s2], $0x40, s26, s21, $0xb8;
	[tilespmem:$0x18400] =	vst v63  }
0x15d: {  	_ =	swait.ge [sflag:s11], $0x1000  }
0x15e: {  	[sflag:s11] =	ssyncset.done $0x0  }
0x15f: {  	s26 =	simm.s32 $0x7C0;
	[sflag:s11] =	ssyncadd.s32 $0xFFFFF000  }
0x160: {  	[spmem:s3] =	stream.indirect.scatter.add.f32 [tilespmem:s28], [sflag:$0xA], $0x40, s26, s21, $0xb8;
	[tilespmem:$0x18400] =	vst v63  }
0x161: {  	_ =	swait.ge [sflag:s18], $0x1000  }
0x162: {  	[sflag:s18] =	ssyncset.done $0x0  }
0x163: {  	s26 =	simm.s32 $0xC0;
	[sflag:s18] =	ssyncadd.s32 $0xFFFFF000  }
0x164: {  	[tilespmem:s28], [sflag:$0x6] =	stream.indirect.gather [spmem:s2], $0x40, s26, s21, $0xb8;
	[tilespmem:$0x18400] =	vst v63  }
0x165: {  	_ =	swait.ge [sflag:s29], $0x1000  }
0x166: {  	[sflag:s29] =	ssyncset.done $0x0  }
0x167: {  	[sflag:s29] =	ssyncadd.s32 $0xFFFFF000  }
0x168: {  	[spmem:s3] =	stream.indirect.scatter.add.f32 [tilespmem:s22], [sflag:$0x7], $0x40, s19, s21, $0xb8;
	[tilespmem:$0x18400] =	vst v63  }
0x169: {  	_ =	swait.ge [sflag:s30], $0x1000  }
0x16a: {  	[sflag:s30] =	ssyncset.done $0x0  }
0x16b: {  	s26 =	simm.s32 $0x100;
	[sflag:s30] =	ssyncadd.s32 $0xFFFFF000  }
0x16c: {  	[tilespmem:s22], [sflag:$0x3] =	stream.indirect.gather [spmem:s2], $0x40, s26, s21, $0xb8;
	[tilespmem:$0x18400] =	vst v63  }
0x16d: {  	_ =	swait.ge [sflag:s0], $0x1000  }
0x16e: {  	[sflag:s0] =	ssyncset.done $0x0  }
0x16f: {  	s26 =	simm.s32 $0x440;
	[sflag:s0] =	ssyncadd.s32 $0xFFFFF000  }
0x170: {  	[spmem:s3] =	stream.indirect.scatter.add.f32 [tilespmem:s23], [sflag:$0x8], $0x40, s26, s21, $0xb8;
	[tilespmem:$0x18400] =	vst v63  }
0x171: {  	_ =	swait.ge [sflag:s5], $0x1000  }
0x172: {  	[sflag:s5] =	ssyncset.done $0x0  }
0x173: {  	s26 =	simm.s32 $0x140;
	[sflag:s5] =	ssyncadd.s32 $0xFFFFF000  }
0x174: {  	[tilespmem:s23], [sflag:$0x4] =	stream.indirect.gather [spmem:s2], $0x40, s26, s21, $0xb8;
	[tilespmem:$0x18400] =	vst v63  }
0x175: {  	_ =	swait.ge [sflag:s7], $0x1000  }
0x176: {  	[sflag:s7] =	ssyncset.done $0x0  }
0x177: {  	s26 =	simm.s32 $0x480;
	[sflag:s7] =	ssyncadd.s32 $0xFFFFF000  }
0x178: {  	[spmem:s3] =	stream.indirect.scatter.add.f32 [tilespmem:s25], [sflag:$0x9], $0x40, s26, s21, $0xb8;
	[tilespmem:$0x18400] =	vst v63  }
0x179: {  	_ =	swait.ge [sflag:s9], $0x1000  }
0x17a: {  	[sflag:s9] =	ssyncset.done $0x0  }
0x17b: {  	s26 =	simm.s32 $0x180;
	[sflag:s9] =	ssyncadd.s32 $0xFFFFF000  }
0x17c: {  	[tilespmem:s25], [sflag:$0x5] =	stream.indirect.gather [spmem:s2], $0x40, s26, s21, $0xb8;
	[tilespmem:$0x18400] =	vst v63  }
0x17d: {  	_ =	swait.ge [sflag:s11], $0x1000  }
0x17e: {  	[sflag:s11] =	ssyncset.done $0x0  }
0x17f: {  	s26 =	simm.s32 $0x4C0;
	[sflag:s11] =	ssyncadd.s32 $0xFFFFF000  }
0x180: {  	[spmem:s3] =	stream.indirect.scatter.add.f32 [tilespmem:s28], [sflag:$0xA], $0x40, s26, s21, $0xb8;
	[tilespmem:$0x18400] =	vst v63  }
0x181: {  	s16 =	sadd.s32 $0xA40, s16  }
0x182: {  	[tilespmem:s13], [sflag:$0x2] =	stream.linear.gather [hbm4b:s16+s4], $0x200, $0x38;
	[tilespmem:$0x18400] =	vst v63  }
0x183: {  	s15 =	sadd.s32 $0xA40, s15  }
0x184: {  	[tilespmem:s14], [sflag:$0x2] =	stream.linear.gather [hbm4b:s15+s4], $0x200, $0x38;
	[tilespmem:$0x18400] =	vst v63  }
0x185: {  	_ =	swait.ge [sflag:s18], $0x1000  }
0x186: {  	[sflag:s18] =	ssyncset.done $0x0  }
0x187: {  	s26 =	simm.s32 $0x1C0;
	[sflag:s18] =	ssyncadd.s32 $0xFFFFF000  }
0x188: {  	[tilespmem:s28], [sflag:$0x6] =	stream.indirect.gather [spmem:s2], $0x40, s26, s21, $0xb8;
	[tilespmem:$0x18400] =	vst v63  }
0x189: {  	_ =	swait.ge [sflag:s29], $0x1000  }
0x18a: {  	[sflag:s29] =	ssyncset.done $0x0  }
0x18b: {  	[sflag:s29] =	ssyncadd.s32 $0xFFFFF000  }
0x18c: {  	[spmem:s3] =	stream.indirect.scatter.add.f32 [tilespmem:s22], [sflag:$0x7], $0x40, s8, s21, $0xb8;
	[tilespmem:$0x18400] =	vst v63  }
0x18d: {  	_ =	swait.ge [sflag:s30], $0x1000  }
0x18e: {  	[sflag:s30] =	ssyncset.done $0x0  }
0x18f: {  	[sflag:s30] =	ssyncadd.s32 $0xFFFFF000  }
0x190: {  	_ =	swait.ge [sflag:s17], $0x200  }
0x191: {  	[sflag:s17] =	ssyncset.done $0x0  }
0x192: {  	[sflag:s17] =	ssyncadd.s32 $0xFFFFFE00  }
0x193: {  	_ =	swait.ge [sflag:s17], $0x200  }
0x194: {  	[sflag:s17] =	ssyncset.done $0x0  }
0x195: {  	[sflag:s17] =	ssyncadd.s32 $0xFFFFFE00  }
0x196: {  	[tilespmem:s22], [sflag:$0x3] =	stream.indirect.gather [spmem:s2], $0x40, s13, s21, $0xb8;
	[tilespmem:$0x18400] =	vst v63  }
0x197: {  	_ =	swait.ge [sflag:s0], $0x1000  }
0x198: {  	[sflag:s0] =	ssyncset.done $0x0  }
0x199: {  	[sflag:s0] =	ssyncadd.s32 $0xFFFFF000  }
0x19a: {  	[spmem:s3] =	stream.indirect.scatter.add.f32 [tilespmem:s23], [sflag:$0x8], $0x40, s10, s21, $0xb8;
	[tilespmem:$0x18400] =	vst v63  }
0x19b: {  	_ =	swait.ge [sflag:s5], $0x1000  }
0x19c: {  	[sflag:s5] =	ssyncset.done $0x0  }
0x19d: {  	[sflag:s5] =	ssyncadd.s32 $0xFFFFF000  }
0x19e: {  	[tilespmem:s23], [sflag:$0x4] =	stream.indirect.gather [spmem:s2], $0x40, s31, s21, $0xb8;
	[tilespmem:$0x18400] =	vst v63  }
0x19f: {  	_ =	swait.ge [sflag:s7], $0x1000  }
0x1a0: {  	[sflag:s7] =	ssyncset.done $0x0  }
0x1a1: {  	[sflag:s7] =	ssyncadd.s32 $0xFFFFF000  }
0x1a2: {  	[spmem:s3] =	stream.indirect.scatter.add.f32 [tilespmem:s25], [sflag:$0x9], $0x40, s1, s21, $0xb8;
	[tilespmem:$0x18400] =	vst v63  }
0x1a3: {  	_ =	swait.ge [sflag:s9], $0x1000  }
0x1a4: {  	p0 =	sne.s32 s12, $0xFFFFFF80;
	[sflag:s9] =	ssyncset.done $0x0  }
.Ltmp0:
0x1a5: {  	[sflag:s9] =	ssyncadd.s32 $0xFFFFF000;
	(pc) =	sbr.rel @p0 .LBB2_2-.Ltmp0, $4  }
0x1a6: {  	[tilespmem:s25], [sflag:$0x5] =	stream.indirect.gather [spmem:s2], $0x40, s6, s21, $0xb8;
	[tilespmem:$0x18400] =	vst v63  }
0x1a7: {  	_ =	swait.ge [sflag:s11], $0x1000  }
0x1a8: {  	[sflag:s11] =	ssyncset.done $0x0  }
0x1a9: {  	s12 =	sadd.s32 $0x80, s12;
	[sflag:s11] =	ssyncadd.s32 $0xFFFFF000  }
0x1aa: {  	s1 =	simm.s32 $0x5C0  }
0x1ab: {  	[spmem:s3] =	stream.indirect.scatter.add.f32 [tilespmem:s28], [sflag:$0xA], $0x40, s1, s21, $0xb8;
	[tilespmem:$0x18400] =	vst v63  }
0x1ac: {  	_ =	swait.ge [sflag:s18], $0x1000  }
0x1ad: {  	[sflag:s18] =	ssyncset.done $0x0  }
0x1ae: {  	s10 =	simm.s32 $0x2C0;
	[sflag:s18] =	ssyncadd.s32 $0xFFFFF000  }
0x1af: {  	[tilespmem:s28], [sflag:$0x6] =	stream.indirect.gather [spmem:s2], $0x40, s10, s21, $0xb8;
	[tilespmem:$0x18400] =	vst v63  }
0x1b0: {  	_ =	swait.ge [sflag:s29], $0x1000  }
0x1b1: {  	[sflag:s29] =	ssyncset.done $0x0  }
0x1b2: {  	[sflag:s29] =	ssyncadd.s32 $0xFFFFF000  }
0x1b3: {  	[spmem:s3] =	stream.indirect.scatter.add.f32 [tilespmem:s22], [sflag:$0x7], $0x40, s14, s21, $0xb8;
	[tilespmem:$0x18400] =	vst v63  }
0x1b4: {  	_ =	swait.ge [sflag:s30], $0x1000  }
0x1b5: {  	[sflag:s30] =	ssyncset.done $0x0  }
0x1b6: {  	s12 =	simm.s32 $0x300;
	[sflag:s30] =	ssyncadd.s32 $0xFFFFF000  }
0x1b7: {  	[tilespmem:s22], [sflag:$0x3] =	stream.indirect.gather [spmem:s2], $0x40, s12, s21, $0xb8;
	[tilespmem:$0x18400] =	vst v63  }
0x1b8: {  	_ =	swait.ge [sflag:s0], $0x1000  }
0x1b9: {  	[sflag:s0] =	ssyncset.done $0x0  }
0x1ba: {  	s15 =	simm.s32 $0x640;
	[sflag:s0] =	ssyncadd.s32 $0xFFFFF000  }
0x1bb: {  	[spmem:s3] =	stream.indirect.scatter.add.f32 [tilespmem:s23], [sflag:$0x8], $0x40, s15, s21, $0xb8;
	[tilespmem:$0x18400] =	vst v63  }
0x1bc: {  	_ =	swait.ge [sflag:s5], $0x1000  }
0x1bd: {  	[sflag:s5] =	ssyncset.done $0x0  }
0x1be: {  	s16 =	simm.s32 $0x340;
	[sflag:s5] =	ssyncadd.s32 $0xFFFFF000  }
0x1bf: {  	[tilespmem:s23], [sflag:$0x4] =	stream.indirect.gather [spmem:s2], $0x40, s16, s21, $0xb8;
	[tilespmem:$0x18400] =	vst v63  }
0x1c0: {  	_ =	swait.ge [sflag:s7], $0x1000  }
0x1c1: {  	[sflag:s7] =	ssyncset.done $0x0  }
0x1c2: {  	s24 =	simm.s32 $0x680;
	[sflag:s7] =	ssyncadd.s32 $0xFFFFF000  }
0x1c3: {  	[spmem:s3] =	stream.indirect.scatter.add.f32 [tilespmem:s25], [sflag:$0x9], $0x40, s24, s21, $0xb8;
	[tilespmem:$0x18400] =	vst v63  }
0x1c4: {  	_ =	swait.ge [sflag:s9], $0x1000  }
0x1c5: {  	[sflag:s9] =	ssyncset.done $0x0  }
0x1c6: {  	s26 =	simm.s32 $0x380;
	[sflag:s9] =	ssyncadd.s32 $0xFFFFF000  }
0x1c7: {  	[tilespmem:s25], [sflag:$0x5] =	stream.indirect.gather [spmem:s2], $0x40, s26, s21, $0xb8;
	[tilespmem:$0x18400] =	vst v63  }
0x1c8: {  	_ =	swait.ge [sflag:s11], $0x1000  }
0x1c9: {  	[sflag:s11] =	ssyncset.done $0x0  }
0x1ca: {  	s31 =	simm.s32 $0x6C0;
	[sflag:s11] =	ssyncadd.s32 $0xFFFFF000  }
0x1cb: {  	[spmem:s3] =	stream.indirect.scatter.add.f32 [tilespmem:s28], [sflag:$0xA], $0x40, s31, s21, $0xb8;
	[tilespmem:$0x18400] =	vst v63  }
0x1cc: {  	_ =	swait.ge [sflag:s18], $0x1000  }
0x1cd: {  	[sflag:s18] =	ssyncset.done $0x0  }
0x1ce: {  	s6 =	simm.s32 $0x3C0;
	[sflag:s18] =	ssyncadd.s32 $0xFFFFF000  }
0x1cf: {  	[tilespmem:s28], [sflag:$0x6] =	stream.indirect.gather [spmem:s2], $0x40, s6, s21, $0xb8;
	[tilespmem:$0x18400] =	vst v63  }
0x1d0: {  	_ =	swait.ge [sflag:s29], $0x1000  }
0x1d1: {  	[sflag:s29] =	ssyncset.done $0x0  }
0x1d2: {  	s8 =	simm.s32 $0x700;
	[sflag:s29] =	ssyncadd.s32 $0xFFFFF000  }
0x1d3: {  	[spmem:s3] =	stream.indirect.scatter.add.f32 [tilespmem:s22], [sflag:$0x7], $0x40, s8, s21, $0xb8;
	[tilespmem:$0x18400] =	vst v63  }
0x1d4: {  	_ =	swait.ge [sflag:s30], $0x1000  }
0x1d5: {  	[sflag:s30] =	ssyncset.done $0x0  }
0x1d6: {  	[sflag:s30] =	ssyncadd.s32 $0xFFFFF000  }
0x1d7: {  	_ =	swait.ge [sflag:s0], $0x1000  }
0x1d8: {  	[sflag:s0] =	ssyncset.done $0x0  }
0x1d9: {  	s10 =	simm.s32 $0x740;
	[sflag:s0] =	ssyncadd.s32 $0xFFFFF000  }
0x1da: {  	[spmem:s3] =	stream.indirect.scatter.add.f32 [tilespmem:s23], [sflag:$0x8], $0x40, s10, s21, $0xb8;
	[tilespmem:$0x18400] =	vst v63  }
0x1db: {  	_ =	swait.ge [sflag:s5], $0x1000  }
0x1dc: {  	[sflag:s5] =	ssyncset.done $0x0  }
0x1dd: {  	[sflag:s5] =	ssyncadd.s32 $0xFFFFF000  }
0x1de: {  	_ =	swait.ge [sflag:s7], $0x1000  }
0x1df: {  	[sflag:s7] =	ssyncset.done $0x0  }
0x1e0: {  	s12 =	simm.s32 $0x780;
	[sflag:s7] =	ssyncadd.s32 $0xFFFFF000  }
0x1e1: {  	[spmem:s3] =	stream.indirect.scatter.add.f32 [tilespmem:s25], [sflag:$0x9], $0x40, s12, s21, $0xb8;
	[tilespmem:$0x18400] =	vst v63  }
0x1e2: {  	_ =	swait.ge [sflag:s9], $0x1000  }
0x1e3: {  	[sflag:s9] =	ssyncset.done $0x0  }
0x1e4: {  	[sflag:s9] =	ssyncadd.s32 $0xFFFFF000  }
0x1e5: {  	_ =	swait.ge [sflag:s11], $0x1000  }
0x1e6: {  	[sflag:s11] =	ssyncset.done $0x0  }
0x1e7: {  	s15 =	simm.s32 $0x7C0;
	[sflag:s11] =	ssyncadd.s32 $0xFFFFF000  }
0x1e8: {  	[spmem:s3] =	stream.indirect.scatter.add.f32 [tilespmem:s28], [sflag:$0xA], $0x40, s15, s21, $0xb8;
	[tilespmem:$0x18400] =	vst v63  }
0x1e9: {  	_ =	swait.ge [sflag:s18], $0x1000  }
0x1ea: {  	[sflag:s18] =	ssyncset.done $0x0  }
0x1eb: {  	[sflag:s18] =	ssyncadd.s32 $0xFFFFF000  }
0x1ec: {  	[bflag:$0x0] =	sbarrier.arrive $0xFFFF  }
0x1ed: {  	s12 =	rddreg [dreg:$0xf]  }
0x1ee: {  	s24 =	rddreg [dreg:$0x11]  }
0x1ef: {  	s15 =	simm.s32 $0xC;
	s26 =	rddreg [dreg:$0x12]  }
0x1f0: {  	[hbm:s12], [sflag:s24] =	dma.local [spmem:s26], $0x13C0  }
0x1f1: {  	_ =	swait.ge [sflag:s15], $0x13C0  }
0x1f2: {  	s16 =	rddreg [dreg:$0x13]  }
0x1f3: {  	s31 =	rddreg [dreg:$0xc];
	s1 =	sadd.s32 $0x1, s16  }
0x1f4: {  	p0 =	sne.s32 s1, s31  }
.Ltmp1:
0x1f5: {  	_ = 	snop;
	(pc) =	sbr.rel @p0 .LBB2_1-.Ltmp1, $3  }
0x1f6: {  	_ =	sdelay $0x1  }
0x1f7: {  	[sflag:s15] =	ssyncset.done $0x0  }
0x1f8: {  	[sflag:s15] =	ssyncadd.s32 $0xFFFFEC40  }
0x1f9: {  	_ =	sfence.sel $0x180000  }
0x1fa: {  	[bflag:$0x0] =	sbarrier.arrive $0xFFFF  }
0x1fb: {  	_ =	strace $0x90000047  }
0x1fc: {  	s0 =	stileid.u32;
	[bflag:$0x2] =	sbarrier.arrive $0xFFFF  }
0x1fd: {  	p0 =	sne.s32 s0, $0x0;
	s0 =	rddreg [dreg:$0x4]  }
0x1fe: {  	s0 =	sadd.s32 @!p0 $0x100000, s0  }
0x1ff: {  	[sflag:s0] =	ssyncadd.tile.s32 @!p0 $0x1;
	_ =	shalt  }
.Lfunc_end2:
_tile_overlayer_lowered:
.L_overlay_start_2:
0x200: {  	(tag) =	ssettag $0x2  }
0x201: {  	s0 =	rddreg [dreg:$0x0];
	s2 =	stileid.u32  }
0x202: {  	s1 =	rddreg [dreg:$0x1];
	p0 =	sne.s32 s2, $0x0  }
0x203: {  	s3 =	rddreg [dreg:$0x2];
	[bflag:$0x3] =	sbarrier.arrive $0xFFFF;
	s2 =	simm.s32 @!p0 $0x1C0C  }
0x204: {  	[timem:s3], [sflag:s2] =	dma.local @!p0 [hbm:s0], s1  }
0x205: {  	s0 =	simm.s32 @!p0 $0xC  }
0x206: {  	_ =	swait.ge @!p0 [sflag:s0], s1  }
0x207: {  	s1 =	ssub.s32 @!p0 $0x0, s1;
	[sflag:s0] =	ssyncset.done @!p0 $0x0  }
0x208: {  	[sflag:s0] =	ssyncadd.s32 @!p0 s1  }
0x209: {  	[bflag:$0x3] =	sbarrier.arrive $0xFFFF  }
0x20a: {  	_ =	shalt  }

</sc_bundles>
